<compile_context>
chip_gen: v7x
topology: tpu7x:2x2x1
jax: 0.10.2.dev20260603
libtpu: 0.0.44.dev20260713+nightly
codegen_flags: <defaults>
</compile_context>

<pallas_src>
import functools

import jax
import jax.numpy as jnp
import numpy as np
from jax import lax
from jax.experimental import pallas as pl
from jax.experimental.pallas import tpu as pltpu
from jax.experimental.pallas import tpu_sc as plsc

KERNEL = 15
PAD = 10
RES = 128
PIMG = RES + 2 * PAD
L = RES + 2 * PAD - KERNEL + 1
NKEYS = 16384
DPAD = 256

QT = 2048
KT = 512
NQ = 11
NK = NKEYS // KT
NQPAD = NQ * QT

NW = 32
BPW = NQPAD // NW
CH = 64
NCH = BPW // CH

ACC_R = 176
ACC_C = 160


def _argmin_body(qt_ref, k_ref, out_ref, best_ref, bidx_ref):
    ki = pl.program_id(1)
    qt = qt_ref[...]
    kt = k_ref[...]
    v = lax.dot_general(qt, kt, (((0,), (1,)), ((), ())),
                        preferred_element_type=jnp.float32)
    m = jnp.max(v, axis=1, keepdims=True)
    jj = lax.broadcasted_iota(jnp.int32, (QT, KT), 1)
    cand = jnp.where(v == m, jj, jnp.int32(2**30))
    ji = jnp.min(cand, axis=1, keepdims=True) + ki * KT

    @pl.when(ki == 0)
    def _():
        best_ref[...] = jnp.full((QT, 1), -jnp.inf, jnp.float32)
        bidx_ref[...] = jnp.zeros((QT, 1), jnp.int32)

    better = m > best_ref[...]
    best_ref[...] = jnp.where(better, m, best_ref[...])
    bidx_ref[...] = jnp.where(better, ji, bidx_ref[...])

    @pl.when(ki == NK - 1)
    def _():
        out_ref[...] = bidx_ref[...].reshape(1, 1, QT)


_argmin_call = pl.pallas_call(
    _argmin_body,
    grid=(NQ, NK),
    in_specs=[
        pl.BlockSpec((DPAD, QT), lambda qi, ki: (0, qi)),
        pl.BlockSpec((KT, DPAD), lambda qi, ki: (ki, 0)),
    ],
    out_specs=pl.BlockSpec((1, 1, QT), lambda qi, ki: (qi, 0, 0)),
    out_shape=jax.ShapeDtypeStruct((NQ, 1, QT), jnp.int32),
    scratch_shapes=[
        pltpu.VMEM((QT, 1), jnp.float32),
        pltpu.VMEM((QT, 1), jnp.int32),
    ],
    compiler_params=pltpu.CompilerParams(
        dimension_semantics=("parallel", "arbitrary"),
        fuse_transposed_lhs_in_matmul=True),
)


def _sc_gather_fold_body(keys_hbm, idx_hbm, out_hbm, idx_v, rows_v, acc_v, sem):
    c = lax.axis_index("c")
    s = lax.axis_index("s")
    wid = s * 2 + c
    base = wid * BPW
    pltpu.sync_copy(idx_hbm.at[pl.ds(base, BPW)], idx_v)

    zero16 = jnp.zeros((16,), jnp.float32)

    @plsc.parallel_loop(0, ACC_R, unroll=4)
    def _zrow(r):
        for t in range(ACC_C // 16):
            acc_v[r, pl.ds(16 * t, 16)] = zero16

    lane = lax.iota(jnp.int32, 16)
    st_r = []
    st_c = []
    for t in range(16):
        k = lane + 16 * t
        i = k // 15
        j = k - i * 15
        valid = k < 225
        st_r.append(jnp.where(valid, i, 0))
        st_c.append(jnp.where(valid, j, 0))

    r0 = base // PIMG
    c0 = base - r0 * PIMG

    def chunk_body(ch, rc):
        r0c, c0c = rc
        copy = pltpu.async_copy(
            keys_hbm.at[idx_v.at[pl.ds(ch * CH, CH)]], rows_v, sem)
        copy.wait()

        @plsc.parallel_loop(0, CH, unroll=4)
        def _patch(l):
            l2 = (l & 3) * 16 + (l >> 2)
            c1 = c0c + l2
            ovf = (c1 >= PIMG).astype(jnp.int32)
            r = r0c + ovf
            cc = c1 - PIMG * ovf
            pvalid = jnp.logical_and(r < L, cc < L)
            rr = jnp.where(pvalid, r, 148)
            cb = jnp.where(pvalid, cc, 0)
            for t in range(16):
                vals = rows_v[l2, pl.ds(16 * t, 16)]
                plsc.addupdate_scatter(
                    acc_v, [st_r[t] + rr, st_c[t] + cb], vals)

        c2 = c0c + CH
        ovf2 = (c2 >= PIMG).astype(jnp.int32)
        return (r0c + ovf2, c2 - PIMG * ovf2)

    lax.fori_loop(0, NCH, chunk_body, (r0, c0))
    pltpu.sync_copy(acc_v, out_hbm.at[wid])


@functools.cache
def _sc_gather_fold():
    return pl.kernel(
        _sc_gather_fold_body,
        out_type=jax.ShapeDtypeStruct((NW, ACC_R, ACC_C), jnp.float32),
        mesh=plsc.VectorSubcoreMesh(core_axis_name="c", subcore_axis_name="s"),
        compiler_params=pltpu.CompilerParams(needs_layout_passes=False),
        scratch_types=[
            pltpu.VMEM((BPW,), jnp.int32),
            pltpu.VMEM((CH, DPAD), jnp.float32),
            pltpu.VMEM((ACC_R, ACC_C), jnp.float32),
            pltpu.SemaphoreType.DMA,
        ],
    )


def _epilogue_body(acc_ref, s_ref, out_ref):
    f = jnp.sum(acc_ref[...], axis=0)
    f = f[PAD:PAD + RES, PAD:PAD + RES]
    sel = s_ref[...]
    r1 = lax.dot_general(sel, f, (((1,), (0,)), ((), ())),
                         precision=lax.Precision.HIGHEST,
                         preferred_element_type=jnp.float32)
    r2 = lax.dot_general(r1, sel, (((1,), (1,)), ((), ())),
                         precision=lax.Precision.HIGHEST,
                         preferred_element_type=jnp.float32)
    out_ref[...] = r2 / jnp.max(r2)


_epilogue_call = pl.pallas_call(
    _epilogue_body,
    in_specs=[
        pl.BlockSpec((NW, ACC_R, ACC_C), lambda: (0, 0, 0)),
        pl.BlockSpec((64, RES), lambda: (0, 0)),
    ],
    out_specs=pl.BlockSpec((64, 64), lambda: (0, 0)),
    out_shape=jax.ShapeDtypeStruct((64, 64), jnp.float32),
)

_SEL = np.zeros((64, RES), np.float32)
_SEL[np.arange(64), np.floor((np.arange(64) + 0.5) * 2.0).astype(np.int64)] = 1.0


def kernel(image, keys):
    img = jax.image.resize(image, (RES, RES), method='nearest')
    flat = jnp.pad(img, PAD).reshape(-1)
    flat = jnp.pad(flat, (0, NQPAD + (KERNEL - 1) * (PIMG + 1) - flat.shape[0]))
    ones = jnp.ones((NQPAD,), jnp.float32)
    qt = jnp.stack(
        [lax.dynamic_slice(flat, (i * PIMG + j,), (NQPAD,))
         for i in range(KERNEL) for j in range(KERNEL)]
        + [ones, ones], axis=0)
    qt = jnp.pad(qt, ((0, DPAD - KERNEL * KERNEL - 2), (0, 0)))
    keys_p = jnp.pad(keys, ((0, 0), (0, DPAD - KERNEL * KERNEL)))
    ksq_col = -0.5 * jnp.sum(keys * keys, axis=1)
    hi = ksq_col.astype(jnp.bfloat16).astype(jnp.float32)
    lo = ksq_col - hi
    keys_aug = keys_p.at[:, KERNEL * KERNEL].set(hi)
    keys_aug = keys_aug.at[:, KERNEL * KERNEL + 1].set(lo)

    idx = _argmin_call(qt, keys_aug).reshape(-1)
    acc = _sc_gather_fold()(keys_p, idx)
    return _epilogue_call(acc, jnp.asarray(_SEL))

# --- scband reference (transcript-rebuilt; emitter-appended) ---
"""Pipeline reference for scband-neural-mem-16157666968040 (READ-ONLY COPY).

The authoritative reference and input builder live on the scoring server;
editing this copy changes nothing except your own understanding.
"""

import jax, jax.numpy as jnp
import numpy as np

KERNEL = 15
PAD = 10
RES = 128
OUT_HW = (64, 64)
NUM_KEYS = 16384
PATCH_DIM = KERNEL * KERNEL  # 225


def setup_inputs(seed: int = 0) -> dict:
    key = jax.random.key(seed)
    k1, k2 = jax.random.split(key)
    image = jax.random.uniform(k1, (224, 224), dtype=jnp.float32)
    keys = jax.random.normal(k2, (NUM_KEYS, PATCH_DIM), dtype=jnp.float32)
    return {"image": image, "keys": keys}


def _unfold(img):
    # img: [RES, RES] -> [L*L, 225], matching torch F.unfold(kernel=15, stride=1, pad=10) for C=1
    padded = jnp.pad(img, PAD)
    L = RES + 2 * PAD - KERNEL + 1  # 134
    patches = jnp.stack(
        [padded[i:i + L, j:j + L] for i in range(KERNEL) for j in range(KERNEL)],
        axis=0,
    )  # [225, L, L]
    return patches.reshape(KERNEL * KERNEL, L * L).T  # [L*L, 225]


def _fold(vals):
    # vals: [L*L, 225] -> [RES, RES] via overlap-add (torch F.fold inverse of the unfold above)
    L = RES + 2 * PAD - KERNEL + 1
    maps = vals.T.reshape(KERNEL * KERNEL, L, L)
    acc = jnp.zeros((RES + 2 * PAD, RES + 2 * PAD), dtype=vals.dtype)
    for p in range(KERNEL * KERNEL):
        i, j = p // KERNEL, p % KERNEL
        acc = acc.at[i:i + L, j:j + L].add(maps[p])
    return acc[PAD:PAD + RES, PAD:PAD + RES]


def _nn_reconstruct(q, keys, chunk=2048):
    # exact L2 1-NN search + reconstruct (faiss search_and_reconstruct(k=1) equivalent)
    k_sq = jnp.sum(keys * keys, axis=1)
    outs = []
    n = q.shape[0]
    for s in range(0, n, chunk):
        qc = q[s:s + chunk]
        d = jnp.sum(qc * qc, axis=1, keepdims=True) - 2.0 * (qc @ keys.T) + k_sq[None, :]
        idx = jnp.argmin(d, axis=1)
        outs.append(jnp.take(keys, idx, axis=0))
    return jnp.concatenate(outs, axis=0)


def reference(image, keys):
    # interpolate to 128x128 (torch default mode = 'nearest')
    img = jax.image.resize(image, (RES, RES), method='nearest')
    unfolded = _unfold(img)                 # [17956, 225]
    recon = _nn_reconstruct(unfolded, keys)  # [17956, 225]
    folded = _fold(recon)                    # [128, 128]
    out = jax.image.resize(folded, OUT_HW, method='nearest')
    out = out / jnp.max(out)
    return out

if __name__ == "__main__":
    import jax
    _d = setup_inputs()
    print(jax.jit(kernel)(*tuple(_d.values())))

</pallas_src>

<mosaic_0001>
#map = affine_map<(d0, d1) -> (0, 0)>
#map1 = affine_map<(d0, d1) -> (0)>
#map2 = affine_map<(d0, d1) -> (0, 0, 0)>
module attributes {stable_mosaic.version = 14 : i64} {
  func.func @_sc_gather_fold_body(%arg0: i32, %arg1: i32, %arg2: memref<16384x256xf32, #tpu.memory_space<hbm>>, %arg3: memref<22528xi32, #tpu.memory_space<hbm>>, %arg4: memref<32x176x160xf32, #tpu.memory_space<hbm>>, %arg5: memref<704xi32, #tpu.memory_space<vmem>>, %arg6: memref<64x256xf32, #tpu.memory_space<vmem>>, %arg7: memref<176x160xf32, #tpu.memory_space<vmem>>, %arg8: memref<!tpu.dma_semaphore, #tpu.memory_space<semaphore_mem>>) attributes {dimension_semantics = [#tpu.dimension_semantics<core_parallel>, #tpu.dimension_semantics<subcore_parallel>], iteration_bounds = array<i64: 2, 16>, scalar_prefetch = 0 : i64, scratch_operands = 4 : i64, tpu.core_type = #tpu.core_type<sc_vector_subcore>, window_params = [{transform_indices = #map}, {transform_indices = #map1}, {transform_indices = #map2}]} {
    %mul3A = arith.constant 2 : i32
    %mul3A_0 = arith.muli %arg1, %mul3A : i32
    %add3A = arith.addi %mul3A_0, %arg0 : i32
    %mul3A_1 = arith.constant 704 : i32
    %mul3A_2 = arith.muli %add3A, %mul3A_1 : i32
    "tpu.region"() ({
      %run_scoped3A = tpu.sem_alloc : memref<!tpu.dma_semaphore, #tpu.memory_space<semaphore_mem>>
      %dma_start3A = tpu.memref_slice %arg3[%mul3A_2] : memref<22528xi32, #tpu.memory_space<hbm>> -> memref<704xi32, #tpu.memory_space<hbm>>
      %dma_start3A_781 = tpu.memref_slice %arg3[%mul3A_2] : memref<22528xi32, #tpu.memory_space<hbm>> -> memref<704xi32, #tpu.memory_space<hbm>>
      tpu.enqueue_dma source(%dma_start3A_781 : memref<704xi32, #tpu.memory_space<hbm>>) target(%arg5 : memref<704xi32, #tpu.memory_space<vmem>>) target_semaphore(%run_scoped3A : memref<!tpu.dma_semaphore, #tpu.memory_space<semaphore_mem>>)
      %dma_wait3A = tpu.memref_slice %arg3[%mul3A_2] : memref<22528xi32, #tpu.memory_space<hbm>> -> memref<704xi32, #tpu.memory_space<hbm>>
      %dma_wait3A_782 = tpu.memref_slice %arg3[%mul3A_2] : memref<22528xi32, #tpu.memory_space<hbm>> -> memref<704xi32, #tpu.memory_space<hbm>>
      tpu.wait_dma2 semaphore(%run_scoped3A : memref<!tpu.dma_semaphore, #tpu.memory_space<semaphore_mem>>) src(%dma_wait3A_782 : memref<704xi32, #tpu.memory_space<hbm>>) dst(%arg5 : memref<704xi32, #tpu.memory_space<vmem>>)
      tpu.yield
    }) : () -> ()
    %broadcast_in_dim3A = arith.constant 0.000000e+00 : f32
    %broadcast_in_dim3A_3 = vector.broadcast %broadcast_in_dim3A : f32 to vector<16xf32>
    %parallel_loop3A = arith.constant 0 : i32
    %parallel_loop3A_4 = arith.constant 176 : i32
    %parallel_loop3A_5 = arith.constant 1 : i32
    scf.for %parallel_loop3A_781 = %parallel_loop3A to %parallel_loop3A_4 step %parallel_loop3A_5  : i32 {
      %parallel_loop3A_782 = arith.index_cast %parallel_loop3A_781 : i32 to index
      %parallel_loop3A_783 = arith.constant 0 : index
      %parallel_loop3A_784 = tpu.vector_load %arg7[%parallel_loop3A_782, %parallel_loop3A_783] {strides = array<i32>} : memref<176x160xf32, #tpu.memory_space<vmem>>, vector<16xf32>,
      tpu.vector_store %arg7[%parallel_loop3A_782, %parallel_loop3A_783], %broadcast_in_dim3A_3 {strides = array<i32>} : memref<176x160xf32, #tpu.memory_space<vmem>>, vector<16xf32>,
      %parallel_loop3A_785 = arith.index_cast %parallel_loop3A_781 : i32 to index
      %parallel_loop3A_786 = arith.constant 16 : index
      %parallel_loop3A_787 = tpu.vector_load %arg7[%parallel_loop3A_785, %parallel_loop3A_786] {strides = array<i32>} : memref<176x160xf32, #tpu.memory_space<vmem>>, vector<16xf32>,
      tpu.vector_store %arg7[%parallel_loop3A_785, %parallel_loop3A_786], %broadcast_in_dim3A_3 {strides = array<i32>} : memref<176x160xf32, #tpu.memory_space<vmem>>, vector<16xf32>,
      %parallel_loop3A_788 = arith.index_cast %parallel_loop3A_781 : i32 to index
      %parallel_loop3A_789 = arith.constant 32 : index
      %parallel_loop3A_790 = tpu.vector_load %arg7[%parallel_loop3A_788, %parallel_loop3A_789] {strides = array<i32>} : memref<176x160xf32, #tpu.memory_space<vmem>>, vector<16xf32>,
      tpu.vector_store %arg7[%parallel_loop3A_788, %parallel_loop3A_789], %broadcast_in_dim3A_3 {strides = array<i32>} : memref<176x160xf32, #tpu.memory_space<vmem>>, vector<16xf32>,
      %parallel_loop3A_791 = arith.index_cast %parallel_loop3A_781 : i32 to index
      %parallel_loop3A_792 = arith.constant 48 : index
      %parallel_loop3A_793 = tpu.vector_load %arg7[%parallel_loop3A_791, %parallel_loop3A_792] {strides = array<i32>} : memref<176x160xf32, #tpu.memory_space<vmem>>, vector<16xf32>,
      tpu.vector_store %arg7[%parallel_loop3A_791, %parallel_loop3A_792], %broadcast_in_dim3A_3 {strides = array<i32>} : memref<176x160xf32, #tpu.memory_space<vmem>>, vector<16xf32>,
      %parallel_loop3A_794 = arith.index_cast %parallel_loop3A_781 : i32 to index
      %parallel_loop3A_795 = arith.constant 64 : index
      %parallel_loop3A_796 = tpu.vector_load %arg7[%parallel_loop3A_794, %parallel_loop3A_795] {strides = array<i32>} : memref<176x160xf32, #tpu.memory_space<vmem>>, vector<16xf32>,
      tpu.vector_store %arg7[%parallel_loop3A_794, %parallel_loop3A_795], %broadcast_in_dim3A_3 {strides = array<i32>} : memref<176x160xf32, #tpu.memory_space<vmem>>, vector<16xf32>,
      %parallel_loop3A_797 = arith.index_cast %parallel_loop3A_781 : i32 to index
      %parallel_loop3A_798 = arith.constant 80 : index
      %parallel_loop3A_799 = tpu.vector_load %arg7[%parallel_loop3A_797, %parallel_loop3A_798] {strides = array<i32>} : memref<176x160xf32, #tpu.memory_space<vmem>>, vector<16xf32>,
      tpu.vector_store %arg7[%parallel_loop3A_797, %parallel_loop3A_798], %broadcast_in_dim3A_3 {strides = array<i32>} : memref<176x160xf32, #tpu.memory_space<vmem>>, vector<16xf32>,
      %parallel_loop3A_800 = arith.index_cast %parallel_loop3A_781 : i32 to index
      %parallel_loop3A_801 = arith.constant 96 : index
      %parallel_loop3A_802 = tpu.vector_load %arg7[%parallel_loop3A_800, %parallel_loop3A_801] {strides = array<i32>} : memref<176x160xf32, #tpu.memory_space<vmem>>, vector<16xf32>,
      tpu.vector_store %arg7[%parallel_loop3A_800, %parallel_loop3A_801], %broadcast_in_dim3A_3 {strides = array<i32>} : memref<176x160xf32, #tpu.memory_space<vmem>>, vector<16xf32>,
      %parallel_loop3A_803 = arith.index_cast %parallel_loop3A_781 : i32 to index
      %parallel_loop3A_804 = arith.constant 112 : index
      %parallel_loop3A_805 = tpu.vector_load %arg7[%parallel_loop3A_803, %parallel_loop3A_804] {strides = array<i32>} : memref<176x160xf32, #tpu.memory_space<vmem>>, vector<16xf32>,
      tpu.vector_store %arg7[%parallel_loop3A_803, %parallel_loop3A_804], %broadcast_in_dim3A_3 {strides = array<i32>} : memref<176x160xf32, #tpu.memory_space<vmem>>, vector<16xf32>,
      %parallel_loop3A_806 = arith.index_cast %parallel_loop3A_781 : i32 to index
      %parallel_loop3A_807 = arith.constant 128 : index
      %parallel_loop3A_808 = tpu.vector_load %arg7[%parallel_loop3A_806, %parallel_loop3A_807] {strides = array<i32>} : memref<176x160xf32, #tpu.memory_space<vmem>>, vector<16xf32>,
      tpu.vector_store %arg7[%parallel_loop3A_806, %parallel_loop3A_807], %broadcast_in_dim3A_3 {strides = array<i32>} : memref<176x160xf32, #tpu.memory_space<vmem>>, vector<16xf32>,
      %parallel_loop3A_809 = arith.index_cast %parallel_loop3A_781 : i32 to index
      %parallel_loop3A_810 = arith.constant 144 : index
      %parallel_loop3A_811 = tpu.vector_load %arg7[%parallel_loop3A_809, %parallel_loop3A_810] {strides = array<i32>} : memref<176x160xf32, #tpu.memory_space<vmem>>, vector<16xf32>,
      tpu.vector_store %arg7[%parallel_loop3A_809, %parallel_loop3A_810], %broadcast_in_dim3A_3 {strides = array<i32>} : memref<176x160xf32, #tpu.memory_space<vmem>>, vector<16xf32>,
    } {sc.loop_unroll_factor = 4 : i64, sc.parallel_access}
    %iota3A = tpu.iota {dimensions = array<i32: 0>} : vector<16xi32>
    %add3A_6 = arith.constant 0 : i32
    %add3A_7 = vector.broadcast %add3A_6 : i32 to vector<16xi32>
    %add3A_8 = arith.addi %iota3A, %add3A_7 : vector<16xi32>
    %jit3A = arith.constant 15 : i32
    %div3A = vector.broadcast %jit3A : i32 to vector<16xi32>
    %div3A_9 = arith.divsi %add3A_8, %div3A : vector<16xi32>
    %sign3A = arith.constant 0 : i32
    %sign3A_10 = vector.broadcast %sign3A : i32 to vector<16xi32>
    %sign3A_11 = arith.cmpi sgt, %add3A_8, %sign3A_10 : vector<16xi32>
    %sign3A_12 = arith.extui %sign3A_11 : vector<16xi1> to vector<16xi32>
    %sign3A_13 = arith.constant 0 : i32
    %sign3A_14 = vector.broadcast %sign3A_13 : i32 to vector<16xi32>
    %sign3A_15 = arith.cmpi slt, %add3A_8, %sign3A_14 : vector<16xi32>
    %sign3A_16 = arith.extui %sign3A_15 : vector<16xi1> to vector<16xi32>
    %sign3A_17 = arith.subi %sign3A_12, %sign3A_16 : vector<16xi32>
    %sign3A_18 = arith.constant 0 : i32
    %sign3A_19 = arith.cmpi sgt, %jit3A, %sign3A_18 : i32
    %sign3A_20 = arith.extui %sign3A_19 : i1 to i32
    %sign3A_21 = arith.constant 0 : i32
    %sign3A_22 = arith.cmpi slt, %jit3A, %sign3A_21 : i32
    %sign3A_23 = arith.extui %sign3A_22 : i1 to i32
    %sign3A_24 = arith.subi %sign3A_20, %sign3A_23 : i32
    %ne3A = vector.broadcast %sign3A_24 : i32 to vector<16xi32>
    %ne3A_25 = arith.cmpi ne, %sign3A_17, %ne3A : vector<16xi32>
    %rem3A = vector.broadcast %jit3A : i32 to vector<16xi32>
    %rem3A_26 = arith.remsi %add3A_8, %rem3A : vector<16xi32>
    %ne3A_27 = arith.constant 0 : i32
    %ne3A_28 = vector.broadcast %ne3A_27 : i32 to vector<16xi32>
    %ne3A_29 = arith.cmpi ne, %rem3A_26, %ne3A_28 : vector<16xi32>
    %and3A = arith.andi %ne3A_25, %ne3A_29 : vector<16xi1>
    %sub3A = arith.constant 1 : i32
    %sub3A_30 = vector.broadcast %sub3A : i32 to vector<16xi32>
    %sub3A_31 = arith.subi %div3A_9, %sub3A_30 : vector<16xi32>
    %select_n3A = arith.select %and3A, %sub3A_31, %div3A_9 : vector<16xi1>, vector<16xi32>
    %mul3A_32 = arith.constant 15 : i32
    %mul3A_33 = vector.broadcast %mul3A_32 : i32 to vector<16xi32>
    %mul3A_34 = arith.muli %select_n3A, %mul3A_33 : vector<16xi32>
    %sub3A_35 = arith.subi %add3A_8, %mul3A_34 : vector<16xi32>
    %lt3A = arith.constant 225 : i32
    %lt3A_36 = vector.broadcast %lt3A : i32 to vector<16xi32>
    %lt3A_37 = arith.cmpi slt, %add3A_8, %lt3A_36 : vector<16xi32>
    %jit3A_38 = arith.constant 0 : i32
    %broadcast_in_dim3A_39 = vector.broadcast %jit3A_38 : i32 to vector<16xi32>
    %select_n3A_40 = arith.select %lt3A_37, %select_n3A, %broadcast_in_dim3A_39 : vector<16xi1>, vector<16xi32>
    %jit3A_41 = arith.constant 0 : i32
    %broadcast_in_dim3A_42 = vector.broadcast %jit3A_41 : i32 to vector<16xi32>
    %select_n3A_43 = arith.select %lt3A_37, %sub3A_35, %broadcast_in_dim3A_42 : vector<16xi1>, vector<16xi32>
    %add3A_44 = arith.constant 16 : i32
    %add3A_45 = vector.broadcast %add3A_44 : i32 to vector<16xi32>
    %add3A_46 = arith.addi %iota3A, %add3A_45 : vector<16xi32>
    %jit3A_47 = arith.constant 15 : i32
    %div3A_48 = vector.broadcast %jit3A_47 : i32 to vector<16xi32>
    %div3A_49 = arith.divsi %add3A_46, %div3A_48 : vector<16xi32>
    %sign3A_50 = arith.constant 0 : i32
    %sign3A_51 = vector.broadcast %sign3A_50 : i32 to vector<16xi32>
    %sign3A_52 = arith.cmpi sgt, %add3A_46, %sign3A_51 : vector<16xi32>
    %sign3A_53 = arith.extui %sign3A_52 : vector<16xi1> to vector<16xi32>
    %sign3A_54 = arith.constant 0 : i32
    %sign3A_55 = vector.broadcast %sign3A_54 : i32 to vector<16xi32>
    %sign3A_56 = arith.cmpi slt, %add3A_46, %sign3A_55 : vector<16xi32>
    %sign3A_57 = arith.extui %sign3A_56 : vector<16xi1> to vector<16xi32>
    %sign3A_58 = arith.subi %sign3A_53, %sign3A_57 : vector<16xi32>
    %sign3A_59 = arith.constant 0 : i32
    %sign3A_60 = arith.cmpi sgt, %jit3A_47, %sign3A_59 : i32
    %sign3A_61 = arith.extui %sign3A_60 : i1 to i32
    %sign3A_62 = arith.constant 0 : i32
    %sign3A_63 = arith.cmpi slt, %jit3A_47, %sign3A_62 : i32
    %sign3A_64 = arith.extui %sign3A_63 : i1 to i32
    %sign3A_65 = arith.subi %sign3A_61, %sign3A_64 : i32
    %ne3A_66 = vector.broadcast %sign3A_65 : i32 to vector<16xi32>
    %ne3A_67 = arith.cmpi ne, %sign3A_58, %ne3A_66 : vector<16xi32>
    %rem3A_68 = vector.broadcast %jit3A_47 : i32 to vector<16xi32>
    %rem3A_69 = arith.remsi %add3A_46, %rem3A_68 : vector<16xi32>
    %ne3A_70 = arith.constant 0 : i32
    %ne3A_71 = vector.broadcast %ne3A_70 : i32 to vector<16xi32>
    %ne3A_72 = arith.cmpi ne, %rem3A_69, %ne3A_71 : vector<16xi32>
    %and3A_73 = arith.andi %ne3A_67, %ne3A_72 : vector<16xi1>
    %sub3A_74 = arith.constant 1 : i32
    %sub3A_75 = vector.broadcast %sub3A_74 : i32 to vector<16xi32>
    %sub3A_76 = arith.subi %div3A_49, %sub3A_75 : vector<16xi32>
    %select_n3A_77 = arith.select %and3A_73, %sub3A_76, %div3A_49 : vector<16xi1>, vector<16xi32>
    %mul3A_78 = arith.constant 15 : i32
    %mul3A_79 = vector.broadcast %mul3A_78 : i32 to vector<16xi32>
    %mul3A_80 = arith.muli %select_n3A_77, %mul3A_79 : vector<16xi32>
    %sub3A_81 = arith.subi %add3A_46, %mul3A_80 : vector<16xi32>
    %lt3A_82 = arith.constant 225 : i32
    %lt3A_83 = vector.broadcast %lt3A_82 : i32 to vector<16xi32>
    %lt3A_84 = arith.cmpi slt, %add3A_46, %lt3A_83 : vector<16xi32>
    %jit3A_85 = arith.constant 0 : i32
    %broadcast_in_dim3A_86 = vector.broadcast %jit3A_85 : i32 to vector<16xi32>
    %select_n3A_87 = arith.select %lt3A_84, %select_n3A_77, %broadcast_in_dim3A_86 : vector<16xi1>, vector<16xi32>
    %jit3A_88 = arith.constant 0 : i32
    %broadcast_in_dim3A_89 = vector.broadcast %jit3A_88 : i32 to vector<16xi32>
    %select_n3A_90 = arith.select %lt3A_84, %sub3A_81, %broadcast_in_dim3A_89 : vector<16xi1>, vector<16xi32>
    %add3A_91 = arith.constant 32 : i32
    %add3A_92 = vector.broadcast %add3A_91 : i32 to vector<16xi32>
    %add3A_93 = arith.addi %iota3A, %add3A_92 : vector<16xi32>
    %jit3A_94 = arith.constant 15 : i32
    %div3A_95 = vector.broadcast %jit3A_94 : i32 to vector<16xi32>
    %div3A_96 = arith.divsi %add3A_93, %div3A_95 : vector<16xi32>
    %sign3A_97 = arith.constant 0 : i32
    %sign3A_98 = vector.broadcast %sign3A_97 : i32 to vector<16xi32>
    %sign3A_99 = arith.cmpi sgt, %add3A_93, %sign3A_98 : vector<16xi32>
    %sign3A_100 = arith.extui %sign3A_99 : vector<16xi1> to vector<16xi32>
    %sign3A_101 = arith.constant 0 : i32
    %sign3A_102 = vector.broadcast %sign3A_101 : i32 to vector<16xi32>
    %sign3A_103 = arith.cmpi slt, %add3A_93, %sign3A_102 : vector<16xi32>
    %sign3A_104 = arith.extui %sign3A_103 : vector<16xi1> to vector<16xi32>
    %sign3A_105 = arith.subi %sign3A_100, %sign3A_104 : vector<16xi32>
    %sign3A_106 = arith.constant 0 : i32
    %sign3A_107 = arith.cmpi sgt, %jit3A_94, %sign3A_106 : i32
    %sign3A_108 = arith.extui %sign3A_107 : i1 to i32
    %sign3A_109 = arith.constant 0 : i32
    %sign3A_110 = arith.cmpi slt, %jit3A_94, %sign3A_109 : i32
    %sign3A_111 = arith.extui %sign3A_110 : i1 to i32
    %sign3A_112 = arith.subi %sign3A_108, %sign3A_111 : i32
    %ne3A_113 = vector.broadcast %sign3A_112 : i32 to vector<16xi32>
    %ne3A_114 = arith.cmpi ne, %sign3A_105, %ne3A_113 : vector<16xi32>
    %rem3A_115 = vector.broadcast %jit3A_94 : i32 to vector<16xi32>
    %rem3A_116 = arith.remsi %add3A_93, %rem3A_115 : vector<16xi32>
    %ne3A_117 = arith.constant 0 : i32
    %ne3A_118 = vector.broadcast %ne3A_117 : i32 to vector<16xi32>
    %ne3A_119 = arith.cmpi ne, %rem3A_116, %ne3A_118 : vector<16xi32>
    %and3A_120 = arith.andi %ne3A_114, %ne3A_119 : vector<16xi1>
    %sub3A_121 = arith.constant 1 : i32
    %sub3A_122 = vector.broadcast %sub3A_121 : i32 to vector<16xi32>
    %sub3A_123 = arith.subi %div3A_96, %sub3A_122 : vector<16xi32>
    %select_n3A_124 = arith.select %and3A_120, %sub3A_123, %div3A_96 : vector<16xi1>, vector<16xi32>
    %mul3A_125 = arith.constant 15 : i32
    %mul3A_126 = vector.broadcast %mul3A_125 : i32 to vector<16xi32>
    %mul3A_127 = arith.muli %select_n3A_124, %mul3A_126 : vector<16xi32>
    %sub3A_128 = arith.subi %add3A_93, %mul3A_127 : vector<16xi32>
    %lt3A_129 = arith.constant 225 : i32
    %lt3A_130 = vector.broadcast %lt3A_129 : i32 to vector<16xi32>
    %lt3A_131 = arith.cmpi slt, %add3A_93, %lt3A_130 : vector<16xi32>
    %jit3A_132 = arith.constant 0 : i32
    %broadcast_in_dim3A_133 = vector.broadcast %jit3A_132 : i32 to vector<16xi32>
    %select_n3A_134 = arith.select %lt3A_131, %select_n3A_124, %broadcast_in_dim3A_133 : vector<16xi1>, vector<16xi32>
    %jit3A_135 = arith.constant 0 : i32
    %broadcast_in_dim3A_136 = vector.broadcast %jit3A_135 : i32 to vector<16xi32>
    %select_n3A_137 = arith.select %lt3A_131, %sub3A_128, %broadcast_in_dim3A_136 : vector<16xi1>, vector<16xi32>
    %add3A_138 = arith.constant 48 : i32
    %add3A_139 = vector.broadcast %add3A_138 : i32 to vector<16xi32>
    %add3A_140 = arith.addi %iota3A, %add3A_139 : vector<16xi32>
    %jit3A_141 = arith.constant 15 : i32
    %div3A_142 = vector.broadcast %jit3A_141 : i32 to vector<16xi32>
    %div3A_143 = arith.divsi %add3A_140, %div3A_142 : vector<16xi32>
    %sign3A_144 = arith.constant 0 : i32
    %sign3A_145 = vector.broadcast %sign3A_144 : i32 to vector<16xi32>
    %sign3A_146 = arith.cmpi sgt, %add3A_140, %sign3A_145 : vector<16xi32>
    %sign3A_147 = arith.extui %sign3A_146 : vector<16xi1> to vector<16xi32>
    %sign3A_148 = arith.constant 0 : i32
    %sign3A_149 = vector.broadcast %sign3A_148 : i32 to vector<16xi32>
    %sign3A_150 = arith.cmpi slt, %add3A_140, %sign3A_149 : vector<16xi32>
    %sign3A_151 = arith.extui %sign3A_150 : vector<16xi1> to vector<16xi32>
    %sign3A_152 = arith.subi %sign3A_147, %sign3A_151 : vector<16xi32>
    %sign3A_153 = arith.constant 0 : i32
    %sign3A_154 = arith.cmpi sgt, %jit3A_141, %sign3A_153 : i32
    %sign3A_155 = arith.extui %sign3A_154 : i1 to i32
    %sign3A_156 = arith.constant 0 : i32
    %sign3A_157 = arith.cmpi slt, %jit3A_141, %sign3A_156 : i32
    %sign3A_158 = arith.extui %sign3A_157 : i1 to i32
    %sign3A_159 = arith.subi %sign3A_155, %sign3A_158 : i32
    %ne3A_160 = vector.broadcast %sign3A_159 : i32 to vector<16xi32>
    %ne3A_161 = arith.cmpi ne, %sign3A_152, %ne3A_160 : vector<16xi32>
    %rem3A_162 = vector.broadcast %jit3A_141 : i32 to vector<16xi32>
    %rem3A_163 = arith.remsi %add3A_140, %rem3A_162 : vector<16xi32>
    %ne3A_164 = arith.constant 0 : i32
    %ne3A_165 = vector.broadcast %ne3A_164 : i32 to vector<16xi32>
    %ne3A_166 = arith.cmpi ne, %rem3A_163, %ne3A_165 : vector<16xi32>
    %and3A_167 = arith.andi %ne3A_161, %ne3A_166 : vector<16xi1>
    %sub3A_168 = arith.constant 1 : i32
    %sub3A_169 = vector.broadcast %sub3A_168 : i32 to vector<16xi32>
    %sub3A_170 = arith.subi %div3A_143, %sub3A_169 : vector<16xi32>
    %select_n3A_171 = arith.select %and3A_167, %sub3A_170, %div3A_143 : vector<16xi1>, vector<16xi32>
    %mul3A_172 = arith.constant 15 : i32
    %mul3A_173 = vector.broadcast %mul3A_172 : i32 to vector<16xi32>
    %mul3A_174 = arith.muli %select_n3A_171, %mul3A_173 : vector<16xi32>
    %sub3A_175 = arith.subi %add3A_140, %mul3A_174 : vector<16xi32>
    %lt3A_176 = arith.constant 225 : i32
    %lt3A_177 = vector.broadcast %lt3A_176 : i32 to vector<16xi32>
    %lt3A_178 = arith.cmpi slt, %add3A_140, %lt3A_177 : vector<16xi32>
    %jit3A_179 = arith.constant 0 : i32
    %broadcast_in_dim3A_180 = vector.broadcast %jit3A_179 : i32 to vector<16xi32>
    %select_n3A_181 = arith.select %lt3A_178, %select_n3A_171, %broadcast_in_dim3A_180 : vector<16xi1>, vector<16xi32>
    %jit3A_182 = arith.constant 0 : i32
    %broadcast_in_dim3A_183 = vector.broadcast %jit3A_182 : i32 to vector<16xi32>
    %select_n3A_184 = arith.select %lt3A_178, %sub3A_175, %broadcast_in_dim3A_183 : vector<16xi1>, vector<16xi32>
    %add3A_185 = arith.constant 64 : i32
    %add3A_186 = vector.broadcast %add3A_185 : i32 to vector<16xi32>
    %add3A_187 = arith.addi %iota3A, %add3A_186 : vector<16xi32>
    %jit3A_188 = arith.constant 15 : i32
    %div3A_189 = vector.broadcast %jit3A_188 : i32 to vector<16xi32>
    %div3A_190 = arith.divsi %add3A_187, %div3A_189 : vector<16xi32>
    %sign3A_191 = arith.constant 0 : i32
    %sign3A_192 = vector.broadcast %sign3A_191 : i32 to vector<16xi32>
    %sign3A_193 = arith.cmpi sgt, %add3A_187, %sign3A_192 : vector<16xi32>
    %sign3A_194 = arith.extui %sign3A_193 : vector<16xi1> to vector<16xi32>
    %sign3A_195 = arith.constant 0 : i32
    %sign3A_196 = vector.broadcast %sign3A_195 : i32 to vector<16xi32>
    %sign3A_197 = arith.cmpi slt, %add3A_187, %sign3A_196 : vector<16xi32>
    %sign3A_198 = arith.extui %sign3A_197 : vector<16xi1> to vector<16xi32>
    %sign3A_199 = arith.subi %sign3A_194, %sign3A_198 : vector<16xi32>
    %sign3A_200 = arith.constant 0 : i32
    %sign3A_201 = arith.cmpi sgt, %jit3A_188, %sign3A_200 : i32
    %sign3A_202 = arith.extui %sign3A_201 : i1 to i32
    %sign3A_203 = arith.constant 0 : i32
    %sign3A_204 = arith.cmpi slt, %jit3A_188, %sign3A_203 : i32
    %sign3A_205 = arith.extui %sign3A_204 : i1 to i32
    %sign3A_206 = arith.subi %sign3A_202, %sign3A_205 : i32
    %ne3A_207 = vector.broadcast %sign3A_206 : i32 to vector<16xi32>
    %ne3A_208 = arith.cmpi ne, %sign3A_199, %ne3A_207 : vector<16xi32>
    %rem3A_209 = vector.broadcast %jit3A_188 : i32 to vector<16xi32>
    %rem3A_210 = arith.remsi %add3A_187, %rem3A_209 : vector<16xi32>
    %ne3A_211 = arith.constant 0 : i32
    %ne3A_212 = vector.broadcast %ne3A_211 : i32 to vector<16xi32>
    %ne3A_213 = arith.cmpi ne, %rem3A_210, %ne3A_212 : vector<16xi32>
    %and3A_214 = arith.andi %ne3A_208, %ne3A_213 : vector<16xi1>
    %sub3A_215 = arith.constant 1 : i32
    %sub3A_216 = vector.broadcast %sub3A_215 : i32 to vector<16xi32>
    %sub3A_217 = arith.subi %div3A_190, %sub3A_216 : vector<16xi32>
    %select_n3A_218 = arith.select %and3A_214, %sub3A_217, %div3A_190 : vector<16xi1>, vector<16xi32>
    %mul3A_219 = arith.constant 15 : i32
    %mul3A_220 = vector.broadcast %mul3A_219 : i32 to vector<16xi32>
    %mul3A_221 = arith.muli %select_n3A_218, %mul3A_220 : vector<16xi32>
    %sub3A_222 = arith.subi %add3A_187, %mul3A_221 : vector<16xi32>
    %lt3A_223 = arith.constant 225 : i32
    %lt3A_224 = vector.broadcast %lt3A_223 : i32 to vector<16xi32>
    %lt3A_225 = arith.cmpi slt, %add3A_187, %lt3A_224 : vector<16xi32>
    %jit3A_226 = arith.constant 0 : i32
    %broadcast_in_dim3A_227 = vector.broadcast %jit3A_226 : i32 to vector<16xi32>
    %select_n3A_228 = arith.select %lt3A_225, %select_n3A_218, %broadcast_in_dim3A_227 : vector<16xi1>, vector<16xi32>
    %jit3A_229 = arith.constant 0 : i32
    %broadcast_in_dim3A_230 = vector.broadcast %jit3A_229 : i32 to vector<16xi32>
    %select_n3A_231 = arith.select %lt3A_225, %sub3A_222, %broadcast_in_dim3A_230 : vector<16xi1>, vector<16xi32>
    %add3A_232 = arith.constant 80 : i32
    %add3A_233 = vector.broadcast %add3A_232 : i32 to vector<16xi32>
    %add3A_234 = arith.addi %iota3A, %add3A_233 : vector<16xi32>
    %jit3A_235 = arith.constant 15 : i32
    %div3A_236 = vector.broadcast %jit3A_235 : i32 to vector<16xi32>
    %div3A_237 = arith.divsi %add3A_234, %div3A_236 : vector<16xi32>
    %sign3A_238 = arith.constant 0 : i32
    %sign3A_239 = vector.broadcast %sign3A_238 : i32 to vector<16xi32>
    %sign3A_240 = arith.cmpi sgt, %add3A_234, %sign3A_239 : vector<16xi32>
    %sign3A_241 = arith.extui %sign3A_240 : vector<16xi1> to vector<16xi32>
    %sign3A_242 = arith.constant 0 : i32
    %sign3A_243 = vector.broadcast %sign3A_242 : i32 to vector<16xi32>
    %sign3A_244 = arith.cmpi slt, %add3A_234, %sign3A_243 : vector<16xi32>
    %sign3A_245 = arith.extui %sign3A_244 : vector<16xi1> to vector<16xi32>
    %sign3A_246 = arith.subi %sign3A_241, %sign3A_245 : vector<16xi32>
    %sign3A_247 = arith.constant 0 : i32
    %sign3A_248 = arith.cmpi sgt, %jit3A_235, %sign3A_247 : i32
    %sign3A_249 = arith.extui %sign3A_248 : i1 to i32
    %sign3A_250 = arith.constant 0 : i32
    %sign3A_251 = arith.cmpi slt, %jit3A_235, %sign3A_250 : i32
    %sign3A_252 = arith.extui %sign3A_251 : i1 to i32
    %sign3A_253 = arith.subi %sign3A_249, %sign3A_252 : i32
    %ne3A_254 = vector.broadcast %sign3A_253 : i32 to vector<16xi32>
    %ne3A_255 = arith.cmpi ne, %sign3A_246, %ne3A_254 : vector<16xi32>
    %rem3A_256 = vector.broadcast %jit3A_235 : i32 to vector<16xi32>
    %rem3A_257 = arith.remsi %add3A_234, %rem3A_256 : vector<16xi32>
    %ne3A_258 = arith.constant 0 : i32
    %ne3A_259 = vector.broadcast %ne3A_258 : i32 to vector<16xi32>
    %ne3A_260 = arith.cmpi ne, %rem3A_257, %ne3A_259 : vector<16xi32>
    %and3A_261 = arith.andi %ne3A_255, %ne3A_260 : vector<16xi1>
    %sub3A_262 = arith.constant 1 : i32
    %sub3A_263 = vector.broadcast %sub3A_262 : i32 to vector<16xi32>
    %sub3A_264 = arith.subi %div3A_237, %sub3A_263 : vector<16xi32>
    %select_n3A_265 = arith.select %and3A_261, %sub3A_264, %div3A_237 : vector<16xi1>, vector<16xi32>
    %mul3A_266 = arith.constant 15 : i32
    %mul3A_267 = vector.broadcast %mul3A_266 : i32 to vector<16xi32>
    %mul3A_268 = arith.muli %select_n3A_265, %mul3A_267 : vector<16xi32>
    %sub3A_269 = arith.subi %add3A_234, %mul3A_268 : vector<16xi32>
    %lt3A_270 = arith.constant 225 : i32
    %lt3A_271 = vector.broadcast %lt3A_270 : i32 to vector<16xi32>
    %lt3A_272 = arith.cmpi slt, %add3A_234, %lt3A_271 : vector<16xi32>
    %jit3A_273 = arith.constant 0 : i32
    %broadcast_in_dim3A_274 = vector.broadcast %jit3A_273 : i32 to vector<16xi32>
    %select_n3A_275 = arith.select %lt3A_272, %select_n3A_265, %broadcast_in_dim3A_274 : vector<16xi1>, vector<16xi32>
    %jit3A_276 = arith.constant 0 : i32
    %broadcast_in_dim3A_277 = vector.broadcast %jit3A_276 : i32 to vector<16xi32>
    %select_n3A_278 = arith.select %lt3A_272, %sub3A_269, %broadcast_in_dim3A_277 : vector<16xi1>, vector<16xi32>
    %add3A_279 = arith.constant 96 : i32
    %add3A_280 = vector.broadcast %add3A_279 : i32 to vector<16xi32>
    %add3A_281 = arith.addi %iota3A, %add3A_280 : vector<16xi32>
    %jit3A_282 = arith.constant 15 : i32
    %div3A_283 = vector.broadcast %jit3A_282 : i32 to vector<16xi32>
    %div3A_284 = arith.divsi %add3A_281, %div3A_283 : vector<16xi32>
    %sign3A_285 = arith.constant 0 : i32
    %sign3A_286 = vector.broadcast %sign3A_285 : i32 to vector<16xi32>
    %sign3A_287 = arith.cmpi sgt, %add3A_281, %sign3A_286 : vector<16xi32>
    %sign3A_288 = arith.extui %sign3A_287 : vector<16xi1> to vector<16xi32>
    %sign3A_289 = arith.constant 0 : i32
    %sign3A_290 = vector.broadcast %sign3A_289 : i32 to vector<16xi32>
    %sign3A_291 = arith.cmpi slt, %add3A_281, %sign3A_290 : vector<16xi32>
    %sign3A_292 = arith.extui %sign3A_291 : vector<16xi1> to vector<16xi32>
    %sign3A_293 = arith.subi %sign3A_288, %sign3A_292 : vector<16xi32>
    %sign3A_294 = arith.constant 0 : i32
    %sign3A_295 = arith.cmpi sgt, %jit3A_282, %sign3A_294 : i32
    %sign3A_296 = arith.extui %sign3A_295 : i1 to i32
    %sign3A_297 = arith.constant 0 : i32
    %sign3A_298 = arith.cmpi slt, %jit3A_282, %sign3A_297 : i32
    %sign3A_299 = arith.extui %sign3A_298 : i1 to i32
    %sign3A_300 = arith.subi %sign3A_296, %sign3A_299 : i32
    %ne3A_301 = vector.broadcast %sign3A_300 : i32 to vector<16xi32>
    %ne3A_302 = arith.cmpi ne, %sign3A_293, %ne3A_301 : vector<16xi32>
    %rem3A_303 = vector.broadcast %jit3A_282 : i32 to vector<16xi32>
    %rem3A_304 = arith.remsi %add3A_281, %rem3A_303 : vector<16xi32>
    %ne3A_305 = arith.constant 0 : i32
    %ne3A_306 = vector.broadcast %ne3A_305 : i32 to vector<16xi32>
    %ne3A_307 = arith.cmpi ne, %rem3A_304, %ne3A_306 : vector<16xi32>
    %and3A_308 = arith.andi %ne3A_302, %ne3A_307 : vector<16xi1>
    %sub3A_309 = arith.constant 1 : i32
    %sub3A_310 = vector.broadcast %sub3A_309 : i32 to vector<16xi32>
    %sub3A_311 = arith.subi %div3A_284, %sub3A_310 : vector<16xi32>
    %select_n3A_312 = arith.select %and3A_308, %sub3A_311, %div3A_284 : vector<16xi1>, vector<16xi32>
    %mul3A_313 = arith.constant 15 : i32
    %mul3A_314 = vector.broadcast %mul3A_313 : i32 to vector<16xi32>
    %mul3A_315 = arith.muli %select_n3A_312, %mul3A_314 : vector<16xi32>
    %sub3A_316 = arith.subi %add3A_281, %mul3A_315 : vector<16xi32>
    %lt3A_317 = arith.constant 225 : i32
    %lt3A_318 = vector.broadcast %lt3A_317 : i32 to vector<16xi32>
    %lt3A_319 = arith.cmpi slt, %add3A_281, %lt3A_318 : vector<16xi32>
    %jit3A_320 = arith.constant 0 : i32
    %broadcast_in_dim3A_321 = vector.broadcast %jit3A_320 : i32 to vector<16xi32>
    %select_n3A_322 = arith.select %lt3A_319, %select_n3A_312, %broadcast_in_dim3A_321 : vector<16xi1>, vector<16xi32>
    %jit3A_323 = arith.constant 0 : i32
    %broadcast_in_dim3A_324 = vector.broadcast %jit3A_323 : i32 to vector<16xi32>
    %select_n3A_325 = arith.select %lt3A_319, %sub3A_316, %broadcast_in_dim3A_324 : vector<16xi1>, vector<16xi32>
    %add3A_326 = arith.constant 112 : i32
    %add3A_327 = vector.broadcast %add3A_326 : i32 to vector<16xi32>
    %add3A_328 = arith.addi %iota3A, %add3A_327 : vector<16xi32>
    %jit3A_329 = arith.constant 15 : i32
    %div3A_330 = vector.broadcast %jit3A_329 : i32 to vector<16xi32>
    %div3A_331 = arith.divsi %add3A_328, %div3A_330 : vector<16xi32>
    %sign3A_332 = arith.constant 0 : i32
    %sign3A_333 = vector.broadcast %sign3A_332 : i32 to vector<16xi32>
    %sign3A_334 = arith.cmpi sgt, %add3A_328, %sign3A_333 : vector<16xi32>
    %sign3A_335 = arith.extui %sign3A_334 : vector<16xi1> to vector<16xi32>
    %sign3A_336 = arith.constant 0 : i32
    %sign3A_337 = vector.broadcast %sign3A_336 : i32 to vector<16xi32>
    %sign3A_338 = arith.cmpi slt, %add3A_328, %sign3A_337 : vector<16xi32>
    %sign3A_339 = arith.extui %sign3A_338 : vector<16xi1> to vector<16xi32>
    %sign3A_340 = arith.subi %sign3A_335, %sign3A_339 : vector<16xi32>
    %sign3A_341 = arith.constant 0 : i32
    %sign3A_342 = arith.cmpi sgt, %jit3A_329, %sign3A_341 : i32
    %sign3A_343 = arith.extui %sign3A_342 : i1 to i32
    %sign3A_344 = arith.constant 0 : i32
    %sign3A_345 = arith.cmpi slt, %jit3A_329, %sign3A_344 : i32
    %sign3A_346 = arith.extui %sign3A_345 : i1 to i32
    %sign3A_347 = arith.subi %sign3A_343, %sign3A_346 : i32
    %ne3A_348 = vector.broadcast %sign3A_347 : i32 to vector<16xi32>
    %ne3A_349 = arith.cmpi ne, %sign3A_340, %ne3A_348 : vector<16xi32>
    %rem3A_350 = vector.broadcast %jit3A_329 : i32 to vector<16xi32>
    %rem3A_351 = arith.remsi %add3A_328, %rem3A_350 : vector<16xi32>
    %ne3A_352 = arith.constant 0 : i32
    %ne3A_353 = vector.broadcast %ne3A_352 : i32 to vector<16xi32>
    %ne3A_354 = arith.cmpi ne, %rem3A_351, %ne3A_353 : vector<16xi32>
    %and3A_355 = arith.andi %ne3A_349, %ne3A_354 : vector<16xi1>
    %sub3A_356 = arith.constant 1 : i32
    %sub3A_357 = vector.broadcast %sub3A_356 : i32 to vector<16xi32>
    %sub3A_358 = arith.subi %div3A_331, %sub3A_357 : vector<16xi32>
    %select_n3A_359 = arith.select %and3A_355, %sub3A_358, %div3A_331 : vector<16xi1>, vector<16xi32>
    %mul3A_360 = arith.constant 15 : i32
    %mul3A_361 = vector.broadcast %mul3A_360 : i32 to vector<16xi32>
    %mul3A_362 = arith.muli %select_n3A_359, %mul3A_361 : vector<16xi32>
    %sub3A_363 = arith.subi %add3A_328, %mul3A_362 : vector<16xi32>
    %lt3A_364 = arith.constant 225 : i32
    %lt3A_365 = vector.broadcast %lt3A_364 : i32 to vector<16xi32>
    %lt3A_366 = arith.cmpi slt, %add3A_328, %lt3A_365 : vector<16xi32>
    %jit3A_367 = arith.constant 0 : i32
    %broadcast_in_dim3A_368 = vector.broadcast %jit3A_367 : i32 to vector<16xi32>
    %select_n3A_369 = arith.select %lt3A_366, %select_n3A_359, %broadcast_in_dim3A_368 : vector<16xi1>, vector<16xi32>
    %jit3A_370 = arith.constant 0 : i32
    %broadcast_in_dim3A_371 = vector.broadcast %jit3A_370 : i32 to vector<16xi32>
    %select_n3A_372 = arith.select %lt3A_366, %sub3A_363, %broadcast_in_dim3A_371 : vector<16xi1>, vector<16xi32>
    %add3A_373 = arith.constant 128 : i32
    %add3A_374 = vector.broadcast %add3A_373 : i32 to vector<16xi32>
    %add3A_375 = arith.addi %iota3A, %add3A_374 : vector<16xi32>
    %jit3A_376 = arith.constant 15 : i32
    %div3A_377 = vector.broadcast %jit3A_376 : i32 to vector<16xi32>
    %div3A_378 = arith.divsi %add3A_375, %div3A_377 : vector<16xi32>
    %sign3A_379 = arith.constant 0 : i32
    %sign3A_380 = vector.broadcast %sign3A_379 : i32 to vector<16xi32>
    %sign3A_381 = arith.cmpi sgt, %add3A_375, %sign3A_380 : vector<16xi32>
    %sign3A_382 = arith.extui %sign3A_381 : vector<16xi1> to vector<16xi32>
    %sign3A_383 = arith.constant 0 : i32
    %sign3A_384 = vector.broadcast %sign3A_383 : i32 to vector<16xi32>
    %sign3A_385 = arith.cmpi slt, %add3A_375, %sign3A_384 : vector<16xi32>
    %sign3A_386 = arith.extui %sign3A_385 : vector<16xi1> to vector<16xi32>
    %sign3A_387 = arith.subi %sign3A_382, %sign3A_386 : vector<16xi32>
    %sign3A_388 = arith.constant 0 : i32
    %sign3A_389 = arith.cmpi sgt, %jit3A_376, %sign3A_388 : i32
    %sign3A_390 = arith.extui %sign3A_389 : i1 to i32
    %sign3A_391 = arith.constant 0 : i32
    %sign3A_392 = arith.cmpi slt, %jit3A_376, %sign3A_391 : i32
    %sign3A_393 = arith.extui %sign3A_392 : i1 to i32
    %sign3A_394 = arith.subi %sign3A_390, %sign3A_393 : i32
    %ne3A_395 = vector.broadcast %sign3A_394 : i32 to vector<16xi32>
    %ne3A_396 = arith.cmpi ne, %sign3A_387, %ne3A_395 : vector<16xi32>
    %rem3A_397 = vector.broadcast %jit3A_376 : i32 to vector<16xi32>
    %rem3A_398 = arith.remsi %add3A_375, %rem3A_397 : vector<16xi32>
    %ne3A_399 = arith.constant 0 : i32
    %ne3A_400 = vector.broadcast %ne3A_399 : i32 to vector<16xi32>
    %ne3A_401 = arith.cmpi ne, %rem3A_398, %ne3A_400 : vector<16xi32>
    %and3A_402 = arith.andi %ne3A_396, %ne3A_401 : vector<16xi1>
    %sub3A_403 = arith.constant 1 : i32
    %sub3A_404 = vector.broadcast %sub3A_403 : i32 to vector<16xi32>
    %sub3A_405 = arith.subi %div3A_378, %sub3A_404 : vector<16xi32>
    %select_n3A_406 = arith.select %and3A_402, %sub3A_405, %div3A_378 : vector<16xi1>, vector<16xi32>
    %mul3A_407 = arith.constant 15 : i32
    %mul3A_408 = vector.broadcast %mul3A_407 : i32 to vector<16xi32>
    %mul3A_409 = arith.muli %select_n3A_406, %mul3A_408 : vector<16xi32>
    %sub3A_410 = arith.subi %add3A_375, %mul3A_409 : vector<16xi32>
    %lt3A_411 = arith.constant 225 : i32
    %lt3A_412 = vector.broadcast %lt3A_411 : i32 to vector<16xi32>
    %lt3A_413 = arith.cmpi slt, %add3A_375, %lt3A_412 : vector<16xi32>
    %jit3A_414 = arith.constant 0 : i32
    %broadcast_in_dim3A_415 = vector.broadcast %jit3A_414 : i32 to vector<16xi32>
    %select_n3A_416 = arith.select %lt3A_413, %select_n3A_406, %broadcast_in_dim3A_415 : vector<16xi1>, vector<16xi32>
    %jit3A_417 = arith.constant 0 : i32
    %broadcast_in_dim3A_418 = vector.broadcast %jit3A_417 : i32 to vector<16xi32>
    %select_n3A_419 = arith.select %lt3A_413, %sub3A_410, %broadcast_in_dim3A_418 : vector<16xi1>, vector<16xi32>
    %add3A_420 = arith.constant 144 : i32
    %add3A_421 = vector.broadcast %add3A_420 : i32 to vector<16xi32>
    %add3A_422 = arith.addi %iota3A, %add3A_421 : vector<16xi32>
    %jit3A_423 = arith.constant 15 : i32
    %div3A_424 = vector.broadcast %jit3A_423 : i32 to vector<16xi32>
    %div3A_425 = arith.divsi %add3A_422, %div3A_424 : vector<16xi32>
    %sign3A_426 = arith.constant 0 : i32
    %sign3A_427 = vector.broadcast %sign3A_426 : i32 to vector<16xi32>
    %sign3A_428 = arith.cmpi sgt, %add3A_422, %sign3A_427 : vector<16xi32>
    %sign3A_429 = arith.extui %sign3A_428 : vector<16xi1> to vector<16xi32>
    %sign3A_430 = arith.constant 0 : i32
    %sign3A_431 = vector.broadcast %sign3A_430 : i32 to vector<16xi32>
    %sign3A_432 = arith.cmpi slt, %add3A_422, %sign3A_431 : vector<16xi32>
    %sign3A_433 = arith.extui %sign3A_432 : vector<16xi1> to vector<16xi32>
    %sign3A_434 = arith.subi %sign3A_429, %sign3A_433 : vector<16xi32>
    %sign3A_435 = arith.constant 0 : i32
    %sign3A_436 = arith.cmpi sgt, %jit3A_423, %sign3A_435 : i32
    %sign3A_437 = arith.extui %sign3A_436 : i1 to i32
    %sign3A_438 = arith.constant 0 : i32
    %sign3A_439 = arith.cmpi slt, %jit3A_423, %sign3A_438 : i32
    %sign3A_440 = arith.extui %sign3A_439 : i1 to i32
    %sign3A_441 = arith.subi %sign3A_437, %sign3A_440 : i32
    %ne3A_442 = vector.broadcast %sign3A_441 : i32 to vector<16xi32>
    %ne3A_443 = arith.cmpi ne, %sign3A_434, %ne3A_442 : vector<16xi32>
    %rem3A_444 = vector.broadcast %jit3A_423 : i32 to vector<16xi32>
    %rem3A_445 = arith.remsi %add3A_422, %rem3A_444 : vector<16xi32>
    %ne3A_446 = arith.constant 0 : i32
    %ne3A_447 = vector.broadcast %ne3A_446 : i32 to vector<16xi32>
    %ne3A_448 = arith.cmpi ne, %rem3A_445, %ne3A_447 : vector<16xi32>
    %and3A_449 = arith.andi %ne3A_443, %ne3A_448 : vector<16xi1>
    %sub3A_450 = arith.constant 1 : i32
    %sub3A_451 = vector.broadcast %sub3A_450 : i32 to vector<16xi32>
    %sub3A_452 = arith.subi %div3A_425, %sub3A_451 : vector<16xi32>
    %select_n3A_453 = arith.select %and3A_449, %sub3A_452, %div3A_425 : vector<16xi1>, vector<16xi32>
    %mul3A_454 = arith.constant 15 : i32
    %mul3A_455 = vector.broadcast %mul3A_454 : i32 to vector<16xi32>
    %mul3A_456 = arith.muli %select_n3A_453, %mul3A_455 : vector<16xi32>
    %sub3A_457 = arith.subi %add3A_422, %mul3A_456 : vector<16xi32>
    %lt3A_458 = arith.constant 225 : i32
    %lt3A_459 = vector.broadcast %lt3A_458 : i32 to vector<16xi32>
    %lt3A_460 = arith.cmpi slt, %add3A_422, %lt3A_459 : vector<16xi32>
    %jit3A_461 = arith.constant 0 : i32
    %broadcast_in_dim3A_462 = vector.broadcast %jit3A_461 : i32 to vector<16xi32>
    %select_n3A_463 = arith.select %lt3A_460, %select_n3A_453, %broadcast_in_dim3A_462 : vector<16xi1>, vector<16xi32>
    %jit3A_464 = arith.constant 0 : i32
    %broadcast_in_dim3A_465 = vector.broadcast %jit3A_464 : i32 to vector<16xi32>
    %select_n3A_466 = arith.select %lt3A_460, %sub3A_457, %broadcast_in_dim3A_465 : vector<16xi1>, vector<16xi32>
    %add3A_467 = arith.constant 160 : i32
    %add3A_468 = vector.broadcast %add3A_467 : i32 to vector<16xi32>
    %add3A_469 = arith.addi %iota3A, %add3A_468 : vector<16xi32>
    %jit3A_470 = arith.constant 15 : i32
    %div3A_471 = vector.broadcast %jit3A_470 : i32 to vector<16xi32>
    %div3A_472 = arith.divsi %add3A_469, %div3A_471 : vector<16xi32>
    %sign3A_473 = arith.constant 0 : i32
    %sign3A_474 = vector.broadcast %sign3A_473 : i32 to vector<16xi32>
    %sign3A_475 = arith.cmpi sgt, %add3A_469, %sign3A_474 : vector<16xi32>
    %sign3A_476 = arith.extui %sign3A_475 : vector<16xi1> to vector<16xi32>
    %sign3A_477 = arith.constant 0 : i32
    %sign3A_478 = vector.broadcast %sign3A_477 : i32 to vector<16xi32>
    %sign3A_479 = arith.cmpi slt, %add3A_469, %sign3A_478 : vector<16xi32>
    %sign3A_480 = arith.extui %sign3A_479 : vector<16xi1> to vector<16xi32>
    %sign3A_481 = arith.subi %sign3A_476, %sign3A_480 : vector<16xi32>
    %sign3A_482 = arith.constant 0 : i32
    %sign3A_483 = arith.cmpi sgt, %jit3A_470, %sign3A_482 : i32
    %sign3A_484 = arith.extui %sign3A_483 : i1 to i32
    %sign3A_485 = arith.constant 0 : i32
    %sign3A_486 = arith.cmpi slt, %jit3A_470, %sign3A_485 : i32
    %sign3A_487 = arith.extui %sign3A_486 : i1 to i32
    %sign3A_488 = arith.subi %sign3A_484, %sign3A_487 : i32
    %ne3A_489 = vector.broadcast %sign3A_488 : i32 to vector<16xi32>
    %ne3A_490 = arith.cmpi ne, %sign3A_481, %ne3A_489 : vector<16xi32>
    %rem3A_491 = vector.broadcast %jit3A_470 : i32 to vector<16xi32>
    %rem3A_492 = arith.remsi %add3A_469, %rem3A_491 : vector<16xi32>
    %ne3A_493 = arith.constant 0 : i32
    %ne3A_494 = vector.broadcast %ne3A_493 : i32 to vector<16xi32>
    %ne3A_495 = arith.cmpi ne, %rem3A_492, %ne3A_494 : vector<16xi32>
    %and3A_496 = arith.andi %ne3A_490, %ne3A_495 : vector<16xi1>
    %sub3A_497 = arith.constant 1 : i32
    %sub3A_498 = vector.broadcast %sub3A_497 : i32 to vector<16xi32>
    %sub3A_499 = arith.subi %div3A_472, %sub3A_498 : vector<16xi32>
    %select_n3A_500 = arith.select %and3A_496, %sub3A_499, %div3A_472 : vector<16xi1>, vector<16xi32>
    %mul3A_501 = arith.constant 15 : i32
    %mul3A_502 = vector.broadcast %mul3A_501 : i32 to vector<16xi32>
    %mul3A_503 = arith.muli %select_n3A_500, %mul3A_502 : vector<16xi32>
    %sub3A_504 = arith.subi %add3A_469, %mul3A_503 : vector<16xi32>
    %lt3A_505 = arith.constant 225 : i32
    %lt3A_506 = vector.broadcast %lt3A_505 : i32 to vector<16xi32>
    %lt3A_507 = arith.cmpi slt, %add3A_469, %lt3A_506 : vector<16xi32>
    %jit3A_508 = arith.constant 0 : i32
    %broadcast_in_dim3A_509 = vector.broadcast %jit3A_508 : i32 to vector<16xi32>
    %select_n3A_510 = arith.select %lt3A_507, %select_n3A_500, %broadcast_in_dim3A_509 : vector<16xi1>, vector<16xi32>
    %jit3A_511 = arith.constant 0 : i32
    %broadcast_in_dim3A_512 = vector.broadcast %jit3A_511 : i32 to vector<16xi32>
    %select_n3A_513 = arith.select %lt3A_507, %sub3A_504, %broadcast_in_dim3A_512 : vector<16xi1>, vector<16xi32>
    %add3A_514 = arith.constant 176 : i32
    %add3A_515 = vector.broadcast %add3A_514 : i32 to vector<16xi32>
    %add3A_516 = arith.addi %iota3A, %add3A_515 : vector<16xi32>
    %jit3A_517 = arith.constant 15 : i32
    %div3A_518 = vector.broadcast %jit3A_517 : i32 to vector<16xi32>
    %div3A_519 = arith.divsi %add3A_516, %div3A_518 : vector<16xi32>
    %sign3A_520 = arith.constant 0 : i32
    %sign3A_521 = vector.broadcast %sign3A_520 : i32 to vector<16xi32>
    %sign3A_522 = arith.cmpi sgt, %add3A_516, %sign3A_521 : vector<16xi32>
    %sign3A_523 = arith.extui %sign3A_522 : vector<16xi1> to vector<16xi32>
    %sign3A_524 = arith.constant 0 : i32
    %sign3A_525 = vector.broadcast %sign3A_524 : i32 to vector<16xi32>
    %sign3A_526 = arith.cmpi slt, %add3A_516, %sign3A_525 : vector<16xi32>
    %sign3A_527 = arith.extui %sign3A_526 : vector<16xi1> to vector<16xi32>
    %sign3A_528 = arith.subi %sign3A_523, %sign3A_527 : vector<16xi32>
    %sign3A_529 = arith.constant 0 : i32
    %sign3A_530 = arith.cmpi sgt, %jit3A_517, %sign3A_529 : i32
    %sign3A_531 = arith.extui %sign3A_530 : i1 to i32
    %sign3A_532 = arith.constant 0 : i32
    %sign3A_533 = arith.cmpi slt, %jit3A_517, %sign3A_532 : i32
    %sign3A_534 = arith.extui %sign3A_533 : i1 to i32
    %sign3A_535 = arith.subi %sign3A_531, %sign3A_534 : i32
    %ne3A_536 = vector.broadcast %sign3A_535 : i32 to vector<16xi32>
    %ne3A_537 = arith.cmpi ne, %sign3A_528, %ne3A_536 : vector<16xi32>
    %rem3A_538 = vector.broadcast %jit3A_517 : i32 to vector<16xi32>
    %rem3A_539 = arith.remsi %add3A_516, %rem3A_538 : vector<16xi32>
    %ne3A_540 = arith.constant 0 : i32
    %ne3A_541 = vector.broadcast %ne3A_540 : i32 to vector<16xi32>
    %ne3A_542 = arith.cmpi ne, %rem3A_539, %ne3A_541 : vector<16xi32>
    %and3A_543 = arith.andi %ne3A_537, %ne3A_542 : vector<16xi1>
    %sub3A_544 = arith.constant 1 : i32
    %sub3A_545 = vector.broadcast %sub3A_544 : i32 to vector<16xi32>
    %sub3A_546 = arith.subi %div3A_519, %sub3A_545 : vector<16xi32>
    %select_n3A_547 = arith.select %and3A_543, %sub3A_546, %div3A_519 : vector<16xi1>, vector<16xi32>
    %mul3A_548 = arith.constant 15 : i32
    %mul3A_549 = vector.broadcast %mul3A_548 : i32 to vector<16xi32>
    %mul3A_550 = arith.muli %select_n3A_547, %mul3A_549 : vector<16xi32>
    %sub3A_551 = arith.subi %add3A_516, %mul3A_550 : vector<16xi32>
    %lt3A_552 = arith.constant 225 : i32
    %lt3A_553 = vector.broadcast %lt3A_552 : i32 to vector<16xi32>
    %lt3A_554 = arith.cmpi slt, %add3A_516, %lt3A_553 : vector<16xi32>
    %jit3A_555 = arith.constant 0 : i32
    %broadcast_in_dim3A_556 = vector.broadcast %jit3A_555 : i32 to vector<16xi32>
    %select_n3A_557 = arith.select %lt3A_554, %select_n3A_547, %broadcast_in_dim3A_556 : vector<16xi1>, vector<16xi32>
    %jit3A_558 = arith.constant 0 : i32
    %broadcast_in_dim3A_559 = vector.broadcast %jit3A_558 : i32 to vector<16xi32>
    %select_n3A_560 = arith.select %lt3A_554, %sub3A_551, %broadcast_in_dim3A_559 : vector<16xi1>, vector<16xi32>
    %add3A_561 = arith.constant 192 : i32
    %add3A_562 = vector.broadcast %add3A_561 : i32 to vector<16xi32>
    %add3A_563 = arith.addi %iota3A, %add3A_562 : vector<16xi32>
    %jit3A_564 = arith.constant 15 : i32
    %div3A_565 = vector.broadcast %jit3A_564 : i32 to vector<16xi32>
    %div3A_566 = arith.divsi %add3A_563, %div3A_565 : vector<16xi32>
    %sign3A_567 = arith.constant 0 : i32
    %sign3A_568 = vector.broadcast %sign3A_567 : i32 to vector<16xi32>
    %sign3A_569 = arith.cmpi sgt, %add3A_563, %sign3A_568 : vector<16xi32>
    %sign3A_570 = arith.extui %sign3A_569 : vector<16xi1> to vector<16xi32>
    %sign3A_571 = arith.constant 0 : i32
    %sign3A_572 = vector.broadcast %sign3A_571 : i32 to vector<16xi32>
    %sign3A_573 = arith.cmpi slt, %add3A_563, %sign3A_572 : vector<16xi32>
    %sign3A_574 = arith.extui %sign3A_573 : vector<16xi1> to vector<16xi32>
    %sign3A_575 = arith.subi %sign3A_570, %sign3A_574 : vector<16xi32>
    %sign3A_576 = arith.constant 0 : i32
    %sign3A_577 = arith.cmpi sgt, %jit3A_564, %sign3A_576 : i32
    %sign3A_578 = arith.extui %sign3A_577 : i1 to i32
    %sign3A_579 = arith.constant 0 : i32
    %sign3A_580 = arith.cmpi slt, %jit3A_564, %sign3A_579 : i32
    %sign3A_581 = arith.extui %sign3A_580 : i1 to i32
    %sign3A_582 = arith.subi %sign3A_578, %sign3A_581 : i32
    %ne3A_583 = vector.broadcast %sign3A_582 : i32 to vector<16xi32>
    %ne3A_584 = arith.cmpi ne, %sign3A_575, %ne3A_583 : vector<16xi32>
    %rem3A_585 = vector.broadcast %jit3A_564 : i32 to vector<16xi32>
    %rem3A_586 = arith.remsi %add3A_563, %rem3A_585 : vector<16xi32>
    %ne3A_587 = arith.constant 0 : i32
    %ne3A_588 = vector.broadcast %ne3A_587 : i32 to vector<16xi32>
    %ne3A_589 = arith.cmpi ne, %rem3A_586, %ne3A_588 : vector<16xi32>
    %and3A_590 = arith.andi %ne3A_584, %ne3A_589 : vector<16xi1>
    %sub3A_591 = arith.constant 1 : i32
    %sub3A_592 = vector.broadcast %sub3A_591 : i32 to vector<16xi32>
    %sub3A_593 = arith.subi %div3A_566, %sub3A_592 : vector<16xi32>
    %select_n3A_594 = arith.select %and3A_590, %sub3A_593, %div3A_566 : vector<16xi1>, vector<16xi32>
    %mul3A_595 = arith.constant 15 : i32
    %mul3A_596 = vector.broadcast %mul3A_595 : i32 to vector<16xi32>
    %mul3A_597 = arith.muli %select_n3A_594, %mul3A_596 : vector<16xi32>
    %sub3A_598 = arith.subi %add3A_563, %mul3A_597 : vector<16xi32>
    %lt3A_599 = arith.constant 225 : i32
    %lt3A_600 = vector.broadcast %lt3A_599 : i32 to vector<16xi32>
    %lt3A_601 = arith.cmpi slt, %add3A_563, %lt3A_600 : vector<16xi32>
    %jit3A_602 = arith.constant 0 : i32
    %broadcast_in_dim3A_603 = vector.broadcast %jit3A_602 : i32 to vector<16xi32>
    %select_n3A_604 = arith.select %lt3A_601, %select_n3A_594, %broadcast_in_dim3A_603 : vector<16xi1>, vector<16xi32>
    %jit3A_605 = arith.constant 0 : i32
    %broadcast_in_dim3A_606 = vector.broadcast %jit3A_605 : i32 to vector<16xi32>
    %select_n3A_607 = arith.select %lt3A_601, %sub3A_598, %broadcast_in_dim3A_606 : vector<16xi1>, vector<16xi32>
    %add3A_608 = arith.constant 208 : i32
    %add3A_609 = vector.broadcast %add3A_608 : i32 to vector<16xi32>
    %add3A_610 = arith.addi %iota3A, %add3A_609 : vector<16xi32>
    %jit3A_611 = arith.constant 15 : i32
    %div3A_612 = vector.broadcast %jit3A_611 : i32 to vector<16xi32>
    %div3A_613 = arith.divsi %add3A_610, %div3A_612 : vector<16xi32>
    %sign3A_614 = arith.constant 0 : i32
    %sign3A_615 = vector.broadcast %sign3A_614 : i32 to vector<16xi32>
    %sign3A_616 = arith.cmpi sgt, %add3A_610, %sign3A_615 : vector<16xi32>
    %sign3A_617 = arith.extui %sign3A_616 : vector<16xi1> to vector<16xi32>
    %sign3A_618 = arith.constant 0 : i32
    %sign3A_619 = vector.broadcast %sign3A_618 : i32 to vector<16xi32>
    %sign3A_620 = arith.cmpi slt, %add3A_610, %sign3A_619 : vector<16xi32>
    %sign3A_621 = arith.extui %sign3A_620 : vector<16xi1> to vector<16xi32>
    %sign3A_622 = arith.subi %sign3A_617, %sign3A_621 : vector<16xi32>
    %sign3A_623 = arith.constant 0 : i32
    %sign3A_624 = arith.cmpi sgt, %jit3A_611, %sign3A_623 : i32
    %sign3A_625 = arith.extui %sign3A_624 : i1 to i32
    %sign3A_626 = arith.constant 0 : i32
    %sign3A_627 = arith.cmpi slt, %jit3A_611, %sign3A_626 : i32
    %sign3A_628 = arith.extui %sign3A_627 : i1 to i32
    %sign3A_629 = arith.subi %sign3A_625, %sign3A_628 : i32
    %ne3A_630 = vector.broadcast %sign3A_629 : i32 to vector<16xi32>
    %ne3A_631 = arith.cmpi ne, %sign3A_622, %ne3A_630 : vector<16xi32>
    %rem3A_632 = vector.broadcast %jit3A_611 : i32 to vector<16xi32>
    %rem3A_633 = arith.remsi %add3A_610, %rem3A_632 : vector<16xi32>
    %ne3A_634 = arith.constant 0 : i32
    %ne3A_635 = vector.broadcast %ne3A_634 : i32 to vector<16xi32>
    %ne3A_636 = arith.cmpi ne, %rem3A_633, %ne3A_635 : vector<16xi32>
    %and3A_637 = arith.andi %ne3A_631, %ne3A_636 : vector<16xi1>
    %sub3A_638 = arith.constant 1 : i32
    %sub3A_639 = vector.broadcast %sub3A_638 : i32 to vector<16xi32>
    %sub3A_640 = arith.subi %div3A_613, %sub3A_639 : vector<16xi32>
    %select_n3A_641 = arith.select %and3A_637, %sub3A_640, %div3A_613 : vector<16xi1>, vector<16xi32>
    %mul3A_642 = arith.constant 15 : i32
    %mul3A_643 = vector.broadcast %mul3A_642 : i32 to vector<16xi32>
    %mul3A_644 = arith.muli %select_n3A_641, %mul3A_643 : vector<16xi32>
    %sub3A_645 = arith.subi %add3A_610, %mul3A_644 : vector<16xi32>
    %lt3A_646 = arith.constant 225 : i32
    %lt3A_647 = vector.broadcast %lt3A_646 : i32 to vector<16xi32>
    %lt3A_648 = arith.cmpi slt, %add3A_610, %lt3A_647 : vector<16xi32>
    %jit3A_649 = arith.constant 0 : i32
    %broadcast_in_dim3A_650 = vector.broadcast %jit3A_649 : i32 to vector<16xi32>
    %select_n3A_651 = arith.select %lt3A_648, %select_n3A_641, %broadcast_in_dim3A_650 : vector<16xi1>, vector<16xi32>
    %jit3A_652 = arith.constant 0 : i32
    %broadcast_in_dim3A_653 = vector.broadcast %jit3A_652 : i32 to vector<16xi32>
    %select_n3A_654 = arith.select %lt3A_648, %sub3A_645, %broadcast_in_dim3A_653 : vector<16xi1>, vector<16xi32>
    %add3A_655 = arith.constant 224 : i32
    %add3A_656 = vector.broadcast %add3A_655 : i32 to vector<16xi32>
    %add3A_657 = arith.addi %iota3A, %add3A_656 : vector<16xi32>
    %jit3A_658 = arith.constant 15 : i32
    %div3A_659 = vector.broadcast %jit3A_658 : i32 to vector<16xi32>
    %div3A_660 = arith.divsi %add3A_657, %div3A_659 : vector<16xi32>
    %sign3A_661 = arith.constant 0 : i32
    %sign3A_662 = vector.broadcast %sign3A_661 : i32 to vector<16xi32>
    %sign3A_663 = arith.cmpi sgt, %add3A_657, %sign3A_662 : vector<16xi32>
    %sign3A_664 = arith.extui %sign3A_663 : vector<16xi1> to vector<16xi32>
    %sign3A_665 = arith.constant 0 : i32
    %sign3A_666 = vector.broadcast %sign3A_665 : i32 to vector<16xi32>
    %sign3A_667 = arith.cmpi slt, %add3A_657, %sign3A_666 : vector<16xi32>
    %sign3A_668 = arith.extui %sign3A_667 : vector<16xi1> to vector<16xi32>
    %sign3A_669 = arith.subi %sign3A_664, %sign3A_668 : vector<16xi32>
    %sign3A_670 = arith.constant 0 : i32
    %sign3A_671 = arith.cmpi sgt, %jit3A_658, %sign3A_670 : i32
    %sign3A_672 = arith.extui %sign3A_671 : i1 to i32
    %sign3A_673 = arith.constant 0 : i32
    %sign3A_674 = arith.cmpi slt, %jit3A_658, %sign3A_673 : i32
    %sign3A_675 = arith.extui %sign3A_674 : i1 to i32
    %sign3A_676 = arith.subi %sign3A_672, %sign3A_675 : i32
    %ne3A_677 = vector.broadcast %sign3A_676 : i32 to vector<16xi32>
    %ne3A_678 = arith.cmpi ne, %sign3A_669, %ne3A_677 : vector<16xi32>
    %rem3A_679 = vector.broadcast %jit3A_658 : i32 to vector<16xi32>
    %rem3A_680 = arith.remsi %add3A_657, %rem3A_679 : vector<16xi32>
    %ne3A_681 = arith.constant 0 : i32
    %ne3A_682 = vector.broadcast %ne3A_681 : i32 to vector<16xi32>
    %ne3A_683 = arith.cmpi ne, %rem3A_680, %ne3A_682 : vector<16xi32>
    %and3A_684 = arith.andi %ne3A_678, %ne3A_683 : vector<16xi1>
    %sub3A_685 = arith.constant 1 : i32
    %sub3A_686 = vector.broadcast %sub3A_685 : i32 to vector<16xi32>
    %sub3A_687 = arith.subi %div3A_660, %sub3A_686 : vector<16xi32>
    %select_n3A_688 = arith.select %and3A_684, %sub3A_687, %div3A_660 : vector<16xi1>, vector<16xi32>
    %mul3A_689 = arith.constant 15 : i32
    %mul3A_690 = vector.broadcast %mul3A_689 : i32 to vector<16xi32>
    %mul3A_691 = arith.muli %select_n3A_688, %mul3A_690 : vector<16xi32>
    %sub3A_692 = arith.subi %add3A_657, %mul3A_691 : vector<16xi32>
    %lt3A_693 = arith.constant 225 : i32
    %lt3A_694 = vector.broadcast %lt3A_693 : i32 to vector<16xi32>
    %lt3A_695 = arith.cmpi slt, %add3A_657, %lt3A_694 : vector<16xi32>
    %jit3A_696 = arith.constant 0 : i32
    %broadcast_in_dim3A_697 = vector.broadcast %jit3A_696 : i32 to vector<16xi32>
    %select_n3A_698 = arith.select %lt3A_695, %select_n3A_688, %broadcast_in_dim3A_697 : vector<16xi1>, vector<16xi32>
    %jit3A_699 = arith.constant 0 : i32
    %broadcast_in_dim3A_700 = vector.broadcast %jit3A_699 : i32 to vector<16xi32>
    %select_n3A_701 = arith.select %lt3A_695, %sub3A_692, %broadcast_in_dim3A_700 : vector<16xi1>, vector<16xi32>
    %add3A_702 = arith.constant 240 : i32
    %add3A_703 = vector.broadcast %add3A_702 : i32 to vector<16xi32>
    %add3A_704 = arith.addi %iota3A, %add3A_703 : vector<16xi32>
    %jit3A_705 = arith.constant 15 : i32
    %div3A_706 = vector.broadcast %jit3A_705 : i32 to vector<16xi32>
    %div3A_707 = arith.divsi %add3A_704, %div3A_706 : vector<16xi32>
    %sign3A_708 = arith.constant 0 : i32
    %sign3A_709 = vector.broadcast %sign3A_708 : i32 to vector<16xi32>
    %sign3A_710 = arith.cmpi sgt, %add3A_704, %sign3A_709 : vector<16xi32>
    %sign3A_711 = arith.extui %sign3A_710 : vector<16xi1> to vector<16xi32>
    %sign3A_712 = arith.constant 0 : i32
    %sign3A_713 = vector.broadcast %sign3A_712 : i32 to vector<16xi32>
    %sign3A_714 = arith.cmpi slt, %add3A_704, %sign3A_713 : vector<16xi32>
    %sign3A_715 = arith.extui %sign3A_714 : vector<16xi1> to vector<16xi32>
    %sign3A_716 = arith.subi %sign3A_711, %sign3A_715 : vector<16xi32>
    %sign3A_717 = arith.constant 0 : i32
    %sign3A_718 = arith.cmpi sgt, %jit3A_705, %sign3A_717 : i32
    %sign3A_719 = arith.extui %sign3A_718 : i1 to i32
    %sign3A_720 = arith.constant 0 : i32
    %sign3A_721 = arith.cmpi slt, %jit3A_705, %sign3A_720 : i32
    %sign3A_722 = arith.extui %sign3A_721 : i1 to i32
    %sign3A_723 = arith.subi %sign3A_719, %sign3A_722 : i32
    %ne3A_724 = vector.broadcast %sign3A_723 : i32 to vector<16xi32>
    %ne3A_725 = arith.cmpi ne, %sign3A_716, %ne3A_724 : vector<16xi32>
    %rem3A_726 = vector.broadcast %jit3A_705 : i32 to vector<16xi32>
    %rem3A_727 = arith.remsi %add3A_704, %rem3A_726 : vector<16xi32>
    %ne3A_728 = arith.constant 0 : i32
    %ne3A_729 = vector.broadcast %ne3A_728 : i32 to vector<16xi32>
    %ne3A_730 = arith.cmpi ne, %rem3A_727, %ne3A_729 : vector<16xi32>
    %and3A_731 = arith.andi %ne3A_725, %ne3A_730 : vector<16xi1>
    %sub3A_732 = arith.constant 1 : i32
    %sub3A_733 = vector.broadcast %sub3A_732 : i32 to vector<16xi32>
    %sub3A_734 = arith.subi %div3A_707, %sub3A_733 : vector<16xi32>
    %select_n3A_735 = arith.select %and3A_731, %sub3A_734, %div3A_707 : vector<16xi1>, vector<16xi32>
    %mul3A_736 = arith.constant 15 : i32
    %mul3A_737 = vector.broadcast %mul3A_736 : i32 to vector<16xi32>
    %mul3A_738 = arith.muli %select_n3A_735, %mul3A_737 : vector<16xi32>
    %sub3A_739 = arith.subi %add3A_704, %mul3A_738 : vector<16xi32>
    %lt3A_740 = arith.constant 225 : i32
    %lt3A_741 = vector.broadcast %lt3A_740 : i32 to vector<16xi32>
    %lt3A_742 = arith.cmpi slt, %add3A_704, %lt3A_741 : vector<16xi32>
    %jit3A_743 = arith.constant 0 : i32
    %broadcast_in_dim3A_744 = vector.broadcast %jit3A_743 : i32 to vector<16xi32>
    %select_n3A_745 = arith.select %lt3A_742, %select_n3A_735, %broadcast_in_dim3A_744 : vector<16xi1>, vector<16xi32>
    %jit3A_746 = arith.constant 0 : i32
    %broadcast_in_dim3A_747 = vector.broadcast %jit3A_746 : i32 to vector<16xi32>
    %select_n3A_748 = arith.select %lt3A_742, %sub3A_739, %broadcast_in_dim3A_747 : vector<16xi1>, vector<16xi32>
    %jit3A_749 = arith.constant 148 : i32
    %div3A_750 = arith.divsi %mul3A_2, %jit3A_749 : i32
    %sign3A_751 = arith.constant 0 : i32
    %sign3A_752 = arith.cmpi sgt, %mul3A_2, %sign3A_751 : i32
    %sign3A_753 = arith.extui %sign3A_752 : i1 to i32
    %sign3A_754 = arith.constant 0 : i32
    %sign3A_755 = arith.cmpi slt, %mul3A_2, %sign3A_754 : i32
    %sign3A_756 = arith.extui %sign3A_755 : i1 to i32
    %sign3A_757 = arith.subi %sign3A_753, %sign3A_756 : i32
    %sign3A_758 = arith.constant 0 : i32
    %sign3A_759 = arith.cmpi sgt, %jit3A_749, %sign3A_758 : i32
    %sign3A_760 = arith.extui %sign3A_759 : i1 to i32
    %sign3A_761 = arith.constant 0 : i32
    %sign3A_762 = arith.cmpi slt, %jit3A_749, %sign3A_761 : i32
    %sign3A_763 = arith.extui %sign3A_762 : i1 to i32
    %sign3A_764 = arith.subi %sign3A_760, %sign3A_763 : i32
    %ne3A_765 = arith.cmpi ne, %sign3A_757, %sign3A_764 : i32
    %rem3A_766 = arith.remsi %mul3A_2, %jit3A_749 : i32
    %ne3A_767 = arith.constant 0 : i32
    %ne3A_768 = arith.cmpi ne, %rem3A_766, %ne3A_767 : i32
    %and3A_769 = arith.andi %ne3A_765, %ne3A_768 : i1
    %sub3A_770 = arith.constant 1 : i32
    %sub3A_771 = arith.subi %div3A_750, %sub3A_770 : i32
    %select_n3A_772 = arith.select %and3A_769, %sub3A_771, %div3A_750 : i32
    %mul3A_773 = arith.constant 148 : i32
    %mul3A_774 = arith.muli %select_n3A_772, %mul3A_773 : i32
    %sub3A_775 = arith.subi %mul3A_2, %mul3A_774 : i32
    %scan3A = arith.constant 0 : i32
    %scan3A_776 = arith.constant 11 : i32
    %scan3A_777 = arith.addi %scan3A, %scan3A_776 : i32
    %scan3A_778 = arith.constant 1 : i32
    %scan3A_779:2 = scf.for %scan3A_781 = %scan3A to %scan3A_777 step %scan3A_778 iter_args(%scan3A_782 = %select_n3A_772, %scan3A_783 = %sub3A_775) -> (i32, i32)  : i32 {
      %mul3A_784 = arith.constant 64 : i32
      %mul3A_785 = arith.muli %scan3A_781, %mul3A_784 : i32
      %dma_start3A = tpu.memref_slice %arg5[%mul3A_785] : memref<704xi32, #tpu.memory_space<vmem>> -> memref<64xi32, #tpu.memory_space<vmem>>
      %dma_start3A_786 = arith.constant 0 : i32
      %dma_start3A_787 = arith.constant 0 : i32
      %dma_start3A_788 = tpu.memref_slice %arg2[%dma_start3A_786, %dma_start3A_787] : memref<16384x256xf32, #tpu.memory_space<hbm>> -> memref<16384x256xf32, #tpu.memory_space<hbm>>
      tpu.enqueue_indirect_dma source(%dma_start3A_788 : memref<16384x256xf32, #tpu.memory_space<hbm>>) target(%arg6 : memref<64x256xf32, #tpu.memory_space<vmem>>) offsets(%dma_start3A : memref<64xi32, #tpu.memory_space<vmem>>) semaphore(%arg8 : memref<!tpu.dma_semaphore, #tpu.memory_space<semaphore_mem>>)
      %dma_wait3A = tpu.memref_slice %arg5[%mul3A_785] : memref<704xi32, #tpu.memory_space<vmem>> -> memref<64xi32, #tpu.memory_space<vmem>>
      %dma_wait3A_789 = arith.constant 0 : i32
      %dma_wait3A_790 = arith.constant 0 : i32
      %dma_wait3A_791 = tpu.memref_slice %arg2[%dma_wait3A_789, %dma_wait3A_790] : memref<16384x256xf32, #tpu.memory_space<hbm>> -> memref<16384x256xf32, #tpu.memory_space<hbm>>
      tpu.wait_indirect_dma semaphore(%arg8 : memref<!tpu.dma_semaphore, #tpu.memory_space<semaphore_mem>>) src(%dma_wait3A_791 : memref<16384x256xf32, #tpu.memory_space<hbm>>) dst(%arg6 : memref<64x256xf32, #tpu.memory_space<vmem>>)
      %parallel_loop3A_792 = arith.constant 0 : i32
      %parallel_loop3A_793 = arith.constant 64 : i32
      %parallel_loop3A_794 = arith.constant 1 : i32
      scf.for %parallel_loop3A_802 = %parallel_loop3A_792 to %parallel_loop3A_793 step %parallel_loop3A_794  : i32 {
        %parallel_loop3A_803 = arith.constant 3 : i32
        %parallel_loop3A_804 = arith.andi %parallel_loop3A_802, %parallel_loop3A_803 : i32
        %parallel_loop3A_805 = arith.constant 16 : i32
        %parallel_loop3A_806 = arith.muli %parallel_loop3A_804, %parallel_loop3A_805 : i32
        %parallel_loop3A_807 = arith.constant 2 : i32
        %parallel_loop3A_808 = arith.shrsi %parallel_loop3A_802, %parallel_loop3A_807 : i32
        %parallel_loop3A_809 = arith.addi %parallel_loop3A_806, %parallel_loop3A_808 : i32
        %parallel_loop3A_810 = arith.addi %scan3A_783, %parallel_loop3A_809 : i32
        %parallel_loop3A_811 = arith.constant 148 : i32
        %parallel_loop3A_812 = arith.cmpi sge, %parallel_loop3A_810, %parallel_loop3A_811 : i32
        %parallel_loop3A_813 = arith.extui %parallel_loop3A_812 : i1 to i32
        %parallel_loop3A_814 = arith.addi %scan3A_782, %parallel_loop3A_813 : i32
        %parallel_loop3A_815 = arith.constant 148 : i32
        %parallel_loop3A_816 = arith.muli %parallel_loop3A_815, %parallel_loop3A_813 : i32
        %parallel_loop3A_817 = arith.subi %parallel_loop3A_810, %parallel_loop3A_816 : i32
        %parallel_loop3A_818 = arith.constant 134 : i32
        %parallel_loop3A_819 = arith.cmpi slt, %parallel_loop3A_814, %parallel_loop3A_818 : i32
        %parallel_loop3A_820 = arith.constant 134 : i32
        %parallel_loop3A_821 = arith.cmpi slt, %parallel_loop3A_817, %parallel_loop3A_820 : i32
        %parallel_loop3A_822 = arith.andi %parallel_loop3A_819, %parallel_loop3A_821 : i1
        %parallel_loop3A_823 = arith.constant 148 : i32
        %parallel_loop3A_824 = arith.select %parallel_loop3A_822, %parallel_loop3A_814, %parallel_loop3A_823 : i32
        %parallel_loop3A_825 = arith.constant 0 : i32
        %parallel_loop3A_826 = arith.select %parallel_loop3A_822, %parallel_loop3A_817, %parallel_loop3A_825 : i32
        %parallel_loop3A_827 = arith.index_cast %parallel_loop3A_809 : i32 to index
        %parallel_loop3A_828 = arith.constant 0 : index
        %parallel_loop3A_829 = tpu.vector_load %arg6[%parallel_loop3A_827, %parallel_loop3A_828] {strides = array<i32>} : memref<64x256xf32, #tpu.memory_space<vmem>>, vector<16xf32>,
        %parallel_loop3A_830 = vector.broadcast %parallel_loop3A_824 : i32 to vector<16xi32>
        %parallel_loop3A_831 = arith.addi %select_n3A_40, %parallel_loop3A_830 : vector<16xi32>
        %parallel_loop3A_832 = vector.broadcast %parallel_loop3A_826 : i32 to vector<16xi32>
        %parallel_loop3A_833 = arith.addi %select_n3A_43, %parallel_loop3A_832 : vector<16xi32>
        tpu.vector_store_idx %arg7[%parallel_loop3A_831, %parallel_loop3A_833], %parallel_loop3A_829 {add = true} : memref<176x160xf32, #tpu.memory_space<vmem>>[vector<16xi32>, vector<16xi32>], vector<16xf32>,
        %parallel_loop3A_834 = arith.index_cast %parallel_loop3A_809 : i32 to index
        %parallel_loop3A_835 = arith.constant 16 : index
        %parallel_loop3A_836 = tpu.vector_load %arg6[%parallel_loop3A_834, %parallel_loop3A_835] {strides = array<i32>} : memref<64x256xf32, #tpu.memory_space<vmem>>, vector<16xf32>,
        %parallel_loop3A_837 = vector.broadcast %parallel_loop3A_824 : i32 to vector<16xi32>
        %parallel_loop3A_838 = arith.addi %select_n3A_87, %parallel_loop3A_837 : vector<16xi32>
        %parallel_loop3A_839 = vector.broadcast %parallel_loop3A_826 : i32 to vector<16xi32>
        %parallel_loop3A_840 = arith.addi %select_n3A_90, %parallel_loop3A_839 : vector<16xi32>
        tpu.vector_store_idx %arg7[%parallel_loop3A_838, %parallel_loop3A_840], %parallel_loop3A_836 {add = true} : memref<176x160xf32, #tpu.memory_space<vmem>>[vector<16xi32>, vector<16xi32>], vector<16xf32>,
        %parallel_loop3A_841 = arith.index_cast %parallel_loop3A_809 : i32 to index
        %parallel_loop3A_842 = arith.constant 32 : index
        %parallel_loop3A_843 = tpu.vector_load %arg6[%parallel_loop3A_841, %parallel_loop3A_842] {strides = array<i32>} : memref<64x256xf32, #tpu.memory_space<vmem>>, vector<16xf32>,
        %parallel_loop3A_844 = vector.broadcast %parallel_loop3A_824 : i32 to vector<16xi32>
        %parallel_loop3A_845 = arith.addi %select_n3A_134, %parallel_loop3A_844 : vector<16xi32>
        %parallel_loop3A_846 = vector.broadcast %parallel_loop3A_826 : i32 to vector<16xi32>
        %parallel_loop3A_847 = arith.addi %select_n3A_137, %parallel_loop3A_846 : vector<16xi32>
        tpu.vector_store_idx %arg7[%parallel_loop3A_845, %parallel_loop3A_847], %parallel_loop3A_843 {add = true} : memref<176x160xf32, #tpu.memory_space<vmem>>[vector<16xi32>, vector<16xi32>], vector<16xf32>,
        %parallel_loop3A_848 = arith.index_cast %parallel_loop3A_809 : i32 to index
        %parallel_loop3A_849 = arith.constant 48 : index
        %parallel_loop3A_850 = tpu.vector_load %arg6[%parallel_loop3A_848, %parallel_loop3A_849] {strides = array<i32>} : memref<64x256xf32, #tpu.memory_space<vmem>>, vector<16xf32>,
        %parallel_loop3A_851 = vector.broadcast %parallel_loop3A_824 : i32 to vector<16xi32>
        %parallel_loop3A_852 = arith.addi %select_n3A_181, %parallel_loop3A_851 : vector<16xi32>
        %parallel_loop3A_853 = vector.broadcast %parallel_loop3A_826 : i32 to vector<16xi32>
        %parallel_loop3A_854 = arith.addi %select_n3A_184, %parallel_loop3A_853 : vector<16xi32>
        tpu.vector_store_idx %arg7[%parallel_loop3A_852, %parallel_loop3A_854], %parallel_loop3A_850 {add = true} : memref<176x160xf32, #tpu.memory_space<vmem>>[vector<16xi32>, vector<16xi32>], vector<16xf32>,
        %parallel_loop3A_855 = arith.index_cast %parallel_loop3A_809 : i32 to index
        %parallel_loop3A_856 = arith.constant 64 : index
        %parallel_loop3A_857 = tpu.vector_load %arg6[%parallel_loop3A_855, %parallel_loop3A_856] {strides = array<i32>} : memref<64x256xf32, #tpu.memory_space<vmem>>, vector<16xf32>,
        %parallel_loop3A_858 = vector.broadcast %parallel_loop3A_824 : i32 to vector<16xi32>
        %parallel_loop3A_859 = arith.addi %select_n3A_228, %parallel_loop3A_858 : vector<16xi32>
        %parallel_loop3A_860 = vector.broadcast %parallel_loop3A_826 : i32 to vector<16xi32>
        %parallel_loop3A_861 = arith.addi %select_n3A_231, %parallel_loop3A_860 : vector<16xi32>
        tpu.vector_store_idx %arg7[%parallel_loop3A_859, %parallel_loop3A_861], %parallel_loop3A_857 {add = true} : memref<176x160xf32, #tpu.memory_space<vmem>>[vector<16xi32>, vector<16xi32>], vector<16xf32>,
        %parallel_loop3A_862 = arith.index_cast %parallel_loop3A_809 : i32 to index
        %parallel_loop3A_863 = arith.constant 80 : index
        %parallel_loop3A_864 = tpu.vector_load %arg6[%parallel_loop3A_862, %parallel_loop3A_863] {strides = array<i32>} : memref<64x256xf32, #tpu.memory_space<vmem>>, vector<16xf32>,
        %parallel_loop3A_865 = vector.broadcast %parallel_loop3A_824 : i32 to vector<16xi32>
        %parallel_loop3A_866 = arith.addi %select_n3A_275, %parallel_loop3A_865 : vector<16xi32>
        %parallel_loop3A_867 = vector.broadcast %parallel_loop3A_826 : i32 to vector<16xi32>
        %parallel_loop3A_868 = arith.addi %select_n3A_278, %parallel_loop3A_867 : vector<16xi32>
        tpu.vector_store_idx %arg7[%parallel_loop3A_866, %parallel_loop3A_868], %parallel_loop3A_864 {add = true} : memref<176x160xf32, #tpu.memory_space<vmem>>[vector<16xi32>, vector<16xi32>], vector<16xf32>,
        %parallel_loop3A_869 = arith.index_cast %parallel_loop3A_809 : i32 to index
        %parallel_loop3A_870 = arith.constant 96 : index
        %parallel_loop3A_871 = tpu.vector_load %arg6[%parallel_loop3A_869, %parallel_loop3A_870] {strides = array<i32>} : memref<64x256xf32, #tpu.memory_space<vmem>>, vector<16xf32>,
        %parallel_loop3A_872 = vector.broadcast %parallel_loop3A_824 : i32 to vector<16xi32>
        %parallel_loop3A_873 = arith.addi %select_n3A_322, %parallel_loop3A_872 : vector<16xi32>
        %parallel_loop3A_874 = vector.broadcast %parallel_loop3A_826 : i32 to vector<16xi32>
        %parallel_loop3A_875 = arith.addi %select_n3A_325, %parallel_loop3A_874 : vector<16xi32>
        tpu.vector_store_idx %arg7[%parallel_loop3A_873, %parallel_loop3A_875], %parallel_loop3A_871 {add = true} : memref<176x160xf32, #tpu.memory_space<vmem>>[vector<16xi32>, vector<16xi32>], vector<16xf32>,
        %parallel_loop3A_876 = arith.index_cast %parallel_loop3A_809 : i32 to index
        %parallel_loop3A_877 = arith.constant 112 : index
        %parallel_loop3A_878 = tpu.vector_load %arg6[%parallel_loop3A_876, %parallel_loop3A_877] {strides = array<i32>} : memref<64x256xf32, #tpu.memory_space<vmem>>, vector<16xf32>,
        %parallel_loop3A_879 = vector.broadcast %parallel_loop3A_824 : i32 to vector<16xi32>
        %parallel_loop3A_880 = arith.addi %select_n3A_369, %parallel_loop3A_879 : vector<16xi32>
        %parallel_loop3A_881 = vector.broadcast %parallel_loop3A_826 : i32 to vector<16xi32>
        %parallel_loop3A_882 = arith.addi %select_n3A_372, %parallel_loop3A_881 : vector<16xi32>
        tpu.vector_store_idx %arg7[%parallel_loop3A_880, %parallel_loop3A_882], %parallel_loop3A_878 {add = true} : memref<176x160xf32, #tpu.memory_space<vmem>>[vector<16xi32>, vector<16xi32>], vector<16xf32>,
        %parallel_loop3A_883 = arith.index_cast %parallel_loop3A_809 : i32 to index
        %parallel_loop3A_884 = arith.constant 128 : index
        %parallel_loop3A_885 = tpu.vector_load %arg6[%parallel_loop3A_883, %parallel_loop3A_884] {strides = array<i32>} : memref<64x256xf32, #tpu.memory_space<vmem>>, vector<16xf32>,
        %parallel_loop3A_886 = vector.broadcast %parallel_loop3A_824 : i32 to vector<16xi32>
        %parallel_loop3A_887 = arith.addi %select_n3A_416, %parallel_loop3A_886 : vector<16xi32>
        %parallel_loop3A_888 = vector.broadcast %parallel_loop3A_826 : i32 to vector<16xi32>
        %parallel_loop3A_889 = arith.addi %select_n3A_419, %parallel_loop3A_888 : vector<16xi32>
        tpu.vector_store_idx %arg7[%parallel_loop3A_887, %parallel_loop3A_889], %parallel_loop3A_885 {add = true} : memref<176x160xf32, #tpu.memory_space<vmem>>[vector<16xi32>, vector<16xi32>], vector<16xf32>,
        %parallel_loop3A_890 = arith.index_cast %parallel_loop3A_809 : i32 to index
        %parallel_loop3A_891 = arith.constant 144 : index
        %parallel_loop3A_892 = tpu.vector_load %arg6[%parallel_loop3A_890, %parallel_loop3A_891] {strides = array<i32>} : memref<64x256xf32, #tpu.memory_space<vmem>>, vector<16xf32>,
        %parallel_loop3A_893 = vector.broadcast %parallel_loop3A_824 : i32 to vector<16xi32>
        %parallel_loop3A_894 = arith.addi %select_n3A_463, %parallel_loop3A_893 : vector<16xi32>
        %parallel_loop3A_895 = vector.broadcast %parallel_loop3A_826 : i32 to vector<16xi32>
        %parallel_loop3A_896 = arith.addi %select_n3A_466, %parallel_loop3A_895 : vector<16xi32>
        tpu.vector_store_idx %arg7[%parallel_loop3A_894, %parallel_loop3A_896], %parallel_loop3A_892 {add = true} : memref<176x160xf32, #tpu.memory_space<vmem>>[vector<16xi32>, vector<16xi32>], vector<16xf32>,
        %parallel_loop3A_897 = arith.index_cast %parallel_loop3A_809 : i32 to index
        %parallel_loop3A_898 = arith.constant 160 : index
        %parallel_loop3A_899 = tpu.vector_load %arg6[%parallel_loop3A_897, %parallel_loop3A_898] {strides = array<i32>} : memref<64x256xf32, #tpu.memory_space<vmem>>, vector<16xf32>,
        %parallel_loop3A_900 = vector.broadcast %parallel_loop3A_824 : i32 to vector<16xi32>
        %parallel_loop3A_901 = arith.addi %select_n3A_510, %parallel_loop3A_900 : vector<16xi32>
        %parallel_loop3A_902 = vector.broadcast %parallel_loop3A_826 : i32 to vector<16xi32>
        %parallel_loop3A_903 = arith.addi %select_n3A_513, %parallel_loop3A_902 : vector<16xi32>
        tpu.vector_store_idx %arg7[%parallel_loop3A_901, %parallel_loop3A_903], %parallel_loop3A_899 {add = true} : memref<176x160xf32, #tpu.memory_space<vmem>>[vector<16xi32>, vector<16xi32>], vector<16xf32>,
        %parallel_loop3A_904 = arith.index_cast %parallel_loop3A_809 : i32 to index
        %parallel_loop3A_905 = arith.constant 176 : index
        %parallel_loop3A_906 = tpu.vector_load %arg6[%parallel_loop3A_904, %parallel_loop3A_905] {strides = array<i32>} : memref<64x256xf32, #tpu.memory_space<vmem>>, vector<16xf32>,
        %parallel_loop3A_907 = vector.broadcast %parallel_loop3A_824 : i32 to vector<16xi32>
        %parallel_loop3A_908 = arith.addi %select_n3A_557, %parallel_loop3A_907 : vector<16xi32>
        %parallel_loop3A_909 = vector.broadcast %parallel_loop3A_826 : i32 to vector<16xi32>
        %parallel_loop3A_910 = arith.addi %select_n3A_560, %parallel_loop3A_909 : vector<16xi32>
        tpu.vector_store_idx %arg7[%parallel_loop3A_908, %parallel_loop3A_910], %parallel_loop3A_906 {add = true} : memref<176x160xf32, #tpu.memory_space<vmem>>[vector<16xi32>, vector<16xi32>], vector<16xf32>,
        %parallel_loop3A_911 = arith.index_cast %parallel_loop3A_809 : i32 to index
        %parallel_loop3A_912 = arith.constant 192 : index
        %parallel_loop3A_913 = tpu.vector_load %arg6[%parallel_loop3A_911, %parallel_loop3A_912] {strides = array<i32>} : memref<64x256xf32, #tpu.memory_space<vmem>>, vector<16xf32>,
        %parallel_loop3A_914 = vector.broadcast %parallel_loop3A_824 : i32 to vector<16xi32>
        %parallel_loop3A_915 = arith.addi %select_n3A_604, %parallel_loop3A_914 : vector<16xi32>
        %parallel_loop3A_916 = vector.broadcast %parallel_loop3A_826 : i32 to vector<16xi32>
        %parallel_loop3A_917 = arith.addi %select_n3A_607, %parallel_loop3A_916 : vector<16xi32>
        tpu.vector_store_idx %arg7[%parallel_loop3A_915, %parallel_loop3A_917], %parallel_loop3A_913 {add = true} : memref<176x160xf32, #tpu.memory_space<vmem>>[vector<16xi32>, vector<16xi32>], vector<16xf32>,
        %parallel_loop3A_918 = arith.index_cast %parallel_loop3A_809 : i32 to index
        %parallel_loop3A_919 = arith.constant 208 : index
        %parallel_loop3A_920 = tpu.vector_load %arg6[%parallel_loop3A_918, %parallel_loop3A_919] {strides = array<i32>} : memref<64x256xf32, #tpu.memory_space<vmem>>, vector<16xf32>,
        %parallel_loop3A_921 = vector.broadcast %parallel_loop3A_824 : i32 to vector<16xi32>
        %parallel_loop3A_922 = arith.addi %select_n3A_651, %parallel_loop3A_921 : vector<16xi32>
        %parallel_loop3A_923 = vector.broadcast %parallel_loop3A_826 : i32 to vector<16xi32>
        %parallel_loop3A_924 = arith.addi %select_n3A_654, %parallel_loop3A_923 : vector<16xi32>
        tpu.vector_store_idx %arg7[%parallel_loop3A_922, %parallel_loop3A_924], %parallel_loop3A_920 {add = true} : memref<176x160xf32, #tpu.memory_space<vmem>>[vector<16xi32>, vector<16xi32>], vector<16xf32>,
        %parallel_loop3A_925 = arith.index_cast %parallel_loop3A_809 : i32 to index
        %parallel_loop3A_926 = arith.constant 224 : index
        %parallel_loop3A_927 = tpu.vector_load %arg6[%parallel_loop3A_925, %parallel_loop3A_926] {strides = array<i32>} : memref<64x256xf32, #tpu.memory_space<vmem>>, vector<16xf32>,
        %parallel_loop3A_928 = vector.broadcast %parallel_loop3A_824 : i32 to vector<16xi32>
        %parallel_loop3A_929 = arith.addi %select_n3A_698, %parallel_loop3A_928 : vector<16xi32>
        %parallel_loop3A_930 = vector.broadcast %parallel_loop3A_826 : i32 to vector<16xi32>
        %parallel_loop3A_931 = arith.addi %select_n3A_701, %parallel_loop3A_930 : vector<16xi32>
        tpu.vector_store_idx %arg7[%parallel_loop3A_929, %parallel_loop3A_931], %parallel_loop3A_927 {add = true} : memref<176x160xf32, #tpu.memory_space<vmem>>[vector<16xi32>, vector<16xi32>], vector<16xf32>,
        %parallel_loop3A_932 = arith.index_cast %parallel_loop3A_809 : i32 to index
        %parallel_loop3A_933 = arith.constant 240 : index
        %parallel_loop3A_934 = tpu.vector_load %arg6[%parallel_loop3A_932, %parallel_loop3A_933] {strides = array<i32>} : memref<64x256xf32, #tpu.memory_space<vmem>>, vector<16xf32>,
        %parallel_loop3A_935 = vector.broadcast %parallel_loop3A_824 : i32 to vector<16xi32>
        %parallel_loop3A_936 = arith.addi %select_n3A_745, %parallel_loop3A_935 : vector<16xi32>
        %parallel_loop3A_937 = vector.broadcast %parallel_loop3A_826 : i32 to vector<16xi32>
        %parallel_loop3A_938 = arith.addi %select_n3A_748, %parallel_loop3A_937 : vector<16xi32>
        tpu.vector_store_idx %arg7[%parallel_loop3A_936, %parallel_loop3A_938], %parallel_loop3A_934 {add = true} : memref<176x160xf32, #tpu.memory_space<vmem>>[vector<16xi32>, vector<16xi32>], vector<16xf32>,
      } {sc.loop_unroll_factor = 4 : i64, sc.parallel_access}
      %add3A_795 = arith.constant 64 : i32
      %add3A_796 = arith.addi %scan3A_783, %add3A_795 : i32
      %ge3A = arith.constant 148 : i32
      %ge3A_797 = arith.cmpi sge, %add3A_796, %ge3A : i32
      %convert_element_type3A = arith.extui %ge3A_797 : i1 to i32
      %add3A_798 = arith.addi %scan3A_782, %convert_element_type3A : i32
      %mul3A_799 = arith.constant 148 : i32
      %mul3A_800 = arith.muli %mul3A_799, %convert_element_type3A : i32
      %sub3A_801 = arith.subi %add3A_796, %mul3A_800 : i32
      scf.yield %add3A_798, %sub3A_801 : i32, i32
    }
    %scan3A_780 = arith.constant 11 : i32
    "tpu.region"() ({
      %run_scoped3A = tpu.sem_alloc : memref<!tpu.dma_semaphore, #tpu.memory_space<semaphore_mem>>
      %dma_start3A = arith.constant 0 : i32
      %dma_start3A_781 = arith.constant 0 : i32
      %dma_start3A_782 = tpu.memref_slice %arg4[%add3A, %dma_start3A, %dma_start3A_781] : memref<32x176x160xf32, #tpu.memory_space<hbm>> -> memref<1x176x160xf32, #tpu.memory_space<hbm>>
      %dma_start3A_783 = tpu.memref_squeeze %dma_start3A_782 : memref<1x176x160xf32, #tpu.memory_space<hbm>> -> memref<176x160xf32, #tpu.memory_space<hbm>>
      %dma_start3A_784 = arith.constant 0 : i32
      %dma_start3A_785 = arith.constant 0 : i32
      %dma_start3A_786 = tpu.memref_slice %arg4[%add3A, %dma_start3A_784, %dma_start3A_785] : memref<32x176x160xf32, #tpu.memory_space<hbm>> -> memref<1x176x160xf32, #tpu.memory_space<hbm>>
      %dma_start3A_787 = tpu.memref_squeeze %dma_start3A_786 : memref<1x176x160xf32, #tpu.memory_space<hbm>> -> memref<176x160xf32, #tpu.memory_space<hbm>>
      tpu.enqueue_dma source(%arg7 : memref<176x160xf32, #tpu.memory_space<vmem>>) target(%dma_start3A_787 : memref<176x160xf32, #tpu.memory_space<hbm>>) target_semaphore(%run_scoped3A : memref<!tpu.dma_semaphore, #tpu.memory_space<semaphore_mem>>)
      %dma_wait3A = arith.constant 0 : i32
      %dma_wait3A_788 = arith.constant 0 : i32
      %dma_wait3A_789 = tpu.memref_slice %arg4[%add3A, %dma_wait3A, %dma_wait3A_788] : memref<32x176x160xf32, #tpu.memory_space<hbm>> -> memref<1x176x160xf32, #tpu.memory_space<hbm>>
      %dma_wait3A_790 = tpu.memref_squeeze %dma_wait3A_789 : memref<1x176x160xf32, #tpu.memory_space<hbm>> -> memref<176x160xf32, #tpu.memory_space<hbm>>
      %dma_wait3A_791 = arith.constant 0 : i32
      %dma_wait3A_792 = arith.constant 0 : i32
      %dma_wait3A_793 = tpu.memref_slice %arg4[%add3A, %dma_wait3A_791, %dma_wait3A_792] : memref<32x176x160xf32, #tpu.memory_space<hbm>> -> memref<1x176x160xf32, #tpu.memory_space<hbm>>
      %dma_wait3A_794 = tpu.memref_squeeze %dma_wait3A_793 : memref<1x176x160xf32, #tpu.memory_space<hbm>> -> memref<176x160xf32, #tpu.memory_space<hbm>>
      tpu.wait_dma2 semaphore(%run_scoped3A : memref<!tpu.dma_semaphore, #tpu.memory_space<semaphore_mem>>) src(%arg7 : memref<176x160xf32, #tpu.memory_space<vmem>>) dst(%dma_wait3A_794 : memref<176x160xf32, #tpu.memory_space<hbm>>)
      tpu.yield
    }) : () -> ()
    return
  }
}

module attributes {stable_mosaic.version = 14 : i64} {
  func.func @_argmin_body(%arg0: i32, %arg1: i32, %arg2: memref<256x2048xf32, #tpu.memory_space<vmem>>, %arg3: memref<512x256xf32, #tpu.memory_space<vmem>>, %arg4: memref<1x1x2048xi32, #tpu.memory_space<vmem>>, %arg5: memref<2048x1xf32, #tpu.memory_space<vmem>>, %arg6: memref<2048x1xi32, #tpu.memory_space<vmem>>) attributes {dimension_semantics = [#tpu.dimension_semantics<parallel>, #tpu.dimension_semantics<arbitrary>], iteration_bounds = array<i64: 11, 32>, scalar_prefetch = 0 : i64, scratch_operands = 2 : i64, tpu.core_type = #tpu.core_type<tc>, window_params = [{transform_indices = @transform_0, window_bounds = array<i64: 256, 2048>}, {transform_indices = @transform_1, window_bounds = array<i64: 512, 256>}, {transform_indices = @transform_2, window_bounds = array<i64: 1, 1, 2048>}]} {
    %get3A = arith.constant 0 : index
    %get3A_0 = arith.constant 0 : index
    %get3A_1 = vector.load %arg2[%get3A, %get3A_0] : memref<256x2048xf32, #tpu.memory_space<vmem>>, vector<256x2048xf32>
    %get3A_2 = arith.constant 0 : index
    %get3A_3 = arith.constant 0 : index
    %get3A_4 = vector.load %arg3[%get3A_2, %get3A_3] : memref<512x256xf32, #tpu.memory_space<vmem>>, vector<512x256xf32>
    %dot_general3A = arith.constant dense<0.000000e+00> : vector<2048x512xf32>
    %dot_general3A_5 = tpu.matmul %get3A_1, %get3A_4, %dot_general3A {dimension_numbers = #tpu.dot_dimension_numbers<[0], [1], [1], [0], [0, 1, 1, 0], [], []>, transpose_lhs_hint = true} : vector<256x2048xf32>, vector<512x256xf32>, vector<2048x512xf32> -> vector<2048x512xf32>
    %reduce_max3A = arith.constant dense<0xFF800000> : vector<2048xf32>
    %reduce_max3A_6 = vector.multi_reduction <maximumf>, %dot_general3A_5, %reduce_max3A [1] : vector<2048x512xf32> to vector<2048xf32>
    %broadcast_in_dim3A = vector.shape_cast %reduce_max3A_6 : vector<2048xf32> to vector<2048x1xf32>
    %iota3A = tpu.iota {dimensions = array<i32: 1>} : vector<2048x512xi32>
    %eq3A = vector.broadcast %broadcast_in_dim3A : vector<2048x1xf32> to vector<2048x512xf32>
    %eq3A_7 = arith.cmpf oeq, %dot_general3A_5, %eq3A : vector<2048x512xf32>
    %jit3A = arith.constant 1073741824 : i32
    %broadcast_in_dim3A_8 = vector.broadcast %jit3A : i32 to vector<2048x512xi32>
    %select_n3A = arith.select %eq3A_7, %iota3A, %broadcast_in_dim3A_8 : vector<2048x512xi1>, vector<2048x512xi32>
    %reduce_min3A = arith.constant dense<2147483647> : vector<2048xi32>
    %reduce_min3A_9 = vector.multi_reduction <minsi>, %select_n3A, %reduce_min3A [1] : vector<2048x512xi32> to vector<2048xi32>
    %broadcast_in_dim3A_10 = vector.shape_cast %reduce_min3A_9 : vector<2048xi32> to vector<2048x1xi32>
    %mul3A = arith.constant 512 : i32
    %mul3A_11 = arith.muli %arg1, %mul3A : i32
    %add3A = vector.broadcast %mul3A_11 : i32 to vector<2048x1xi32>
    %add3A_12 = arith.addi %broadcast_in_dim3A_10, %add3A : vector<2048x1xi32>
    %eq3A_13 = arith.constant 0 : i32
    %eq3A_14 = arith.cmpi eq, %arg1, %eq3A_13 : i32
    %convert_element_type3A = arith.extui %eq3A_14 : i1 to i32
    %cond3A = arith.constant 0 : i32
    %cond3A_15 = arith.cmpi ne, %convert_element_type3A, %cond3A : i32
    scf.if %cond3A_15 {
      %broadcast_in_dim3A_37 = arith.constant 0xFF800000 : f32
      %broadcast_in_dim3A_38 = vector.broadcast %broadcast_in_dim3A_37 : f32 to vector<2048x1xf32>
      %swap3A_39 = arith.constant 0 : index
      %swap3A_40 = arith.constant 0 : index
      %swap3A_41 = vector.load %arg5[%swap3A_39, %swap3A_40] : memref<2048x1xf32, #tpu.memory_space<vmem>>, vector<2048x1xf32>
      tpu.vector_store %arg5[%swap3A_39, %swap3A_40], %broadcast_in_dim3A_38 {strides = array<i32>} : memref<2048x1xf32, #tpu.memory_space<vmem>>, vector<2048x1xf32>,
      %broadcast_in_dim3A_42 = arith.constant 0 : i32
      %broadcast_in_dim3A_43 = vector.broadcast %broadcast_in_dim3A_42 : i32 to vector<2048x1xi32>
      %swap3A_44 = arith.constant 0 : index
      %swap3A_45 = arith.constant 0 : index
      %swap3A_46 = vector.load %arg6[%swap3A_44, %swap3A_45] : memref<2048x1xi32, #tpu.memory_space<vmem>>, vector<2048x1xi32>
      tpu.vector_store %arg6[%swap3A_44, %swap3A_45], %broadcast_in_dim3A_43 {strides = array<i32>} : memref<2048x1xi32, #tpu.memory_space<vmem>>, vector<2048x1xi32>,
    } else {
    }
    %get3A_16 = arith.constant 0 : index
    %get3A_17 = arith.constant 0 : index
    %get3A_18 = vector.load %arg5[%get3A_16, %get3A_17] : memref<2048x1xf32, #tpu.memory_space<vmem>>, vector<2048x1xf32>
    %gt3A = arith.cmpf ogt, %broadcast_in_dim3A, %get3A_18 : vector<2048x1xf32>
    %get3A_19 = arith.constant 0 : index
    %get3A_20 = arith.constant 0 : index
    %get3A_21 = vector.load %arg5[%get3A_19, %get3A_20] : memref<2048x1xf32, #tpu.memory_space<vmem>>, vector<2048x1xf32>
    %select_n3A_22 = arith.select %gt3A, %broadcast_in_dim3A, %get3A_21 : vector<2048x1xi1>, vector<2048x1xf32>
    %swap3A = arith.constant 0 : index
    %swap3A_23 = arith.constant 0 : index
    %swap3A_24 = vector.load %arg5[%swap3A, %swap3A_23] : memref<2048x1xf32, #tpu.memory_space<vmem>>, vector<2048x1xf32>
    tpu.vector_store %arg5[%swap3A, %swap3A_23], %select_n3A_22 {strides = array<i32>} : memref<2048x1xf32, #tpu.memory_space<vmem>>, vector<2048x1xf32>,
    %get3A_25 = arith.constant 0 : index
    %get3A_26 = arith.constant 0 : index
    %get3A_27 = vector.load %arg6[%get3A_25, %get3A_26] : memref<2048x1xi32, #tpu.memory_space<vmem>>, vector<2048x1xi32>
    %select_n3A_28 = arith.select %gt3A, %add3A_12, %get3A_27 : vector<2048x1xi1>, vector<2048x1xi32>
    %swap3A_29 = arith.constant 0 : index
    %swap3A_30 = arith.constant 0 : index
    %swap3A_31 = vector.load %arg6[%swap3A_29, %swap3A_30] : memref<2048x1xi32, #tpu.memory_space<vmem>>, vector<2048x1xi32>
    tpu.vector_store %arg6[%swap3A_29, %swap3A_30], %select_n3A_28 {strides = array<i32>} : memref<2048x1xi32, #tpu.memory_space<vmem>>, vector<2048x1xi32>,
    %eq3A_32 = arith.constant 31 : i32
    %eq3A_33 = arith.cmpi eq, %arg1, %eq3A_32 : i32
    %convert_element_type3A_34 = arith.extui %eq3A_33 : i1 to i32
    %cond3A_35 = arith.constant 0 : i32
    %cond3A_36 = arith.cmpi ne, %convert_element_type3A_34, %cond3A_35 : i32
    scf.if %cond3A_36 {
      %get3A_37 = arith.constant 0 : index
      %get3A_38 = arith.constant 0 : index
      %get3A_39 = vector.load %arg6[%get3A_37, %get3A_38] : memref<2048x1xi32, #tpu.memory_space<vmem>>, vector<2048x1xi32>
      %reshape3A = vector.shape_cast %get3A_39 : vector<2048x1xi32> to vector<1x1x2048xi32>
      %swap3A_40 = arith.constant 0 : index
      %swap3A_41 = arith.constant 0 : index
      %swap3A_42 = arith.constant 0 : index
      %swap3A_43 = vector.load %arg4[%swap3A_40, %swap3A_41, %swap3A_42] : memref<1x1x2048xi32, #tpu.memory_space<vmem>>, vector<1x1x2048xi32>
      tpu.vector_store %arg4[%swap3A_40, %swap3A_41, %swap3A_42], %reshape3A {strides = array<i32>} : memref<1x1x2048xi32, #tpu.memory_space<vmem>>, vector<1x1x2048xi32>,
    } else {
    }
    return
  }
  func.func @transform_0(%arg0: i32, %arg1: i32) -> (i32, i32) {
    %c0_i32 = arith.constant 0 : i32
    %c0_i32_0 = arith.constant 0 : i32
    return %c0_i32, %arg0 : i32, i32
  }
  func.func @transform_1(%arg0: i32, %arg1: i32) -> (i32, i32) {
    %c0_i32 = arith.constant 0 : i32
    %c0_i32_0 = arith.constant 0 : i32
    return %arg1, %c0_i32 : i32, i32
  }
  func.func @transform_2(%arg0: i32, %arg1: i32) -> (i32, i32, i32) {
    %c0_i32 = arith.constant 0 : i32
    %c0_i32_0 = arith.constant 0 : i32
    %c0_i32_1 = arith.constant 0 : i32
    return %arg0, %c0_i32, %c0_i32_0 : i32, i32, i32
  }
}

module attributes {stable_mosaic.version = 14 : i64} {
  func.func @_epilogue_body(%arg0: memref<32x176x160xf32, #tpu.memory_space<vmem>>, %arg1: memref<64x128xf32, #tpu.memory_space<vmem>>, %arg2: memref<64x64xf32, #tpu.memory_space<vmem>>) attributes {dimension_semantics = [], scalar_prefetch = 0 : i64, scratch_operands = 0 : i64, tpu.core_type = #tpu.core_type<tc>} {
    %get3A = arith.constant 0 : index
    %get3A_0 = arith.constant 0 : index
    %get3A_1 = arith.constant 0 : index
    %get3A_2 = vector.load %arg0[%get3A, %get3A_0, %get3A_1] : memref<32x176x160xf32, #tpu.memory_space<vmem>>, vector<32x176x160xf32>
    %reduce_sum3A = arith.constant dense<0.000000e+00> : vector<176x160xf32>
    %reduce_sum3A_3 = vector.multi_reduction <add>, %get3A_2, %reduce_sum3A [0] : vector<32x176x160xf32> to vector<176x160xf32>
    %slice3A = vector.extract_strided_slice %reduce_sum3A_3 {offsets = [10, 10], sizes = [128, 128], strides = [1, 1]} : vector<176x160xf32> to vector<128x128xf32>
    %get3A_4 = arith.constant 0 : index
    %get3A_5 = arith.constant 0 : index
    %get3A_6 = vector.load %arg1[%get3A_4, %get3A_5] : memref<64x128xf32, #tpu.memory_space<vmem>>, vector<64x128xf32>
    %dot_general3A = arith.constant dense<0.000000e+00> : vector<64x128xf32>
    %dot_general3A_7 = tpu.matmul %get3A_6, %slice3A, %dot_general3A {dimension_numbers = #tpu.dot_dimension_numbers<[1], [0], [0], [1], [0, 0, 1, 1], [], []>, precision = #tpu.contract_precision<fp32>, transpose_lhs_hint = false} : vector<64x128xf32>, vector<128x128xf32>, vector<64x128xf32> -> vector<64x128xf32>
    %dot_general3A_8 = arith.constant dense<0.000000e+00> : vector<64x64xf32>
    %dot_general3A_9 = tpu.matmul %dot_general3A_7, %get3A_6, %dot_general3A_8 {dimension_numbers = #tpu.dot_dimension_numbers<[1], [1], [0], [0], [0, 0, 1, 0], [], []>, precision = #tpu.contract_precision<fp32>, transpose_lhs_hint = false} : vector<64x128xf32>, vector<64x128xf32>, vector<64x64xf32> -> vector<64x64xf32>
    %reduce_max3A = vector.shape_cast %dot_general3A_9 : vector<64x64xf32> to vector<1x64x64xf32>
    %reduce_max3A_10 = arith.constant dense<0xFF800000> : vector<1xf32>
    %reduce_max3A_11 = vector.multi_reduction <maximumf>, %reduce_max3A, %reduce_max3A_10 [1, 2] : vector<1x64x64xf32> to vector<1xf32>
    %reduce_max3A_12 = vector.shape_cast %reduce_max3A_11 : vector<1xf32> to vector<1x1x1xf32>
    %reduce_max3A_13 = vector.extract %reduce_max3A_12[0, 0, 0] : f32 from vector<1x1x1xf32>
    %div3A = vector.broadcast %reduce_max3A_13 : f32 to vector<64x64xf32>
    %div3A_14 = arith.divf %dot_general3A_9, %div3A : vector<64x64xf32>
    %swap3A = arith.constant 0 : index
    %swap3A_15 = arith.constant 0 : index
    %swap3A_16 = vector.load %arg2[%swap3A, %swap3A_15] : memref<64x64xf32, #tpu.memory_space<vmem>>, vector<64x64xf32>
    tpu.vector_store %arg2[%swap3A, %swap3A_15], %div3A_14 {strides = array<i32>} : memref<64x64xf32, #tpu.memory_space<vmem>>, vector<64x64xf32>,
    return
  }
}

</mosaic_0001>

<sc_bundles>
// kernel: kernel.5.cloned.1.call-start
scs
__scs_entry_jumppad:
0x0: {  	(pc) =	sbr.rel $0x88, $3  }
0x1: {  	(tag) =	ssettag $0x0;
	lr =	simm.s32 $0x1  }
0x2: {  	[smem:$0x3F9F] =	sst lr;
	_ =	strace $0xD0000000  }
0x3: {  	_ = 	snop  }
0x4: {  	_ = 	snop  }
0x5: {  	_ = 	snop  }
0x6: {  	_ = 	snop  }
0x7: {  	_ = 	snop  }
__scs_overlays_trampoline_lowered:
0x8: {  	[smem:$0x3FAE] =	sst s0  }
0x9: {  	[smem:$0x3FAF] =	sst s1  }
0xa: {  	[smem:$0x3FB0] =	sst s2  }
0xb: {  	[smem:$0x3FB1] =	sst s3  }
0xc: {  	[smem:$0x3FB2] =	sst s4  }
0xd: {  	[smem:$0x3FB3] =	sst s5  }
0xe: {  	[smem:$0x3FB4] =	sst s6  }
0xf: {  	[smem:$0x3FB5] =	sst s7  }
0x10: {  	[smem:$0x3FB6] =	sst s8  }
0x11: {  	[smem:$0x3FB7] =	sst s9;
	s0 =	simm.s32 @!p0 $0x0  }
0x12: {  	s1 =	sld [smem:$0x3F9D];
	s0 =	simm.s32 @p0 $0x1  }
0x13: {  	[smem:$0x3FB8] =	sst s0;
	s0 =	simm.s32 @!p1 $0x0  }
0x14: {  	s2 =	sld [smem:$0x3F9C];
	s0 =	simm.s32 @p1 $0x1  }
0x15: {  	[smem:$0x3FB9] =	sst s0;
	s0 =	simm.s32 @!p2 $0x0  }
0x16: {  	s3 =	sld [smem:$0x3FDB];
	s0 =	simm.s32 @p2 $0x1  }
0x17: {  	s4 =	simm.s32 $0x1BF5;
	[smem:$0x3FBB] =	sst s0  }
0x18: {  	s0 =	sld [smem:$0x3F9E];
	_ =	swait.ge [sflag:s4], $0x0  }
0x19: {  	s7 =	sld [smem:$0x3F9F]  }
0x1a: {  	s8 =	sadd.s32 $0xFFFFE003, lr  }
0x1b: {  	s9 =	sadd.s32 $0xFFFFFEF7, lr;
	s5 =	simm.s32 $0xFFFFFFFF;
	p2 =	slt.u32 s8, $0xFFFFF086  }
0x1c: {  	p1 =	slt.u32 s9, $0xF7A;
	s5 =	simm.s32 @!p2 $0x0  }
0x1d: {  	s5 =	simm.s32 @p1 $0x1;
	p0 =	seq.s32 s7, s2  }
0x1e: {  	s7 =	smul.u32 @!p0 $0xF7A, s2;
	p2 =	seq.s32 @!p0 s5, $0x0  }
0x1f: {  	s9 =	smul.u32 $0xF7A, s1;
	s8 =	simm.s32 @!p0 $0x1BF5;
	p2 =	por !p2, p0  }
0x20: {  	[sflag:s8] =	ssyncset.s32 @!p0 $0xFFFFF086;
	s6 =	sadd.s32 @!p0 s3, s7;
	s7 =	simm.s32 @!p0 $0x108  }
0x21: {  	s3 =	sadd.s32 s3, s9;
	s6 =	sadd.s32 @!p0 $0x88, s6;
	s7 =	simm.s32 @p2 $0x1082  }
0x22: {  	[simem:s7], [sflag:s8] =	dma.local @!p0 [hbm:s6], $0xF7A  }
0x23: {  	s9 =	sor.u32 $0xD0000000, s2;
	s6 =	simm.s32 $0x108;
	_ =	swait.ge @!p0 [sflag:s8], $0x0  }
0x24: {  	s3 =	sadd.s32 $0x88, s3;
	s6 =	simm.s32 @!p1 $0x1082;
	[sflag:s4] =	ssyncset.s32 $0xFFFFF086  }
0x25: {  	[simem:s6], [sflag:s4] =	dma.local [hbm:s3], $0xF7A  }
0x26: {  	[smem:$0x3F9F] =	sst s1;
	(tag) =	ssettag s2;
	_ =	strace s9  }
0x27: {  	s1 =	sld [smem:$0x3FAF]  }
0x28: {  	s2 =	sld [smem:$0x3FB0]  }
0x29: {  	s4 =	sld [smem:$0x3FB2]  }
0x2a: {  	p0 =	seq.s32 s5, $0x0;
	s5 =	sld [smem:$0x3FB3]  }
0x2b: {  	s6 =	sld [smem:$0x3FB4]  }
0x2c: {  	s7 =	sld [smem:$0x3FB5]  }
0x2d: {  	s3 =	simm.s32 $0x108;
	s8 =	sld [smem:$0x3FB6]  }
0x2e: {  	s3 =	simm.s32 @!p0 $0x1082;
	s9 =	sld [smem:$0x3FB7]  }
0x2f: {  	lr =	sadd.s32 s0, s3;
	s0 =	sld [smem:$0x3FAE]  }
0x30: {  	s3 =	sld [smem:$0x3FB1]  }
0x31: {  	[smem:$0x3FBA] =	sst s10  }
0x32: {  	s10 =	sld [smem:$0x3FB8];
	_ =	sdelay $0x3  }
0x33: {  	p0 =	seq.s32 s10, $0x1;
	s10 =	sld [smem:$0x3FBA];
	_ =	sdelay $0x3  }
0x34: {  	[smem:$0x3FBA] =	sst s10  }
0x35: {  	s10 =	sld [smem:$0x3FB9];
	_ =	sdelay $0x3  }
0x36: {  	p1 =	seq.s32 s10, $0x1;
	s10 =	sld [smem:$0x3FBA];
	_ =	sdelay $0x3  }
0x37: {  	[smem:$0x3FBA] =	sst s10  }
0x38: {  	s10 =	sld [smem:$0x3FBB]  }
0x39: {  	_ = 	snop;
	(pc) =	sbr.ind lr, $3  }
0x3a: {  	_ = 	snop  }
0x3b: {  	_ = 	snop  }
0x3c: {  	p2 =	seq.s32 s10, $0x1;
	s10 =	sld [smem:$0x3FBA]  }
0x3d: {  	_ =	shalt  }
0x3e: {  	_ =	shalt  }
0x3f: {  	_ =	shalt  }
0x40: {  	_ =	shalt  }
0x41: {  	_ =	shalt  }
0x42: {  	_ =	shalt  }
0x43: {  	_ =	shalt  }
0x44: {  	_ =	shalt  }
0x45: {  	_ =	shalt  }
0x46: {  	_ =	shalt  }
0x47: {  	_ =	shalt  }
0x48: {  	_ =	shalt  }
0x49: {  	_ =	shalt  }
0x4a: {  	_ =	shalt  }
0x4b: {  	_ =	shalt  }
0x4c: {  	_ =	shalt  }
0x4d: {  	_ =	shalt  }
0x4e: {  	_ =	shalt  }
0x4f: {  	_ =	shalt  }
0x50: {  	_ =	shalt  }
0x51: {  	_ =	shalt  }
0x52: {  	_ =	shalt  }
0x53: {  	_ =	shalt  }
0x54: {  	_ =	shalt  }
0x55: {  	_ =	shalt  }
0x56: {  	_ =	shalt  }
0x57: {  	_ =	shalt  }
0x58: {  	_ =	shalt  }
0x59: {  	_ =	shalt  }
0x5a: {  	_ =	shalt  }
0x5b: {  	_ =	shalt  }
0x5c: {  	_ =	shalt  }
0x5d: {  	_ =	shalt  }
0x5e: {  	_ =	shalt  }
0x5f: {  	_ =	shalt  }
0x60: {  	_ =	shalt  }
0x61: {  	_ =	shalt  }
0x62: {  	_ =	shalt  }
0x63: {  	_ =	shalt  }
0x64: {  	_ =	shalt  }
0x65: {  	_ =	shalt  }
0x66: {  	_ =	shalt  }
0x67: {  	_ =	shalt  }
0x68: {  	_ =	shalt  }
0x69: {  	_ =	shalt  }
0x6a: {  	_ =	shalt  }
0x6b: {  	_ =	shalt  }
0x6c: {  	_ =	shalt  }
0x6d: {  	_ =	shalt  }
0x6e: {  	_ =	shalt  }
0x6f: {  	_ =	shalt  }
0x70: {  	_ =	shalt  }
0x71: {  	_ =	shalt  }
0x72: {  	_ =	shalt  }
0x73: {  	_ =	shalt  }
0x74: {  	_ =	shalt  }
0x75: {  	_ =	shalt  }
0x76: {  	_ =	shalt  }
0x77: {  	_ =	shalt  }
0x78: {  	_ =	shalt  }
0x79: {  	_ =	shalt  }
0x7a: {  	_ =	shalt  }
0x7b: {  	_ =	shalt  }
0x7c: {  	_ =	shalt  }
0x7d: {  	_ =	shalt  }
0x7e: {  	_ =	shalt  }
0x7f: {  	_ =	shalt  }
0x80: {  	_ =	shalt  }
0x81: {  	_ =	shalt  }
0x82: {  	_ =	shalt  }
0x83: {  	_ =	shalt  }
0x84: {  	_ =	shalt  }
0x85: {  	_ =	shalt  }
0x86: {  	_ =	shalt  }
0x87: {  	_ =	shalt  }
.Lfunc_end0:
.L_simem_size_0:
called_computation_lowered:
.L_overlay_start_0:
0x88: {  	s2 =	sld [smem:$0x3FD9]  }
0x89: {  	s3 =	sld [smem:$0x3FFE];
	_ =	sdelay $0x1  }
0x8a: {  	s1 =	srdreg.scid  }
0x8b: {  	s0 =	sand.u32 $0x1, s1  }
0x8c: {  	s16 =	sshll.u32 s0, $0xA;
	s2 =	sadd.s32 s3, s2  }
0x8d: {  	s2 =	sadd.s32 s2, s16  }
0x8e: {  	[smem:$0x3FC6] =	sst s2  }
0x8f: {  	_ = 	snop  }
0x90: {  	(tm) =	ssettm $0x1  }
0x91: {  	s17 =	sld [smem:$0x3FFB];
	_ =	sdelay $0x3  }
0x92: {  	_ =	strace s17  }
0x93: {  	s2 =	sld [smem:$0x3FFC];
	_ =	sdelay $0x3  }
0x94: {  	_ =	strace s2  }
0x95: {  	s2 =	sld [smem:$0x3FFD];
	_ =	sdelay $0x3  }
0x96: {  	_ =	strace s2  }
0x97: {  	_ =	strace $0x8FFFFFFF  }
0x98: {  	s18 =	sld [smem:$0x3FDB];
	_ =	sdelay $0x1  }
0x99: {  	s19 =	simm.s32 $_scs_section_size  }
0x9a: {  	s4 =	simm.s32 $_size__tile_overlayer_lowered;
	s5 =	simm.s32 $_tile_overlayer_lowered  }
0x9b: {  	s22 =	simm.s32 $0x1BFF;
	s21 =	sshll.u32 s5, $0x1;
	s2 =	sadd.s32 s19, s18  }
0x9c: {  	s6 =	simm.s32 $0x0;
	s20 =	sshll.u32 s4, $0x1;
	s4 =	sadd.s32 s21, s2  }
0x9d: {  	[timem:s6], [sflag:s22] =	dma.local [hbm:s4], s20  }
0x9e: {  	_ =	swait.ge [sflag:s22], s20  }
0x9f: {  	s3 =	ssub.s32 $0x0, s20;
	[sflag:s22] =	ssyncset.done $0x0  }
0xa0: {  	[sflag:s22] =	ssyncadd.s32 s3;
	_ =	sdelay $0x1  }
0xa1: {  	s23 =	simm.s32 $0x1B8B  }
0xa2: {  	_ =	swait.ge [sflag:s23], $0x1  }
0xa3: {  	[sflag:s23] =	ssyncset.done $0x0  }
0xa4: {  	s25 =	simm.s32 $0x1B8E;
	s24 =	sld [smem:$0x3FFE];
	[sflag:s23] =	ssyncadd.s32 $0xFFFFFFFF  }
0xa5: {  	s26 =	simm.s32 $execute0_lowered;
	[smem:$0x3FD2] =	sst s25  }
0xa6: {  	s4 =	sshll.u32 s26, $0x1;
	_ =	strace $0x80000046;
	[dreg:$0x1] =	wrdreg $0xFFFFFFFF  }
0xa7: {  	s28 =	simm.s32 $_size_execute0_lowered;
	s2 =	sadd.s32 s2, s4;
	[dreg:$0x0] =	wrdreg $0x0  }
0xa8: {  	s4 =	sshll.u32 s28, $0x1;
	[dreg:$0x2] =	wrdreg s2  }
0xa9: {  	[dreg:$0x3] =	wrdreg s4  }
0xaa: {  	[dreg:$0x4] =	wrdreg $0xC0  }
0xab: {  	_ =	task [dreg:s6], $0x5FFFF  }
0xac: {  	[dreg:$0x1] =	wrdreg $0xFFFFFFFF  }
0xad: {  	[dreg:$0x0] =	wrdreg $0x60  }
0xae: {  	[dreg:$0x2] =	wrdreg s24  }
0xaf: {  	[dreg:$0x3] =	wrdreg $0x9  }
0xb0: {  	_ =	task.clear_ibuf [dreg:s6], $0x4FFFF;
	_ =	strace $0x90000046  }
0xb1: {  	s29 =	simm.s32 $0x9;
	_ =	strace $0x80000048  }
0xb2: {  	_ =	swait.ge [sflag:s29], $0x1  }
0xb3: {  	[sflag:s29] =	ssyncadd.s32 $0xFFFFFFFF  }
0xb4: {  	_ =	strace $0x90000048  }
0xb5: {  	_ =	sfence  }
0xb6: {  	s30 =	sld [smem:$0x0];
	_ =	sdelay $0x2  }
0xb7: {  	s31 =	sshll.u32 s1, $0xD;
	s1 =	sshrl.u32 s1, $0x2  }
0xb8: {  	s3 =	sand.u32 $0x4000, s31;
	s1 =	sadd.s32 s1, s30  }
0xb9: {  	s0 =	sor.u32 s3, s0;
	s1 =	sshll.u32 s1, $0x11  }
0xba: {  	s0 =	sor.u32 s1, s0  }
0xbb: {  	s0 =	sadd.s32 $0x8F2B, s0  }
0xbc: {  	[sflag:s0] =	ssyncadd.remote.s32 $0x1  }
0xbd: {  	_ =	sfence.sel $0xFFFF  }
0xbe: {  	[dreg:$0x0] =	wrdreg $0xFFFFFFFF;
	(pc) =	sbr.abs _section_cstart, $3  }
0xbf: {  	[dreg:$0x1] =	wrdreg $0xFFFFFFFF  }
0xc0: {  	_ =	task.clear_ibuf [dreg:s6], $0x2FFFF;
	_ =	strace $0x9FFFFFFF  }
0xc1: {  	(tm) =	ssettm $0x7FFFFFFF  }
tec
execute0_lowered:
.L_overlay_start_1:
0x0: {  	(tag) =	ssettag $0x1  }
0x1: {  	v1 =	vimm.s32 $0x76543218  }
0x2: {  	v0 =	vimm.f32 $0.0e+00;
	v18 =	vlaneseq.u32;
	vm0 =	vcmask $0x3B00  }
0x3: {  	v3 =	vimm.s32 $0xEDCBA90;
	v4 =	vimm.s32 $0x1;
	vm2 =	vcmask $0x2304  }
0x4: {  	vm1 =	vcmask $0x3F24;
	v6 =	vimm.s32 $0x10EDCBA0;
	v2 =	vunpack.c.l.s4.s8 v1  }
0x5: {  	v8 =	vimm.s32 $0x210EDCB0;
	v9 =	vimm.s32 $0x3210EDC0;
	v11 =	vimm.s32 $0x543210E0  }
0x6: {  	v12 =	vimm.s32 $0x76543210;
	v3 =	vunpack.c.l.s4.s8 v3;
	v5 =	vunpack.c.0.s8.s32 v2  }
0x7: {  	v14 =	vimm.s32 $0x87654320;
	v15 =	vimm.s32 $0x98765430;
	v2 =	vsel vm0, $0x0, v4  }
0x8: {  	v3 =	vunpack.c.0.s8.s32 v3;
	v4 =	vnsel vm2, $0x0, v5;
	v5 =	vimm.s32 $0x87654329  }
0x9: {  	v17 =	vimm.s32 $0xA9876540;
	v28 =	vimm.s32 $0xBA987650;
	v5 =	vunpack.c.l.s4.s8 v5  }
0xa: {  	vm0 =	vcmask $0x3700;
	v19 =	vsel vm1, v3, v4;
	v3 =	vunpack.c.l.s4.s8 v6  }
0xb: {  	v4 =	vimm.s32 $0x2;
	v6 =	vimm.s32 $0x9876543A;
	v5 =	vunpack.c.0.s8.s32 v5  }
0xc: {  	v6 =	vunpack.c.l.s4.s8 v6;
	v7 =	vunpack.c.0.s8.s32 v3;
	v3 =	vsel vm0, $0x1, v4  }
0xd: {  	vm0 =	vcmask $0x3300;
	v4 =	vnsel vm2, $0x1, v5;
	v5 =	vunpack.c.l.s4.s8 v8  }
0xe: {  	v20 =	vsel vm1, v7, v4;
	v4 =	vunpack.c.0.s8.s32 v6;
	v7 =	vimm.s32 $0xA987654B  }
0xf: {  	v6 =	vimm.s32 $0x3;
	v5 =	vunpack.c.0.s8.s32 v5;
	v7 =	vunpack.c.l.s4.s8 v7  }
0x10: {  	v8 =	vnsel vm2, $0x2, v4;
	v4 =	vsel vm0, $0x2, v6;
	v6 =	vunpack.c.l.s4.s8 v9  }
0x11: {  	vm0 =	vcmask $0x2F00;
	v9 =	vimm.s32 $0x43210ED0;
	v7 =	vunpack.c.0.s8.s32 v7  }
0x12: {  	v21 =	vsel vm1, v5, v8;
	v8 =	vimm.s32 $0xBA98765C;
	v6 =	vunpack.c.0.s8.s32 v6  }
0x13: {  	v5 =	vimm.s32 $0x4;
	v8 =	vunpack.c.l.s4.s8 v8;
	v7 =	vnsel vm2, $0x3, v7  }
0x14: {  	v5 =	vsel vm0, $0x3, v5;
	v22 =	vsel vm1, v6, v7;
	v6 =	vunpack.c.l.s4.s8 v9  }
0x15: {  	vm0 =	vcmask $0x2B00;
	v8 =	vunpack.c.0.s8.s32 v8;
	v9 =	vimm.s32 $0xCBA9876D  }
0x16: {  	v7 =	vimm.s32 $0x5;
	v9 =	vunpack.c.l.s4.s8 v9;
	v10 =	vunpack.c.0.s8.s32 v6  }
0x17: {  	v6 =	vsel vm0, $0x4, v7;
	v7 =	vnsel vm2, $0x4, v8;
	v8 =	vunpack.c.l.s4.s8 v11  }
0x18: {  	v1 =	vand.u32 $0x7, v18;
	v25 =	vshrl.u32 v18, $0x3;
	v9 =	vunpack.c.0.s8.s32 v9  }
0x19: {  	v12 =	vunpack.c.l.s4.s8 v12;
	vm0 =	vcmask $0x2700;
	v8 =	vunpack.c.0.s8.s32 v8  }
0x1a: {  	v23 =	vsel vm1, v10, v7;
	v10 =	vimm.s32 $0xDCBA987E;
	v9 =	vnsel vm2, $0x5, v9  }
0x1b: {  	v10 =	vunpack.c.l.s4.s8 v10;
	v24 =	vsel vm1, v8, v9;
	v8 =	vimm.s32 $0xEDCBA980  }
0x1c: {  	v11 =	vimm.s32 $0x7;
	v7 =	vimm.s32 $0x6;
	v8 =	vunpack.c.l.s4.s8 v8  }
0x1d: {  	v7 =	vsel vm0, $0x5, v7;
	v9 =	vunpack.c.0.s8.s32 v10;
	v10 =	vimm.s32 $0x65432100  }
0x1e: {  	vm0 =	vcmask $0x2300;
	v10 =	vunpack.c.l.s4.s8 v10;
	v13 =	vunpack.c.0.s8.s32 v8  }
0x1f: {  	v12 =	vunpack.c.0.s8.s32 v12;
	v9 =	vand.u32 $0xF, v9;
	v8 =	vsel vm0, $0x6, v11  }
0x20: {  	v10 =	vunpack.c.0.s8.s32 v10;
	v11 =	vand.u32 $0xF, v13;
	v13 =	vimm.s32 $0xEDCBA91  }
0x21: {  	v9 =	vnsel vm2, $0x6, v9;
	v11 =	vnsel vm2, $0x7, v11;
	v13 =	vunpack.c.l.s4.s8 v13  }
0x22: {  	v9 =	vsel vm1, v10, v9;
	v10 =	vsel vm1, v12, v11;
	v12 =	vunpack.c.l.s4.s8 v14  }
0x23: {  	v63 =	vimm.s32 $0x0;
	[tilespmem:$0x1FFD0] =	vst v1;
	v1 =	vmul.u32 $0x8, v25;
	v13 =	vunpack.c.0.s8.s32 v13  }
0x24: {  	vm0 =	vcmask $0x1B00;
	v14 =	vimm.s32 $0x10EDCBA2;
	v12 =	vunpack.c.0.s8.s32 v12  }
0x25: {  	v11 =	vimm.s32 $0x9;
	v14 =	vunpack.c.l.s4.s8 v14;
	v13 =	vnsel vm2, $0x8, v13  }
0x26: {  	v11 =	vsel vm0, $0x8, v11;
	v26 =	vsel vm1, v12, v13;
	v12 =	vunpack.c.l.s4.s8 v15  }
0x27: {  	vm0 =	vcmask $0x1700;
	v14 =	vunpack.c.0.s8.s32 v14;
	v15 =	vimm.s32 $0x210EDCB3  }
0x28: {  	v13 =	vimm.s32 $0xA;
	v15 =	vunpack.c.l.s4.s8 v15;
	v16 =	vunpack.c.0.s8.s32 v12  }
0x29: {  	v12 =	vsel vm0, $0x9, v13;
	v13 =	vnsel vm2, $0x9, v14;
	v14 =	vunpack.c.l.s4.s8 v17  }
0x2a: {  	v25 =	vadd.s32 $0x7, v25;
	v27 =	vsel vm1, v16, v13;
	v13 =	vunpack.c.0.s8.s32 v15  }
0x2b: {  	[tilespmem:$0x1FFE0] =	vst v1;
	v1 =	vor.u32 $0x8, v18;
	v14 =	vunpack.c.0.s8.s32 v14;
	v16 =	vimm.s32 $0x3210EDC4  }
0x2c: {  	vm0 =	vcmask $0x1300;
	v16 =	vunpack.c.l.s4.s8 v16;
	v17 =	vnsel vm2, $0xA, v13  }
0x2d: {  	v15 =	vimm.s32 $0xB;
	v29 =	vsel vm1, v14, v17;
	v14 =	vunpack.c.l.s4.s8 v28  }
0x2e: {  	v13 =	vsel vm0, $0xA, v15;
	v15 =	vunpack.c.0.s8.s32 v16;
	v16 =	vimm.s32 $0x43210ED5  }
0x2f: {  	s0 =	srdreg.scid;
	s1 =	stileid.u32;
	v19 =	vand.u32 $0xF, v19;
	v16 =	vunpack.c.l.s4.s8 v16;
	v17 =	vunpack.c.0.s8.s32 v14  }
0x30: {  	s2 =	rddreg [dreg:$0x0];
	s8 =	simm.s32 $0x0;
	s12 =	simm.s32 $0xB00;
	vm0 =	vcmask $0xF00;
	v14 =	vimm.s32 $0xCBA98760;
	v15 =	vnsel vm2, $0xB, v15  }
0x31: {  	s13 =	simm.s32 $0x1300;
	s0 =	sand.u32 $0x1, s0;
	s1 =	sshll.u32 s1, $0x1;
	v31 =	vsel vm1, v17, v15;
	v15 =	vunpack.c.0.s8.s32 v16;
	v16 =	vimm.s32 $0x543210E6  }
0x32: {  	s14 =	simm.s32 $0x1B00;
	s15 =	simm.s32 $0x2300;
	s1 =	sor.u32 s0, s1;
	v28 =	vimm.s32 $0xC;
	v30 =	vunpack.c.l.s4.s8 v14;
	v32 =	vunpack.c.l.s4.s8 v16  }
0x33: {  	s16 =	simm.s32 $0x2B00;
	s17 =	simm.s32 $0x3300;
	s4 =	smul.u32 $0x2C0, s1;
	v14 =	vsel vm0, $0xB, v28;
	vm0 =	vcmask $0xB00;
	v28 =	vimm.s32 $0xD  }
0x34: {  	s18 =	simm.s32 $0x3B00;
	s0 =	ssub.s32 $0x2, s0;
	s5 =	smul.u32 $0x4C1BC0, s1;
	v20 =	vand.u32 $0xF, v20;
	v16 =	vsel vm0, $0xC, v28;
	v28 =	vunpack.c.0.s8.s32 v32  }
0x35: {  	[smem:$0x7FF] =	sst s8;
	s1 =	smul.u32 $0x1600, s1;
	s29 =	sshrl.u32 s0, $0x1;
	v21 =	vand.u32 $0xF, v21;
	v22 =	vand.u32 $0xF, v22;
	v23 =	vand.u32 $0xF, v23  }
0x36: {  	s10 =	simm.s32 $0x1;
	s0 =	ssub.s32 s0, s29;
	_ =	strace $0x80000047;
	v24 =	vand.u32 $0xF, v24;
	v32 =	vnsel vm2, $0xD, v28;
	v28 =	vimm.s32 $0xDCBA9870  }
0x37: {  	s6 =	sshrl.u32 s4, $0x3;
	s7 =	sshrl.u32 s5, $0x14;
	s1 =	sadd.s32 s1, s2;
	v26 =	vand.u32 $0xF, v26;
	v17 =	vunpack.c.0.s8.s32 v30;
	v28 =	vunpack.c.l.s4.s8 v28  }
0x38: {  	s0 =	smax.u32 s0, $0x1;
	s28 =	sadd.s32 s6, s2;
	[dreg:$0x2] =	wrdreg s7;
	v27 =	vand.u32 $0xF, v27;
	vm0 =	vcmask $0x700;
	v30 =	vnsel vm2, $0xC, v15  }
0x39: {  	s7 =	smul.u32 $0xFFFFFF6C, s7;
	s1 =	sadd.s32 $0x2A00, s1;
	[dreg:$0x6] =	wrdreg s0;
	v30 =	vsel vm1, v17, v30;
	v17 =	vimm.s32 $0xE;
	v33 =	vunpack.c.0.s8.s32 v28  }
0x3a: {  	s19 =	simm.s32 $0x4300;
	s30 =	sadd.s32 $0x1E00, s28;
	[dreg:$0x5] =	wrdreg s1;
	v17 =	vsel vm0, $0xD, v17;
	vm0 =	vmmov $0xffff;
	v28 =	vand.u32 $0xF, v29  }
0x3b: {  	s3 =	sadd.s32 $0x174800, s2;
	[dreg:$0x3] =	wrdreg s30;
	s31 =	sadd.s32 s4, s7;
	v29 =	vand.u32 $0xF, v31;
	v31 =	vsel vm1, v33, v32;
	vm1 =	vcmask $0x300  }
0x3c: {  	[tilespmem:$0x1FFF0] =	vst v1;
	s2 =	simm.s32 $0x2;
	s1 =	simm.s32 $0x0;
	[dreg:$0x4] =	wrdreg s31;
	v30 =	vand.u32 $0xF, v30;
	v31 =	vand.u32 $0xF, v31;
	v32 =	vsel vm1, $0xE, v63  }
.LBB2_1:
0x3d: {  	[dreg:$0x7] =	wrdreg s1  }
0x3e: {  	s0 =	rddreg [dreg:$0x3]  }
0x3f: {  	[tilespmem:s8], [sflag:$0x2] =	stream.linear.gather [hbm4b:s0+s8], $0x2C0, $0x38;
	[tilespmem:$0xF300] =	vst v63  }
0x40: {  	_ =	swait.ge [sflag:s2], $0x2C0  }
0x41: {  	s23 =	sand.u32 $0xF800, s8;
	s24 =	sand.u32 $0x200, s8;
	[sflag:s2] =	ssyncset.done $0x0  }
0x42: {  	s1 =	sor.u32 s24, s23;
	[sflag:s2] =	ssyncadd.s32 $0xFFFFFD40  }
0x43: {  	[tilespmem:s1+$0x44C0] =	vst v0  }
0x44: {  	[tilespmem:s1+$0x44F0] =	vst v0  }
0x45: {  	[tilespmem:s1+$0x44E0] =	vst v0  }
0x46: {  	[tilespmem:s1+$0x43C0] =	vst v0  }
0x47: {  	[tilespmem:s1+$0x4370] =	vst v0  }
0x48: {  	[tilespmem:s1+$0x44D0] =	vst v0  }
0x49: {  	[tilespmem:s1+$0x44B0] =	vst v0  }
0x4a: {  	[tilespmem:s1+$0x44A0] =	vst v0  }
0x4b: {  	[tilespmem:s1+$0x4360] =	vst v0  }
0x4c: {  	[tilespmem:s1+$0x4490] =	vst v0  }
0x4d: {  	[tilespmem:s1+$0x4470] =	vst v0  }
0x4e: {  	[tilespmem:s1+$0x4480] =	vst v0  }
0x4f: {  	[tilespmem:s1+$0x4300] =	vst v0  }
0x50: {  	[tilespmem:s1+$0x43F0] =	vst v0  }
0x51: {  	[tilespmem:s1+$0x4460] =	vst v0  }
0x52: {  	[tilespmem:s1+$0x4350] =	vst v0  }
0x53: {  	[tilespmem:s1+$0x43E0] =	vst v0  }
0x54: {  	[tilespmem:s1+$0x43A0] =	vst v0  }
0x55: {  	[tilespmem:s1+$0x43D0] =	vst v0  }
0x56: {  	[tilespmem:s1+$0x4450] =	vst v0  }
0x57: {  	[tilespmem:s1+$0x4340] =	vst v0  }
0x58: {  	[tilespmem:s1+$0x4330] =	vst v0  }
0x59: {  	[tilespmem:s1+$0x43B0] =	vst v0  }
0x5a: {  	[tilespmem:s1+$0x4440] =	vst v0  }
0x5b: {  	[tilespmem:s1+$0x4390] =	vst v0  }
0x5c: {  	[tilespmem:s1+$0x4310] =	vst v0  }
0x5d: {  	[tilespmem:s1+$0x4400] =	vst v0  }
0x5e: {  	p0 =	por $0x0, $0x0;
	s0 =	simm.s32 $0x1;
	[tilespmem:s1+$0x4380] =	vst v0  }
0x5f: {  	s0 =	simm.s32 @!p0 $0x0;
	[tilespmem:s1+$0x4430] =	vst v0  }
0x60: {  	s0 =	sshll.u32 s0, $0x9;
	[tilespmem:s1+$0x4320] =	vst v0  }
0x61: {  	s25 =	sadd.s32 $0x0, s0;
	[tilespmem:s1+$0x4420] =	vst v0  }
0x62: {  	s5 =	sadd.s32 $0x180, s25;
	s29 =	sor.u32 $0x400, s25;
	[tilespmem:s1+$0x4410] =	vst v0  }
0x63: {  	s28 =	sadd.s32 $0x80, s25;
	s26 =	sor.u32 $0x400, s5;
	[tilespmem:s29+$0x4300] =	vst v0  }
0x64: {  	s4 =	sor.u32 $0x400, s28;
	[tilespmem:s26+$0x4300] =	vst v0  }
0x65: {  	s30 =	sor.u32 $0x410, s25;
	s2 =	sadd.s32 $0x100, s25;
	[tilespmem:s4+$0x4300] =	vst v0  }
0x66: {  	p0 =	por !p0, !p0;
	s31 =	sor.u32 $0x400, s2;
	[tilespmem:s30+$0x4300] =	vst v0  }
0x67: {  	s1 =	simm.s32 $0x400;
	s0 =	sor.u32 $0x410, s28;
	s5 =	sor.u32 $0x410, s5;
	[tilespmem:s31+$0x4300] =	vst v0  }
0x68: {  	s4 =	sor.u32 $0x410, s2;
	s2 =	simm.s32 $0x200;
	[tilespmem:s0+$0x4300] =	vst v0;
	s0 =	simm.s32 $0x0  }
.LBB2_2:
0x69: {  	s6 =	simm.s32 $0x1  }
0x6a: {  	s7 =	sand.u32 $0xF800, s1;
	s8 =	sand.u32 $0x200, s2;
	[tilespmem:s4+$0x4300] =	vst v0;
	s6 =	simm.s32 @!p0 $0x0  }
0x6b: {  	s0 =	sadd.s32 $0x4, s0;
	s4 =	sor.u32 s8, s7;
	s6 =	sshll.u32 s6, $0x9;
	[tilespmem:s5+$0x4300] =	vst v0  }
0x6c: {  	p1 =	slt.u32 s0, $0xAC;
	s7 =	sadd.s32 s6, s1;
	[tilespmem:s4+$0x44C0] =	vst v0  }
0x6d: {  	s9 =	sadd.s32 $0x80, s7;
	s5 =	sadd.s32 $0x100, s7;
	[tilespmem:s4+$0x44F0] =	vst v0;
	s6 =	sadd.s32 $0x180, s7  }
0x6e: {  	s20 =	sor.u32 $0x400, s9;
	[tilespmem:s4+$0x44E0] =	vst v0  }
0x6f: {  	s8 =	sor.u32 $0x400, s5;
	[tilespmem:s4+$0x43C0] =	vst v0  }
0x70: {  	[tilespmem:s4+$0x4370] =	vst v0  }
0x71: {  	[tilespmem:s4+$0x44D0] =	vst v0  }
0x72: {  	[tilespmem:s4+$0x44B0] =	vst v0  }
0x73: {  	[tilespmem:s4+$0x44A0] =	vst v0  }
0x74: {  	[tilespmem:s4+$0x4360] =	vst v0  }
0x75: {  	[tilespmem:s4+$0x4490] =	vst v0  }
0x76: {  	s21 =	sor.u32 $0x400, s6;
	[tilespmem:s4+$0x4470] =	vst v0  }
0x77: {  	[tilespmem:s4+$0x4480] =	vst v0  }
0x78: {  	[tilespmem:s21+$0x4300] =	vst v0  }
0x79: {  	[tilespmem:s4+$0x4300] =	vst v0  }
0x7a: {  	s21 =	sor.u32 $0x400, s7;
	[tilespmem:s4+$0x43F0] =	vst v0  }
0x7b: {  	[tilespmem:s4+$0x4460] =	vst v0  }
0x7c: {  	[tilespmem:s4+$0x4350] =	vst v0  }
0x7d: {  	[tilespmem:s4+$0x43E0] =	vst v0  }
0x7e: {  	[tilespmem:s4+$0x43A0] =	vst v0  }
0x7f: {  	[tilespmem:s4+$0x43D0] =	vst v0  }
0x80: {  	[tilespmem:s4+$0x4450] =	vst v0  }
0x81: {  	[tilespmem:s4+$0x4340] =	vst v0  }
0x82: {  	[tilespmem:s4+$0x4330] =	vst v0  }
0x83: {  	[tilespmem:s4+$0x43B0] =	vst v0  }
0x84: {  	[tilespmem:s4+$0x4440] =	vst v0  }
0x85: {  	[tilespmem:s4+$0x4390] =	vst v0  }
0x86: {  	[tilespmem:s4+$0x4310] =	vst v0  }
0x87: {  	[tilespmem:s4+$0x4400] =	vst v0  }
0x88: {  	[tilespmem:s4+$0x4380] =	vst v0  }
0x89: {  	[tilespmem:s4+$0x4430] =	vst v0  }
0x8a: {  	s9 =	sor.u32 $0x410, s9;
	[tilespmem:s20+$0x4300] =	vst v0  }
0x8b: {  	[tilespmem:s9+$0x4300] =	vst v0  }
0x8c: {  	[tilespmem:s4+$0x4320] =	vst v0  }
.Ltmp0:
0x8d: {  	s7 =	sor.u32 $0x410, s7;
	[tilespmem:s21+$0x4300] =	vst v0;
	(pc) =	sbr.rel @p1 .LBB2_2-.Ltmp0, $4  }
0x8e: {  	[tilespmem:s7+$0x4300] =	vst v0  }
0x8f: {  	[tilespmem:s4+$0x4420] =	vst v0  }
0x90: {  	p0 =	por !p0, !p0;
	s1 =	sadd.s32 $0x400, s1;
	s21 =	simm.s32 $0x0;
	[tilespmem:s4+$0x4410] =	vst v0  }
0x91: {  	s2 =	sadd.s32 $0x200, s2;
	s4 =	sor.u32 $0x410, s5;
	s5 =	sor.u32 $0x410, s6;
	[tilespmem:s8+$0x4300] =	vst v0  }
0x92: {  	[tilespmem:s4+$0x4300] =	vst v0  }
0x93: {  	[tilespmem:s5+$0x4300] =	vst v0  }
0x94: {  	s24 =	rddreg [dreg:$0x4]  }
0x95: {  	s23 =	simm.s32 $0x0;
	s22 =	rddreg [dreg:$0x2]  }
.LBB2_4:
0x96: {  	s0 =	sshll.u32 s23, $0x6  }
0x97: {  	s0 =	sand.u32 $0x3FFFFFC0, s0  }
0x98: {  	v33 =	vld [tilespmem:s0+$0x0];
	_ =	sdelay $0x2  }
0x99: {  	v1 =	vld [tilespmem:$0x1FFD0]  }
0x9a: {  	v15 =	vld [tilespmem:$0x1FFE0]  }
0x9b: {  	v18 =	vld [tilespmem:$0x1FFF0];
	v34 =	vshll.u32 v33, $0x1  }
0x9c: {  	v33 =	vand.u32 $0x7, v33;
	v34 =	vand.u32 $0xFFFFFFF0, v34  }
0x9d: {  	v33 =	vor.u32 v33, v34  }
0x9e: {  	v34 =	vperm.xlane v33, v1;
	_ =	sdelay $0x1  }
0x9f: {  	v33 =	vperm.xlane v33, v18;
	v34 =	vadd.s32 v15, v34;
	_ =	sdelay $0x1  }
0xa0: {  	v33 =	vadd.s32 v15, v33;
	_ =	sdelay $0x1  }
0xa1: {  	s1 =	simm.s32 $0x300  }
0xa2: {  	[tilespmem:s1], [sflag:$0x1] =	stream.indirect_vreg.gather [hbm4b:s3+s21], $0x80, v34, vm0, $0xb8;
	[tilespmem:$0xF300] =	vst v63  }
0xa3: {  	_ = 	snop  }
0xa4: {  	[tilespmem:s12], [sflag:$0x1] =	stream.indirect_vreg.gather [hbm4b:s3+s21], $0x80, v33, vm0, $0xb8;
	[tilespmem:$0xF300] =	vst v63  }
0xa5: {  	v33 =	vld [tilespmem:s0+$0x10];
	_ =	sdelay $0x4  }
0xa6: {  	v52 =	vshll.u32 v33, $0x1  }
0xa7: {  	v33 =	vand.u32 $0x7, v33;
	v34 =	vand.u32 $0xFFFFFFF0, v52  }
0xa8: {  	v33 =	vor.u32 v33, v34  }
0xa9: {  	v34 =	vperm.xlane v33, v1;
	_ =	sdelay $0x1  }
0xaa: {  	v33 =	vperm.xlane v33, v18;
	v34 =	vadd.s32 v15, v34;
	_ =	sdelay $0x1  }
0xab: {  	v33 =	vadd.s32 v15, v33;
	_ =	sdelay $0x2  }
0xac: {  	[tilespmem:s13], [sflag:$0x1] =	stream.indirect_vreg.gather [hbm4b:s3+s21], $0x80, v34, vm0, $0xb8;
	[tilespmem:$0xF300] =	vst v63  }
0xad: {  	_ = 	snop  }
0xae: {  	[tilespmem:s14], [sflag:$0x1] =	stream.indirect_vreg.gather [hbm4b:s3+s21], $0x80, v33, vm0, $0xb8;
	[tilespmem:$0xF300] =	vst v63  }
0xaf: {  	v33 =	vld [tilespmem:s0+$0x20];
	_ =	sdelay $0x4  }
0xb0: {  	v53 =	vshll.u32 v33, $0x1  }
0xb1: {  	v33 =	vand.u32 $0x7, v33;
	v34 =	vand.u32 $0xFFFFFFF0, v53  }
0xb2: {  	v33 =	vor.u32 v33, v34  }
0xb3: {  	v34 =	vperm.xlane v33, v1;
	_ =	sdelay $0x1  }
0xb4: {  	v33 =	vperm.xlane v33, v18;
	v34 =	vadd.s32 v15, v34;
	_ =	sdelay $0x1  }
0xb5: {  	v33 =	vadd.s32 v15, v33;
	_ =	sdelay $0x2  }
0xb6: {  	[tilespmem:s15], [sflag:$0x1] =	stream.indirect_vreg.gather [hbm4b:s3+s21], $0x80, v34, vm0, $0xb8;
	[tilespmem:$0xF300] =	vst v63  }
0xb7: {  	_ = 	snop  }
0xb8: {  	[tilespmem:s16], [sflag:$0x1] =	stream.indirect_vreg.gather [hbm4b:s3+s21], $0x80, v33, vm0, $0xb8;
	[tilespmem:$0xF300] =	vst v63  }
0xb9: {  	v33 =	vld [tilespmem:s0+$0x30];
	s0 =	sadd.s32 $0x30, s24  }
0xba: {  	s11 =	sadd.s32 $0xFFFFFFF0, s0  }
0xbb: {  	s2 =	simm.s32 $0x1;
	s5 =	simm.s32 $0xFFFFFF6C;
	p0 =	sgt.s32 s11, $0x93  }
0xbc: {  	s2 =	simm.s32 @!p0 $0x0;
	s5 =	simm.s32 @!p0 $0x0  }
0xbd: {  	s1 =	simm.s32 $0x1;
	s2 =	sadd.s32 s2, s22;
	s7 =	sadd.s32 s5, s11  }
0xbe: {  	s4 =	sadd.s32 $0xFFFFFFD0, s0;
	v54 =	vshll.u32 v33, $0x1;
	p2 =	slt.s32 s2, $0x86;
	p3 =	slt.s32 s7, $0x86  }
0xbf: {  	p1 =	sgt.s32 s4, $0x93;
	s5 =	simm.s32 $0xFFFFFF6C;
	v33 =	vand.u32 $0x7, v33;
	v34 =	vand.u32 $0xFFFFFFF0, v54;
	p2 =	por !p2, !p3  }
0xc0: {  	s1 =	simm.s32 @!p1 $0x0;
	s5 =	simm.s32 @!p1 $0x0;
	v33 =	vor.u32 v33, v34;
	p1 =	por !p2, !p2  }
0xc1: {  	v34 =	vperm.xlane v33, v1;
	s2 =	simm.s32 @!p1 $0x94;
	s7 =	simm.s32 @!p1 $0x0;
	v33 =	vperm.xlane v33, v18  }
0xc2: {  	v55 =	vadd.s32 s2, v2;
	v35 =	vadd.s32 s7, v19;
	v57 =	vadd.s32 s2, v3  }
0xc3: {  	v58 =	vadd.s32 s7, v20;
	v42 =	vadd.s32 s7, v21;
	v49 =	vadd.s32 s7, v22  }
0xc4: {  	s6 =	sadd.s32 $0xFFFFFFE0, s0;
	v37 =	vadd.s32 v15, v34;
	v36 =	vshll.u32 v55, $0x8;
	v38 =	vshll.u32 v35, $0x3  }
0xc5: {  	s8 =	simm.s32 $0x1;
	s9 =	simm.s32 $0xFFFFFF6C;
	p0 =	sgt.s32 s6, $0x93;
	v34 =	vshll.u32 v55, $0x7;
	v35 =	vand.u32 $0x7F, v35;
	v59 =	vshll.u32 v57, $0x8  }
0xc6: {  	s20 =	simm.s32 $0x1;
	s28 =	simm.s32 $0xFFFFFF6C;
	s9 =	simm.s32 @!p0 $0x0;
	v40 =	vshll.u32 v58, $0x3;
	v62 =	vand.u32 $0x7F, v58;
	v55 =	vadd.s32 s2, v4  }
0xc7: {  	s8 =	simm.s32 @!p0 $0x0;
	s1 =	sadd.s32 s1, s22;
	s25 =	sadd.s32 s9, s6;
	v44 =	vshll.u32 v42, $0x3;
	v42 =	vand.u32 $0x7F, v42;
	v58 =	vadd.s32 s2, v5  }
0xc8: {  	s4 =	sadd.s32 s5, s4;
	s5 =	sadd.s32 s8, s22;
	p4 =	slt.s32 s25, $0x86;
	v51 =	vshll.u32 v49, $0x3;
	v49 =	vand.u32 $0x7F, v49;
	v36 =	vand.u32 $0xFFFFF800, v36  }
0xc9: {  	p2 =	slt.s32 s4, $0x86;
	p3 =	slt.s32 s5, $0x86;
	p1 =	sgt.s32 s0, $0x93;
	v39 =	vand.u32 $0xFFFFFC00, v38;
	v38 =	vadd.s32 v15, v33;
	v34 =	vand.u32 $0x380, v34  }
0xca: {  	s20 =	simm.s32 @!p1 $0x0;
	s28 =	simm.s32 @!p1 $0x0;
	p1 =	slt.s32 s1, $0x86;
	v41 =	vand.u32 $0xFFFFFC00, v40;
	v43 =	vshll.u32 v55, $0x8;
	v44 =	vand.u32 $0xFFFFFC00, v44  }
0xcb: {  	p0 =	por !p1, !p2;
	p2 =	por !p3, !p4;
	v50 =	vshll.u32 v58, $0x8;
	v51 =	vand.u32 $0xFFFFFC00, v51;
	v56 =	vadd.s32 v39, v36  }
0xcc: {  	s26 =	sadd.s32 s20, s22;
	p2 =	por !p2, !p2;
	v36 =	vshll.u32 v57, $0x7;
	v43 =	vand.u32 $0xFFFFF800, v43;
	v50 =	vand.u32 $0xFFFFF800, v50  }
0xcd: {  	s28 =	sadd.s32 s0, s28;
	s5 =	simm.s32 @!p2 $0x94;
	s25 =	simm.s32 @!p2 $0x0;
	v33 =	vor.u32 v34, v56;
	v34 =	vand.u32 $0xFFFFF800, v59;
	v61 =	vand.u32 $0x380, v36  }
0xce: {  	p5 =	slt.s32 s26, $0x86;
	p0 =	por !p0, !p0;
	p6 =	slt.s32 s28, $0x86;
	v63 =	vadd.s32 s5, v2;
	v36 =	vadd.s32 s25, v19;
	v43 =	vadd.s32 v44, v43  }
0xcf: {  	s1 =	simm.s32 @!p0 $0x94;
	p1 =	por !p5, !p6;
	s4 =	simm.s32 @!p0 $0x0;
	v50 =	vadd.s32 v51, v50;
	v40 =	vor.u32 v35, v33;
	v60 =	vadd.s32 v41, v34  }
0xd0: {  	p0 =	por !p1, !p1;
	v35 =	vadd.s32 s1, v2;
	v34 =	vadd.s32 s4, v19;
	v41 =	vshll.u32 v55, $0x7  }
0xd1: {  	s26 =	simm.s32 @!p0 $0x94;
	v48 =	vshll.u32 v63, $0x8;
	v57 =	vshll.u32 v36, $0x3;
	v39 =	vshll.u32 v63, $0x7  }
0xd2: {  	s28 =	simm.s32 @!p0 $0x0;
	v33 =	vor.u32 v61, v60;
	v46 =	vadd.s32 s26, v2;
	v41 =	vand.u32 $0x380, v41  }
0xd3: {  	v44 =	vadd.s32 s28, v19;
	v47 =	vshll.u32 v35, $0x8;
	v56 =	vshll.u32 v34, $0x3  }
0xd4: {  	v48 =	vand.u32 $0xFFFFF800, v48;
	v60 =	vadd.s32 s2, v6;
	v61 =	vadd.s32 s7, v23  }
0xd5: {  	v35 =	vshll.u32 v35, $0x7;
	v39 =	vand.u32 $0x380, v39;
	v34 =	vand.u32 $0x7F, v34  }
0xd6: {  	v33 =	vor.u32 v62, v33;
	v41 =	vor.u32 v41, v43;
	v52 =	vshll.u32 v46, $0x8  }
0xd7: {  	v59 =	vshll.u32 v44, $0x3;
	v47 =	vand.u32 $0xFFFFF800, v47;
	v43 =	vand.u32 $0xFFFFFC00, v56  }
0xd8: {  	v62 =	vshll.u32 v60, $0x8;
	v54 =	vshll.u32 v61, $0x3;
	v46 =	vshll.u32 v46, $0x7  }
0xd9: {  	v56 =	vadd.s32 s2, v7;
	v35 =	vand.u32 $0x380, v35;
	v45 =	vor.u32 v42, v41  }
0xda: {  	v42 =	vshll.u32 v58, $0x7;
	v41 =	vand.u32 $0xFFFFFC00, v57;
	v54 =	vand.u32 $0xFFFFFC00, v54  }
0xdb: {  	v63 =	vand.u32 $0xFFFFF800, v52;
	v55 =	vand.u32 $0xFFFFFC00, v59;
	v43 =	vadd.s32 v43, v47  }
0xdc: {  	v57 =	vadd.s32 s7, v24;
	v58 =	vshll.u32 v56, $0x8;
	v47 =	vshll.u32 v56, $0x7  }
0xdd: {  	v46 =	vand.u32 $0x380, v46;
	v56 =	vadd.s32 s2, v25;
	v42 =	vand.u32 $0x380, v42  }
0xde: {  	v41 =	vadd.s32 v41, v48;
	v59 =	vshll.u32 v57, $0x3;
	v48 =	vand.u32 $0xFFFFF800, v58  }
0xdf: {  	v47 =	vand.u32 $0x380, v47;
	v35 =	vor.u32 v35, v43;
	v58 =	vshll.u32 v56, $0x8  }
0xe0: {  	v42 =	vor.u32 v42, v50;
	v50 =	vand.u32 $0xFFFFF800, v62;
	v39 =	vor.u32 v39, v41  }
0xe1: {  	v1 =	vor.u32 v34, v35;
	v34 =	vshll.u32 v56, $0x7;
	v53 =	vor.u32 v49, v42  }
0xe2: {  	v42 =	vshll.u32 v60, $0x7;
	v50 =	vadd.s32 v54, v50;
	v49 =	vand.u32 $0x7F, v61  }
0xe3: {  	v60 =	vadd.s32 s2, v8;
	v61 =	vadd.s32 s7, v9;
	v54 =	vand.u32 $0x7F, v36  }
0xe4: {  	v42 =	vand.u32 $0x380, v42;
	v62 =	vshll.u32 v60, $0x8;
	v43 =	vshll.u32 v60, $0x7  }
0xe5: {  	[tilespmem:$0x1FF50] =	vst v1;
	v51 =	vand.u32 $0x7F, v61;
	v1 =	vor.u32 v54, v39;
	v39 =	vand.u32 $0xFFFFF800, v58  }
0xe6: {  	v60 =	vand.u32 $0x380, v34;
	v54 =	vadd.s32 s26, v3;
	v58 =	vadd.s32 s7, v27  }
0xe7: {  	v42 =	vor.u32 v42, v50;
	v50 =	vand.u32 $0xFFFFFC00, v59;
	v41 =	vand.u32 $0xFFFFF800, v62  }
0xe8: {  	v43 =	vand.u32 $0x380, v43;
	v62 =	vadd.s32 s2, v11;
	v52 =	vor.u32 v49, v42  }
0xe9: {  	v48 =	vadd.s32 v50, v48;
	v49 =	vand.u32 $0x7F, v57;
	v42 =	vadd.s32 v55, v63  }
0xea: {  	v63 =	vshll.u32 v61, $0x3;
	v55 =	vand.u32 $0x7F, v44;
	v57 =	vadd.s32 s7, v10  }
0xeb: {  	v34 =	vshll.u32 v62, $0x8;
	v47 =	vor.u32 v47, v48;
	v48 =	vand.u32 $0xFFFFFC00, v63  }
0xec: {  	v42 =	vor.u32 v46, v42;
	v59 =	vshll.u32 v57, $0x3;
	v61 =	vand.u32 $0x7F, v57  }
0xed: {  	v63 =	vadd.s32 s7, v26;
	v46 =	vand.u32 $0xFFFFF800, v34;
	v50 =	vor.u32 v49, v47  }
0xee: {  	[tilespmem:$0x1FF60] =	vst v1;
	v41 =	vadd.s32 v48, v41;
	v1 =	vor.u32 v55, v42;
	v35 =	vshll.u32 v63, $0x3  }
0xef: {  	v42 =	vshll.u32 v62, $0x7;
	v55 =	vadd.s32 s28, v20;
	v44 =	vand.u32 $0x7F, v63  }
0xf0: {  	v41 =	vor.u32 v43, v41;
	v43 =	vand.u32 $0xFFFFFC00, v59;
	v47 =	vand.u32 $0xFFFFFC00, v35  }
0xf1: {  	v42 =	vand.u32 $0x380, v42;
	v35 =	vadd.s32 s2, v12;
	v49 =	vor.u32 v51, v41  }
0xf2: {  	v39 =	vadd.s32 v43, v39;
	v41 =	vadd.s32 s1, v3;
	v51 =	vadd.s32 s4, v20  }
0xf3: {  	v43 =	vadd.s32 s5, v3;
	v46 =	vadd.s32 v47, v46;
	v59 =	vshll.u32 v35, $0x8  }
0xf4: {  	v39 =	vor.u32 v60, v39;
	v56 =	vshll.u32 v41, $0x8;
	v42 =	vor.u32 v42, v46  }
0xf5: {  	v36 =	vshll.u32 v51, $0x3;
	v57 =	vshll.u32 v43, $0x8;
	v60 =	vshll.u32 v58, $0x3  }
0xf6: {  	v59 =	vand.u32 $0xFFFFF800, v59;
	v58 =	vand.u32 $0x7F, v58;
	v41 =	vshll.u32 v41, $0x7  }
0xf7: {  	v43 =	vshll.u32 v43, $0x7;
	v48 =	vor.u32 v61, v39;
	v39 =	vadd.s32 s25, v20  }
0xf8: {  	v47 =	vor.u32 v44, v42;
	v61 =	vshll.u32 v54, $0x8;
	v60 =	vand.u32 $0xFFFFFC00, v60  }
0xf9: {  	v44 =	vshll.u32 v35, $0x7;
	v56 =	vand.u32 $0xFFFFF800, v56;
	v36 =	vand.u32 $0xFFFFFC00, v36  }
0xfa: {  	v57 =	vand.u32 $0xFFFFF800, v57;
	v35 =	vadd.s32 s7, v28;
	v54 =	vshll.u32 v54, $0x7  }
0xfb: {  	v41 =	vand.u32 $0x380, v41;
	v34 =	vshll.u32 v39, $0x3;
	v59 =	vadd.s32 v60, v59  }
0xfc: {  	v44 =	vand.u32 $0x380, v44;
	v60 =	vshll.u32 v55, $0x3;
	v63 =	vshll.u32 v35, $0x3  }
0xfd: {  	v61 =	vand.u32 $0xFFFFF800, v61;
	v56 =	vadd.s32 v36, v56;
	v36 =	vadd.s32 s2, v14  }
0xfe: {  	v54 =	vand.u32 $0x380, v54;
	v44 =	vor.u32 v44, v59;
	v42 =	vand.u32 $0xFFFFFC00, v34  }
0xff: {  	v34 =	vadd.s32 s2, v13;
	v63 =	vand.u32 $0xFFFFFC00, v63;
	v59 =	vshll.u32 v36, $0x7  }
0x100: {  	v56 =	vor.u32 v41, v56;
	v41 =	vadd.s32 s2, v16;
	v62 =	vshll.u32 v34, $0x8  }
0x101: {  	v46 =	vor.u32 v58, v44;
	v44 =	vshll.u32 v34, $0x7;
	v62 =	vand.u32 $0xFFFFF800, v62  }
0x102: {  	v58 =	vand.u32 $0x7F, v35;
	v44 =	vand.u32 $0x380, v44;
	v62 =	vadd.s32 v63, v62  }
0x103: {  	v42 =	vadd.s32 v42, v57;
	v34 =	vshll.u32 v36, $0x8;
	v44 =	vor.u32 v44, v62  }
0x104: {  	v44 =	vor.u32 v58, v44;
	v58 =	vand.u32 $0xFFFFFC00, v60;
	v60 =	vadd.s32 s7, v29  }
0x105: {  	v59 =	vand.u32 $0x380, v59;
	v36 =	vand.u32 $0x380, v43;
	v35 =	vshll.u32 v60, $0x3  }
0x106: {  	v57 =	vand.u32 $0xFFFFF800, v34;
	v42 =	vor.u32 v36, v42;
	v62 =	vand.u32 $0xFFFFFC00, v35  }
0x107: {  	[tilespmem:s17], [sflag:$0x1] =	stream.indirect_vreg.gather [hbm4b:s3+s21], $0x80, v37, vm0, $0xb8;
	v34 =	vshll.u32 v41, $0x8;
	v41 =	vshll.u32 v41, $0x7;
	v57 =	vadd.s32 v62, v57;
	[tilespmem:$0xF300] =	vst v63  }
0x108: {  	v41 =	vand.u32 $0x380, v41;
	v63 =	vand.u32 $0x7F, v60;
	v57 =	vor.u32 v59, v57  }
0x109: {  	[tilespmem:s18], [sflag:$0x1] =	stream.indirect_vreg.gather [hbm4b:s3+s21], $0x80, v38, vm0, $0xb8;
	v43 =	vor.u32 v63, v57;
	v57 =	vadd.s32 v58, v61;
	v58 =	vadd.s32 s7, v30;
	[tilespmem:$0xF300] =	vst v63  }
0x10a: {  	[tilespmem:$0x1FF70] =	vst v1;
	v60 =	vand.u32 $0x7F, v55;
	v63 =	vand.u32 $0x7F, v51;
	v35 =	vshll.u32 v58, $0x3  }
0x10b: {  	s20 =	simm.s32 $0x2000;
	_ =	swait.ge [sflag:s10], $0x4000;
	v1 =	vor.u32 v63, v56;
	v62 =	vand.u32 $0xFFFFFC00, v35;
	v35 =	vand.u32 $0x7F, v39  }
0x10c: {  	s8 =	sand.u32 $0x380, s21;
	s6 =	sand.u32 $0x2800, s20;
	[sflag:s10] =	ssyncset.done $0x0;
	v61 =	vand.u32 $0xFFFFF800, v34;
	v54 =	vor.u32 v54, v57;
	[tilespmem:$0x1FF80] =	vst v1;
	v1 =	vor.u32 v35, v42  }
0x10d: {  	s6 =	sor.u32 s8, s6;
	[sflag:s10] =	ssyncadd.s32 $0xFFFFC000;
	v34 =	vand.u32 $0x7F, v58;
	v37 =	vadd.s32 v62, v61;
	v61 =	vadd.s32 s2, v17;
	[tilespmem:$0x1FF90] =	vst v1  }
0x10e: {  	v62 =	vadd.s32 s7, v31;
	v37 =	vor.u32 v41, v37;
	v63 =	vshll.u32 v61, $0x8;
	v35 =	vld [tilespmem:s6+$0x300]  }
0x10f: {  	v38 =	vshll.u32 v61, $0x7;
	v1 =	vor.u32 v60, v54;
	v41 =	vor.u32 v34, v37  }
0x110: {  	v34 =	vshll.u32 v62, $0x3;
	v42 =	vand.u32 $0xFFFFF800, v63;
	v36 =	vand.u32 $0x380, v38  }
0x111: {  	v37 =	vand.u32 $0x7F, v62;
	v38 =	vadd.s32 s2, v32;
	v56 =	vand.u32 $0xFFFFFC00, v34  }
0x112: {  	[tilespmem:$0x1FFA0] =	vst v1;
	v34 =	vadd.s32 s7, v32;
	v58 =	vshll.u32 v38, $0x7;
	v42 =	vadd.s32 v56, v42  }
0x113: {  	v42 =	vor.u32 v36, v42;
	v36 =	vshll.u32 v34, $0x3;
	[tilespmem:v40+s19+$0x0] =	vst.idx.add.f32.msk $0xffff, v35;
	v35 =	vshll.u32 v38, $0x8  }
0x114: {  	v42 =	vor.u32 v37, v42;
	v57 =	vand.u32 $0xFFFFFC00, v36;
	v37 =	vld [tilespmem:s6+$0x310];
	v40 =	vand.u32 $0xFFFFF800, v35  }
0x115: {  	v38 =	vand.u32 $0x380, v58;
	v40 =	vadd.s32 v57, v40  }
0x116: {  	v59 =	vand.u32 $0x7F, v34;
	v40 =	vor.u32 v38, v40  }
0x117: {  	v1 =	vor.u32 v59, v40  }
0x118: {  	v18 =	vmov s7;
	[tilespmem:$0x1FFB0] =	vst v1;
	v1 =	vmov s2  }
0x119: {  	v36 =	vshll.u32 v18, $0x3;
	[tilespmem:v33+s19+$0x0] =	vst.idx.add.f32.msk $0xffff, v37;
	v40 =	vshll.u32 v1, $0x8  }
0x11a: {  	v61 =	vand.u32 $0xFFFFFC00, v36;
	v1 =	vshll.u32 v1, $0x7;
	v15 =	vld [tilespmem:s6+$0x320];
	v33 =	vand.u32 $0xFFFFF800, v40  }
0x11b: {  	v1 =	vand.u32 $0x380, v1;
	v33 =	vadd.s32 v61, v33  }
0x11c: {  	v18 =	vand.u32 $0x7F, v18;
	v1 =	vor.u32 v1, v33  }
0x11d: {  	v1 =	vor.u32 v18, v1  }
0x11e: {  	[tilespmem:$0x1FFC0] =	vst v1  }
0x11f: {  	[tilespmem:v45+s19+$0x0] =	vst.idx.add.f32.msk $0xffff, v15  }
0x120: {  	v55 =	vadd.s32 s4, v21;
	v61 =	vld [tilespmem:s6+$0x330]  }
0x121: {  	v51 =	vadd.s32 s1, v4;
	v54 =	vadd.s32 s25, v21;
	v56 =	vadd.s32 s5, v4  }
0x122: {  	v60 =	vadd.s32 s26, v4;
	v62 =	vshll.u32 v51, $0x8;
	v63 =	vshll.u32 v56, $0x8  }
0x123: {  	v39 =	vshll.u32 v54, $0x3;
	v62 =	vand.u32 $0xFFFFF800, v62;
	v63 =	vand.u32 $0xFFFFF800, v63  }
0x124: {  	v58 =	vadd.s32 s28, v21;
	v36 =	vand.u32 $0x7F, v54;
	v35 =	vand.u32 $0x7F, v55  }
0x125: {  	v57 =	vshll.u32 v55, $0x3;
	v55 =	vadd.s32 s26, v5;
	v38 =	vshll.u32 v58, $0x3;
	[tilespmem:v53+s19+$0x0] =	vst.idx.add.f32.msk $0xffff, v61  }
0x126: {  	v57 =	vand.u32 $0xFFFFFC00, v57;
	v37 =	vshll.u32 v60, $0x8;
	v40 =	vand.u32 $0xFFFFFC00, v38;
	v38 =	vld [tilespmem:s6+$0x340]  }
0x127: {  	v60 =	vshll.u32 v60, $0x7;
	v18 =	vand.u32 $0xFFFFFC00, v39;
	v15 =	vand.u32 $0xFFFFF800, v37  }
0x128: {  	v18 =	vadd.s32 v18, v63;
	v63 =	vand.u32 $0x380, v60;
	v15 =	vadd.s32 v40, v15  }
0x129: {  	v57 =	vadd.s32 v57, v62;
	v37 =	vand.u32 $0x7F, v58;
	v15 =	vor.u32 v63, v15  }
0x12a: {  	v39 =	vshll.u32 v56, $0x7;
	v45 =	vor.u32 v37, v15;
	v15 =	vadd.s32 s4, v22  }
0x12b: {  	v1 =	vshll.u32 v51, $0x7;
	v51 =	vand.u32 $0x380, v39;
	v40 =	vshll.u32 v15, $0x3;
	[tilespmem:v52+s19+$0x0] =	vst.idx.add.f32.msk $0xffff, v38  }
0x12c: {  	v1 =	vand.u32 $0x380, v1;
	v18 =	vor.u32 v51, v18;
	v58 =	vand.u32 $0xFFFFFC00, v40;
	v40 =	vld [tilespmem:s6+$0x350]  }
0x12d: {  	v56 =	vadd.s32 s28, v22;
	v1 =	vor.u32 v1, v57;
	v51 =	vor.u32 v36, v18  }
0x12e: {  	v18 =	vadd.s32 s5, v5;
	v36 =	vshll.u32 v55, $0x8;
	v55 =	vshll.u32 v55, $0x7  }
0x12f: {  	v54 =	vor.u32 v35, v1;
	v1 =	vadd.s32 s1, v5;
	v33 =	vshll.u32 v18, $0x8  }
0x130: {  	v18 =	vshll.u32 v18, $0x7;
	v39 =	vshll.u32 v1, $0x8;
	v37 =	vshll.u32 v56, $0x3  }
0x131: {  	v57 =	vand.u32 $0xFFFFF800, v39;
	v39 =	vand.u32 $0xFFFFFC00, v37;
	v38 =	vand.u32 $0xFFFFF800, v36;
	[tilespmem:v50+s19+$0x0] =	vst.idx.add.f32.msk $0xffff, v40  }
0x132: {  	v59 =	vand.u32 $0xFFFFF800, v33;
	v1 =	vshll.u32 v1, $0x7;
	v34 =	vadd.s32 v39, v38;
	v38 =	vld [tilespmem:s6+$0x360]  }
0x133: {  	v18 =	vand.u32 $0x380, v18;
	v56 =	vand.u32 $0x7F, v56;
	v53 =	vadd.s32 s25, v22  }
0x134: {  	v1 =	vand.u32 $0x380, v1;
	v57 =	vadd.s32 v58, v57;
	v35 =	vshll.u32 v53, $0x3  }
0x135: {  	v15 =	vand.u32 $0x7F, v15;
	v1 =	vor.u32 v1, v57;
	v60 =	vand.u32 $0xFFFFFC00, v35  }
0x136: {  	v36 =	vand.u32 $0x380, v55;
	v55 =	vor.u32 v15, v1;
	v15 =	vadd.s32 s4, v23  }
0x137: {  	v37 =	vand.u32 $0x7F, v53;
	v63 =	vadd.s32 v60, v59;
	v40 =	vshll.u32 v15, $0x3;
	[tilespmem:v49+s19+$0x0] =	vst.idx.add.f32.msk $0xffff, v38  }
0x138: {  	v57 =	vadd.s32 s28, v23;
	v18 =	vor.u32 v18, v63;
	v59 =	vand.u32 $0xFFFFFC00, v40;
	v40 =	vld [tilespmem:s6+$0x370]  }
0x139: {  	v53 =	vor.u32 v37, v18;
	v18 =	vadd.s32 s5, v6;
	v37 =	vshll.u32 v57, $0x3  }
0x13a: {  	v57 =	vand.u32 $0x7F, v57;
	v1 =	vadd.s32 s1, v6;
	v34 =	vor.u32 v36, v34  }
0x13b: {  	v33 =	vshll.u32 v18, $0x8;
	v52 =	vor.u32 v56, v34;
	v56 =	vadd.s32 s26, v6  }
0x13c: {  	v18 =	vshll.u32 v18, $0x7;
	v39 =	vshll.u32 v1, $0x8;
	v36 =	vshll.u32 v56, $0x8  }
0x13d: {  	v58 =	vand.u32 $0xFFFFF800, v39;
	v39 =	vand.u32 $0xFFFFFC00, v37;
	v38 =	vand.u32 $0xFFFFF800, v36;
	[tilespmem:v48+s19+$0x0] =	vst.idx.add.f32.msk $0xffff, v40  }
0x13e: {  	v60 =	vand.u32 $0xFFFFF800, v33;
	v50 =	vadd.s32 s25, v23;
	v34 =	vadd.s32 v39, v38;
	v38 =	vld [tilespmem:s6+$0x700]  }
0x13f: {  	v1 =	vshll.u32 v1, $0x7;
	v18 =	vand.u32 $0x380, v18;
	v35 =	vshll.u32 v50, $0x3  }
0x140: {  	v33 =	vadd.s32 s4, v24;
	v1 =	vand.u32 $0x380, v1;
	v61 =	vand.u32 $0xFFFFFC00, v35  }
0x141: {  	v56 =	vshll.u32 v56, $0x7;
	v15 =	vand.u32 $0x7F, v15;
	v63 =	vadd.s32 v61, v60  }
0x142: {  	v37 =	vand.u32 $0x7F, v50;
	v58 =	vadd.s32 v59, v58;
	v18 =	vor.u32 v18, v63  }
0x143: {  	v1 =	vor.u32 v1, v58;
	v50 =	vor.u32 v37, v18;
	v40 =	vshll.u32 v33, $0x3;
	[tilespmem:v47+s19+$0x0] =	vst.idx.add.f32.msk $0xffff, v38  }
0x144: {  	v18 =	vadd.s32 s5, v7;
	v36 =	vand.u32 $0x380, v56;
	v60 =	vand.u32 $0xFFFFFC00, v40;
	v40 =	vld [tilespmem:s6+$0x710]  }
0x145: {  	v56 =	vor.u32 v15, v1;
	v1 =	vadd.s32 s1, v7;
	v35 =	vshll.u32 v18, $0x8  }
0x146: {  	v39 =	vshll.u32 v1, $0x8;
	v1 =	vshll.u32 v1, $0x7;
	v34 =	vor.u32 v36, v34  }
0x147: {  	v59 =	vand.u32 $0xFFFFF800, v39;
	v49 =	vor.u32 v57, v34;
	v57 =	vadd.s32 s26, v7  }
0x148: {  	v1 =	vand.u32 $0x380, v1;
	v37 =	vshll.u32 v57, $0x8;
	v60 =	vadd.s32 v60, v59  }
0x149: {  	v48 =	vadd.s32 s25, v24;
	v33 =	vand.u32 $0x7F, v33;
	v1 =	vor.u32 v1, v60;
	[tilespmem:v46+s19+$0x0] =	vst.idx.add.f32.msk $0xffff, v40  }
0x14a: {  	v39 =	vshll.u32 v57, $0x7;
	v36 =	vshll.u32 v48, $0x3;
	v57 =	vor.u32 v33, v1;
	v33 =	vld [tilespmem:s6+$0x720]  }
0x14b: {  	v18 =	vshll.u32 v18, $0x7;
	v61 =	vand.u32 $0xFFFFF800, v35;
	v62 =	vand.u32 $0xFFFFFC00, v36  }
0x14c: {  	v18 =	vand.u32 $0x380, v18;
	v61 =	vadd.s32 v62, v61  }
0x14d: {  	v36 =	vand.u32 $0x7F, v48;
	v18 =	vor.u32 v18, v61  }
0x14e: {  	v58 =	vadd.s32 s28, v24;
	v48 =	vor.u32 v36, v18;
	v18 =	vadd.s32 s5, v8  }
0x14f: {  	v15 =	vshll.u32 v58, $0x3;
	v40 =	vshll.u32 v18, $0x8;
	[tilespmem:v44+s19+$0x0] =	vst.idx.add.f32.msk $0xffff, v33  }
0x150: {  	v15 =	vand.u32 $0xFFFFFC00, v15;
	v35 =	vadd.s32 s4, v9;
	v61 =	vand.u32 $0xFFFFF800, v40;
	v40 =	vld [tilespmem:s6+$0x730]  }
0x151: {  	v34 =	vadd.s32 s25, v9;
	v62 =	vand.u32 $0x380, v39;
	v39 =	vshll.u32 v35, $0x3  }
0x152: {  	v1 =	vadd.s32 s1, v8;
	v60 =	vand.u32 $0xFFFFFC00, v39;
	v38 =	vand.u32 $0xFFFFF800, v37  }
0x153: {  	v36 =	vshll.u32 v34, $0x3;
	v37 =	vand.u32 $0x7F, v58;
	v15 =	vadd.s32 v15, v38  }
0x154: {  	v38 =	vshll.u32 v1, $0x8;
	v15 =	vor.u32 v62, v15;
	v46 =	vadd.s32 s26, v8  }
0x155: {  	v47 =	vor.u32 v37, v15;
	v37 =	vshll.u32 v46, $0x8;
	v39 =	vshll.u32 v46, $0x7;
	[tilespmem:v43+s19+$0x0] =	vst.idx.add.f32.msk $0xffff, v40  }
0x156: {  	v59 =	vand.u32 $0xFFFFF800, v38;
	v38 =	vand.u32 $0xFFFFF800, v37;
	v37 =	vand.u32 $0x380, v39;
	v39 =	vld [tilespmem:$0x1FF50]  }
0x157: {  	s11 =	sand.u32 $0x800, s21;
	v62 =	vand.u32 $0xFFFFFC00, v36;
	v18 =	vshll.u32 v18, $0x7  }
0x158: {  	s31 =	sor.u32 s8, s11;
	v18 =	vand.u32 $0x380, v18;
	v36 =	vadd.s32 v62, v61  }
0x159: {  	v18 =	vor.u32 v18, v36;
	v36 =	vld [tilespmem:s31+$0x300];
	_ =	sdelay $0x2  }
0x15a: {  	v58 =	vadd.s32 s28, v9  }
0x15b: {  	v15 =	vshll.u32 v58, $0x3  }
0x15c: {  	v15 =	vand.u32 $0xFFFFFC00, v15;
	[tilespmem:v39+s19+$0x0] =	vst.idx.add.f32.msk $0xffff, v36  }
0x15d: {  	s9 =	simm.s32 $0x1000;
	v15 =	vadd.s32 v15, v38;
	v39 =	vld [tilespmem:$0x1FF60]  }
0x15e: {  	s2 =	sand.u32 $0x1800, s9;
	v38 =	vand.u32 $0x7F, v58;
	v15 =	vor.u32 v37, v15  }
0x15f: {  	s29 =	sor.u32 s8, s2;
	v44 =	vor.u32 v38, v15;
	v38 =	vld [tilespmem:s6+$0x740]  }
0x160: {  	v1 =	vshll.u32 v1, $0x7;
	v60 =	vadd.s32 v60, v59;
	v59 =	vld [tilespmem:s29+$0x300]  }
0x161: {  	v1 =	vand.u32 $0x380, v1  }
0x162: {  	v35 =	vand.u32 $0x7F, v35;
	v1 =	vor.u32 v1, v60  }
0x163: {  	v58 =	vor.u32 v35, v1;
	v1 =	vadd.s32 s1, v25;
	v37 =	vadd.s32 s4, v10  }
0x164: {  	v62 =	vshll.u32 v1, $0x8;
	v63 =	vshll.u32 v37, $0x3;
	[tilespmem:v41+s19+$0x0] =	vst.idx.add.f32.msk $0xffff, v38  }
0x165: {  	v40 =	vand.u32 $0xFFFFFC00, v63;
	[tilespmem:v39+s19+$0x0] =	vst.idx.add.f32.msk $0xffff, v59;
	v59 =	vand.u32 $0xFFFFF800, v62  }
0x166: {  	s20 =	simm.s32 $0x3000;
	v38 =	vadd.s32 v40, v59;
	v59 =	vld [tilespmem:$0x1FF70]  }
0x167: {  	s2 =	sand.u32 $0x3800, s20  }
0x168: {  	s30 =	sor.u32 s8, s2  }
0x169: {  	v61 =	vld [tilespmem:s30+$0x300];
	_ =	sdelay $0x4  }
0x16a: {  	[tilespmem:v59+s19+$0x0] =	vst.idx.add.f32.msk $0xffff, v61  }
0x16b: {  	v39 =	vld [tilespmem:$0x1FF80];
	_ =	sdelay $0x1  }
0x16c: {  	v41 =	vld [tilespmem:s6+$0x750]  }
0x16d: {  	v63 =	vld [tilespmem:s31+$0x310];
	_ =	sdelay $0x3  }
0x16e: {  	[tilespmem:v42+s19+$0x0] =	vst.idx.add.f32.msk $0xffff, v41  }
0x16f: {  	[tilespmem:v39+s19+$0x0] =	vst.idx.add.f32.msk $0xffff, v63  }
0x170: {  	v42 =	vld [tilespmem:$0x1FF90];
	_ =	sdelay $0x2  }
0x171: {  	v62 =	vld [tilespmem:s29+$0x310]  }
0x172: {  	v34 =	vand.u32 $0x7F, v34  }
0x173: {  	v46 =	vor.u32 v34, v18;
	v18 =	vadd.s32 s5, v25  }
0x174: {  	v35 =	vadd.s32 s25, v10;
	v1 =	vshll.u32 v1, $0x7;
	v15 =	vshll.u32 v18, $0x8  }
0x175: {  	v1 =	vand.u32 $0x380, v1;
	v15 =	vand.u32 $0xFFFFF800, v15;
	v36 =	vshll.u32 v35, $0x3  }
0x176: {  	v36 =	vand.u32 $0xFFFFFC00, v36;
	v40 =	vand.u32 $0x7F, v37;
	v1 =	vor.u32 v1, v38;
	[tilespmem:v42+s19+$0x0] =	vst.idx.add.f32.msk $0xffff, v62  }
0x177: {  	v15 =	vadd.s32 v36, v15;
	v36 =	vor.u32 v40, v1;
	v40 =	vld [tilespmem:$0x1FFA0];
	_ =	sdelay $0x1  }
0x178: {  	v60 =	vadd.s32 s28, v10  }
0x179: {  	v34 =	vshll.u32 v60, $0x3;
	v43 =	vadd.s32 s26, v25;
	v38 =	vld [tilespmem:s30+$0x310]  }
0x17a: {  	v34 =	vand.u32 $0xFFFFFC00, v34;
	v33 =	vshll.u32 v43, $0x8  }
0x17b: {  	v18 =	vshll.u32 v18, $0x7;
	v43 =	vshll.u32 v43, $0x7;
	v33 =	vand.u32 $0xFFFFF800, v33  }
0x17c: {  	v18 =	vand.u32 $0x380, v18;
	v33 =	vadd.s32 v34, v33;
	v61 =	vand.u32 $0x380, v43  }
0x17d: {  	v15 =	vor.u32 v18, v15;
	v18 =	vor.u32 v61, v33;
	v61 =	vand.u32 $0x7F, v60;
	v60 =	vld [tilespmem:s31+$0x320]  }
0x17e: {  	[tilespmem:v40+s19+$0x0] =	vst.idx.add.f32.msk $0xffff, v38  }
0x17f: {  	v37 =	vadd.s32 s25, v26;
	v1 =	vadd.s32 s1, v11;
	v59 =	vand.u32 $0x7F, v35;
	v40 =	vld [tilespmem:$0x1FFB0]  }
0x180: {  	v35 =	vor.u32 v59, v15;
	v15 =	vadd.s32 s4, v26;
	v34 =	vor.u32 v61, v18  }
0x181: {  	v18 =	vadd.s32 s5, v11;
	v43 =	vshll.u32 v15, $0x3;
	v61 =	vshll.u32 v37, $0x3  }
0x182: {  	v33 =	vld [tilespmem:s6+$0x760];
	v59 =	vshll.u32 v18, $0x8;
	v61 =	vand.u32 $0xFFFFFC00, v61;
	v42 =	vshll.u32 v1, $0x8  }
0x183: {  	v38 =	vand.u32 $0xFFFFF800, v42;
	v42 =	vand.u32 $0xFFFFFC00, v43;
	v43 =	vand.u32 $0xFFFFF800, v59;
	[tilespmem:v54+s19+$0x0] =	vst.idx.add.f32.msk $0xffff, v60  }
0x184: {  	v43 =	vadd.s32 v61, v43;
	v61 =	vld [tilespmem:s31+$0x330]  }
0x185: {  	v41 =	vadd.s32 s28, v26;
	v15 =	vand.u32 $0x7F, v15  }
0x186: {  	v37 =	vand.u32 $0x7F, v37;
	v18 =	vshll.u32 v18, $0x7;
	v39 =	vadd.s32 s26, v11;
	v59 =	vld [tilespmem:s29+$0x320]  }
0x187: {  	v18 =	vand.u32 $0x380, v18;
	v63 =	vshll.u32 v41, $0x3;
	v62 =	vshll.u32 v39, $0x8;
	[tilespmem:v40+s19+$0x0] =	vst.idx.add.f32.msk $0xffff, v33  }
0x188: {  	v1 =	vshll.u32 v1, $0x7;
	v33 =	vand.u32 $0xFFFFF800, v62;
	v62 =	vand.u32 $0xFFFFFC00, v63;
	v63 =	vld [tilespmem:s30+$0x320]  }
0x189: {  	v41 =	vand.u32 $0x7F, v41;
	v39 =	vshll.u32 v39, $0x7;
	v1 =	vand.u32 $0x380, v1;
	[tilespmem:v55+s19+$0x0] =	vst.idx.add.f32.msk $0xffff, v61  }
0x18a: {  	v39 =	vand.u32 $0x380, v39;
	v38 =	vadd.s32 v42, v38;
	v42 =	vadd.s32 s26, v12;
	v55 =	vld [tilespmem:s31+$0x340]  }
0x18b: {  	v1 =	vor.u32 v1, v38;
	v18 =	vor.u32 v18, v43;
	v60 =	vshll.u32 v42, $0x8;
	[tilespmem:v51+s19+$0x0] =	vst.idx.add.f32.msk $0xffff, v59  }
0x18c: {  	v42 =	vshll.u32 v42, $0x7;
	v38 =	vor.u32 v37, v18;
	v43 =	vld [tilespmem:s29+$0x330];
	v33 =	vadd.s32 v62, v33  }
0x18d: {  	v18 =	vadd.s32 s5, v12;
	v42 =	vand.u32 $0x380, v42;
	v33 =	vor.u32 v39, v33;
	[tilespmem:v45+s19+$0x0] =	vst.idx.add.f32.msk $0xffff, v63  }
0x18e: {  	v54 =	vshll.u32 v18, $0x8;
	v18 =	vshll.u32 v18, $0x7;
	v37 =	vor.u32 v41, v33;
	v33 =	vld [tilespmem:s30+$0x330]  }
0x18f: {  	v18 =	vand.u32 $0x380, v18;
	v62 =	vand.u32 $0xFFFFF800, v60;
	v39 =	vor.u32 v15, v1;
	[tilespmem:v56+s19+$0x0] =	vst.idx.add.f32.msk $0xffff, v55  }
0x190: {  	v1 =	vadd.s32 s1, v12;
	v15 =	vadd.s32 s4, v27;
	v41 =	vadd.s32 s25, v27;
	v60 =	vld [tilespmem:s31+$0x350]  }
0x191: {  	[tilespmem:v53+s19+$0x0] =	vst.idx.add.f32.msk $0xffff, v43;
	v40 =	vshll.u32 v1, $0x8;
	v51 =	vshll.u32 v15, $0x3;
	v1 =	vshll.u32 v1, $0x7  }
0x192: {  	v53 =	vld [tilespmem:s29+$0x340];
	v15 =	vand.u32 $0x7F, v15;
	v59 =	vshll.u32 v41, $0x3;
	v40 =	vand.u32 $0xFFFFF800, v40  }
0x193: {  	v43 =	vand.u32 $0xFFFFFC00, v51;
	v51 =	vand.u32 $0xFFFFF800, v54;
	v1 =	vand.u32 $0x380, v1;
	[tilespmem:v52+s19+$0x0] =	vst.idx.add.f32.msk $0xffff, v33  }
0x194: {  	v45 =	vadd.s32 s28, v27;
	v54 =	vand.u32 $0xFFFFFC00, v59;
	v40 =	vadd.s32 v43, v40;
	v59 =	vld [tilespmem:s30+$0x340]  }
0x195: {  	v61 =	vshll.u32 v45, $0x3;
	v51 =	vadd.s32 v54, v51;
	v1 =	vor.u32 v1, v40;
	[tilespmem:v57+s19+$0x0] =	vst.idx.add.f32.msk $0xffff, v60  }
0x196: {  	v40 =	vadd.s32 s4, v28;
	v63 =	vand.u32 $0xFFFFFC00, v61;
	v18 =	vor.u32 v18, v51;
	v54 =	vld [tilespmem:s31+$0x360]  }
0x197: {  	v61 =	vand.u32 $0x7F, v41;
	v1 =	vor.u32 v15, v1;
	[tilespmem:v50+s19+$0x0] =	vst.idx.add.f32.msk $0xffff, v53;
	v33 =	vadd.s32 v63, v62  }
0x198: {  	v41 =	vadd.s32 s5, v13;
	v15 =	vor.u32 v61, v18;
	v33 =	vor.u32 v42, v33;
	v42 =	vld [tilespmem:s29+$0x350]  }
0x199: {  	v50 =	vadd.s32 s28, v28;
	v53 =	vshll.u32 v41, $0x8;
	v41 =	vshll.u32 v41, $0x7;
	[tilespmem:v49+s19+$0x0] =	vst.idx.add.f32.msk $0xffff, v59  }
0x19a: {  	v41 =	vand.u32 $0x380, v41;
	v57 =	vand.u32 $0x7F, v50;
	v62 =	vand.u32 $0x7F, v45;
	v43 =	vld [tilespmem:s30+$0x350]  }
0x19b: {  	v45 =	vadd.s32 s25, v28;
	v63 =	vshll.u32 v40, $0x3;
	v40 =	vand.u32 $0x7F, v40;
	[tilespmem:v58+s19+$0x0] =	vst.idx.add.f32.msk $0xffff, v54  }
0x19c: {  	v60 =	vshll.u32 v45, $0x3;
	v63 =	vand.u32 $0xFFFFFC00, v63;
	v56 =	vand.u32 $0x7F, v45;
	v54 =	vld [tilespmem:s31+$0x370]  }
0x19d: {  	v18 =	vor.u32 v62, v33;
	v33 =	vadd.s32 s1, v13;
	v62 =	vshll.u32 v50, $0x3;
	[tilespmem:v48+s19+$0x0] =	vst.idx.add.f32.msk $0xffff, v42  }
0x19e: {  	v60 =	vand.u32 $0xFFFFFC00, v60;
	v50 =	vadd.s32 s28, v29;
	v51 =	vshll.u32 v33, $0x8;
	v59 =	vld [tilespmem:s29+$0x360]  }
0x19f: {  	v33 =	vshll.u32 v33, $0x7;
	v62 =	vand.u32 $0xFFFFFC00, v62;
	v42 =	vand.u32 $0xFFFFF800, v51;
	[tilespmem:v47+s19+$0x0] =	vst.idx.add.f32.msk $0xffff, v43  }
0x1a0: {  	v33 =	vand.u32 $0x380, v33;
	v49 =	vadd.s32 s26, v13;
	v42 =	vadd.s32 v63, v42;
	v63 =	vld [tilespmem:s30+$0x360]  }
0x1a1: {  	v51 =	vand.u32 $0xFFFFF800, v53;
	v48 =	vadd.s32 s26, v14;
	v61 =	vshll.u32 v49, $0x8;
	[tilespmem:v36+s19+$0x0] =	vst.idx.add.f32.msk $0xffff, v54  }
0x1a2: {  	v49 =	vshll.u32 v49, $0x7;
	v51 =	vadd.s32 v60, v51;
	v61 =	vand.u32 $0xFFFFF800, v61;
	v52 =	vld [tilespmem:s31+$0x700]  }
0x1a3: {  	v53 =	vand.u32 $0x380, v49;
	v33 =	vor.u32 v33, v42;
	v42 =	vadd.s32 s1, v14;
	[tilespmem:v46+s19+$0x0] =	vst.idx.add.f32.msk $0xffff, v59  }
0x1a4: {  	v41 =	vor.u32 v41, v51;
	v58 =	vshll.u32 v42, $0x8;
	v42 =	vshll.u32 v42, $0x7;
	v46 =	vld [tilespmem:s29+$0x370]  }
0x1a5: {  	v33 =	vor.u32 v40, v33;
	v40 =	vor.u32 v56, v41;
	v42 =	vand.u32 $0x380, v42;
	[tilespmem:v44+s19+$0x0] =	vst.idx.add.f32.msk $0xffff, v63  }
0x1a6: {  	v36 =	vadd.s32 s1, v16;
	v43 =	vadd.s32 v62, v61;
	v47 =	vadd.s32 s25, v29;
	v45 =	vld [tilespmem:s30+$0x370]  }
0x1a7: {  	v62 =	vshll.u32 v48, $0x8;
	v48 =	vshll.u32 v48, $0x7;
	v55 =	vor.u32 v53, v43;
	[tilespmem:v39+s19+$0x0] =	vst.idx.add.f32.msk $0xffff, v52  }
0x1a8: {  	v43 =	vadd.s32 s4, v29;
	v61 =	vshll.u32 v47, $0x3;
	v44 =	vadd.s32 s5, v14;
	v56 =	vld [tilespmem:s31+$0x710]  }
0x1a9: {  	v41 =	vor.u32 v57, v55;
	v59 =	vshll.u32 v43, $0x3;
	[tilespmem:v35+s19+$0x0] =	vst.idx.add.f32.msk $0xffff, v46;
	v60 =	vshll.u32 v44, $0x8  }
0x1aa: {  	v57 =	vand.u32 $0xFFFFF800, v58;
	v58 =	vand.u32 $0xFFFFFC00, v59;
	v59 =	vand.u32 $0xFFFFF800, v60;
	v60 =	vld [tilespmem:s29+$0x700]  }
0x1ab: {  	v62 =	vand.u32 $0xFFFFF800, v62;
	v61 =	vand.u32 $0xFFFFFC00, v61;
	v55 =	vand.u32 $0x380, v48;
	[tilespmem:v34+s19+$0x0] =	vst.idx.add.f32.msk $0xffff, v45  }
0x1ac: {  	v52 =	vadd.s32 s26, v17;
	v63 =	vshll.u32 v50, $0x3;
	v35 =	vadd.s32 v58, v57;
	v53 =	vld [tilespmem:s30+$0x700]  }
0x1ad: {  	v57 =	vand.u32 $0x7F, v43;
	v58 =	vand.u32 $0x7F, v47;
	v63 =	vand.u32 $0xFFFFFC00, v63;
	[tilespmem:v1+s19+$0x0] =	vst.idx.add.f32.msk $0xffff, v56  }
0x1ae: {  	v43 =	vadd.s32 s25, v30;
	v47 =	vadd.s32 s28, v30;
	v34 =	vadd.s32 v63, v62;
	v63 =	vld [tilespmem:s31+$0x720]  }
0x1af: {  	v44 =	vshll.u32 v44, $0x7;
	v35 =	vor.u32 v42, v35;
	v51 =	vand.u32 $0x7F, v47;
	[tilespmem:v38+s19+$0x0] =	vst.idx.add.f32.msk $0xffff, v60  }
0x1b0: {  	v54 =	vand.u32 $0x380, v44;
	v35 =	vor.u32 v57, v35;
	v46 =	vadd.s32 v61, v59;
	v60 =	vld [tilespmem:s29+$0x710]  }
0x1b1: {  	v59 =	vand.u32 $0x7F, v50;
	v50 =	vand.u32 $0x7F, v43;
	v39 =	vor.u32 v54, v46;
	[tilespmem:v37+s19+$0x0] =	vst.idx.add.f32.msk $0xffff, v53  }
0x1b2: {  	v46 =	vadd.s32 s26, v16;
	v1 =	vshll.u32 v36, $0x8;
	v56 =	vshll.u32 v43, $0x3;
	v42 =	vld [tilespmem:s30+$0x710]  }
0x1b3: {  	v57 =	vshll.u32 v46, $0x8;
	v36 =	vshll.u32 v36, $0x7;
	v46 =	vshll.u32 v46, $0x7;
	[tilespmem:v33+s19+$0x0] =	vst.idx.add.f32.msk $0xffff, v63  }
0x1b4: {  	v43 =	vshll.u32 v52, $0x7;
	v1 =	vand.u32 $0xFFFFF800, v1;
	v36 =	vand.u32 $0x380, v36;
	v48 =	vld [tilespmem:s31+$0x730]  }
0x1b5: {  	v46 =	vand.u32 $0x380, v46;
	v34 =	vor.u32 v55, v34;
	v37 =	vadd.s32 s4, v30;
	[tilespmem:v15+s19+$0x0] =	vst.idx.add.f32.msk $0xffff, v60  }
0x1b6: {  	v38 =	vor.u32 v58, v39;
	v39 =	vadd.s32 s5, v16;
	v61 =	vshll.u32 v37, $0x3;
	v60 =	vld [tilespmem:s29+$0x720]  }
0x1b7: {  	v58 =	vshll.u32 v47, $0x3;
	v34 =	vor.u32 v59, v34;
	v15 =	vand.u32 $0xFFFFFC00, v61;
	[tilespmem:v18+s19+$0x0] =	vst.idx.add.f32.msk $0xffff, v42  }
0x1b8: {  	v62 =	vshll.u32 v39, $0x8;
	v39 =	vshll.u32 v39, $0x7;
	v1 =	vadd.s32 v15, v1;
	v15 =	vld [tilespmem:s30+$0x720]  }
0x1b9: {  	v59 =	vand.u32 $0xFFFFF800, v62;
	v62 =	vand.u32 $0xFFFFFC00, v58;
	v58 =	vshll.u32 v52, $0x8;
	[tilespmem:v35+s19+$0x0] =	vst.idx.add.f32.msk $0xffff, v48  }
0x1ba: {  	v49 =	vand.u32 $0x7F, v37;
	v61 =	vand.u32 $0xFFFFFC00, v56;
	v1 =	vor.u32 v36, v1;
	v56 =	vld [tilespmem:s31+$0x740]  }
0x1bb: {  	v63 =	vand.u32 $0x380, v39;
	v37 =	vadd.s32 s5, v17;
	v1 =	vor.u32 v49, v1;
	[tilespmem:v40+s19+$0x0] =	vst.idx.add.f32.msk $0xffff, v60  }
0x1bc: {  	v55 =	vshll.u32 v37, $0x8;
	v37 =	vshll.u32 v37, $0x7;
	v44 =	vadd.s32 v61, v59;
	v40 =	vld [tilespmem:s29+$0x730]  }
0x1bd: {  	v61 =	vand.u32 $0xFFFFF800, v55;
	v33 =	vor.u32 v63, v44;
	v36 =	vadd.s32 s4, v31;
	[tilespmem:v41+s19+$0x0] =	vst.idx.add.f32.msk $0xffff, v15  }
0x1be: {  	v44 =	vadd.s32 s28, v31;
	v33 =	vor.u32 v50, v33;
	v54 =	vshll.u32 v36, $0x3;
	v39 =	vld [tilespmem:s30+$0x730]  }
0x1bf: {  	v59 =	vshll.u32 v44, $0x3;
	v48 =	vand.u32 $0xFFFFF800, v58;
	v18 =	vand.u32 $0xFFFFF800, v57  }
0x1c0: {  	v50 =	vand.u32 $0xFFFFFC00, v59;
	v59 =	vadd.s32 s26, v32;
	v18 =	vadd.s32 v62, v18;
	[tilespmem:v1+s19+$0x0] =	vst.idx.add.f32.msk $0xffff, v56  }
0x1c1: {  	v60 =	vand.u32 $0xFFFFFC00, v54;
	v54 =	vand.u32 $0x7F, v36;
	v18 =	vor.u32 v46, v18;
	[tilespmem:v38+s19+$0x0] =	vst.idx.add.f32.msk $0xffff, v40  }
0x1c2: {  	v18 =	vor.u32 v51, v18;
	v1 =	vand.u32 $0x380, v37;
	v15 =	vadd.s32 s1, v17;
	v62 =	vld [tilespmem:s29+$0x740]  }
0x1c3: {  	v56 =	vand.u32 $0x7F, v44;
	v41 =	vadd.s32 s25, v31;
	v53 =	vshll.u32 v15, $0x8;
	[tilespmem:v34+s19+$0x0] =	vst.idx.add.f32.msk $0xffff, v39  }
0x1c4: {  	v57 =	vshll.u32 v41, $0x3;
	v15 =	vshll.u32 v15, $0x7;
	v55 =	vand.u32 $0x7F, v41;
	v51 =	vld [tilespmem:s30+$0x740]  }
0x1c5: {  	v38 =	vadd.s32 s25, v32;
	v40 =	vadd.s32 s28, v32;
	v35 =	vand.u32 $0xFFFFF800, v53  }
0x1c6: {  	v63 =	vand.u32 $0xFFFFFC00, v57;
	v15 =	vand.u32 $0x380, v15;
	v35 =	vadd.s32 v60, v35  }
0x1c7: {  	v58 =	vld [tilespmem:s31+$0x750];
	v41 =	vmov s5;
	v52 =	vadd.s32 v63, v61;
	v15 =	vor.u32 v15, v35  }
0x1c8: {  	v53 =	vand.u32 $0x380, v43;
	v1 =	vor.u32 v1, v52;
	v34 =	vadd.s32 v50, v48;
	[tilespmem:v33+s19+$0x0] =	vst.idx.add.f32.msk $0xffff, v62  }
0x1c9: {  	v35 =	vadd.s32 s5, v32;
	v15 =	vor.u32 v54, v15;
	v34 =	vor.u32 v53, v34;
	[tilespmem:v18+s19+$0x0] =	vst.idx.add.f32.msk $0xffff, v51  }
0x1ca: {  	v1 =	vor.u32 v55, v1;
	v63 =	vshll.u32 v35, $0x8;
	v33 =	vor.u32 v56, v34;
	v56 =	vld [tilespmem:$0x1FFC0]  }
0x1cb: {  	v54 =	vshll.u32 v59, $0x8;
	v55 =	vshll.u32 v40, $0x3;
	v35 =	vshll.u32 v35, $0x7;
	v60 =	vld [tilespmem:s29+$0x750]  }
0x1cc: {  	v44 =	vand.u32 $0xFFFFF800, v63;
	v39 =	vshll.u32 v59, $0x7;
	v34 =	vadd.s32 s4, v32  }
0x1cd: {  	v57 =	vld [tilespmem:s6+$0x770];
	v59 =	vand.u32 $0x380, v35;
	v63 =	vand.u32 $0x7F, v40;
	v62 =	vshll.u32 v34, $0x3  }
0x1ce: {  	v53 =	vshll.u32 v38, $0x3;
	v43 =	vand.u32 $0xFFFFFC00, v62;
	v18 =	vadd.s32 s1, v32;
	v52 =	vld [tilespmem:s30+$0x750]  }
0x1cf: {  	v62 =	vand.u32 $0x7F, v38;
	v61 =	vshll.u32 v18, $0x8;
	v18 =	vshll.u32 v18, $0x7;
	[tilespmem:v15+s19+$0x0] =	vst.idx.add.f32.msk $0xffff, v58  }
0x1d0: {  	v15 =	vand.u32 $0xFFFFF800, v54;
	v58 =	vand.u32 $0xFFFFFC00, v55;
	[tilespmem:v1+s19+$0x0] =	vst.idx.add.f32.msk $0xffff, v60;
	v60 =	vand.u32 $0x380, v39  }
0x1d1: {  	v42 =	vand.u32 $0xFFFFF800, v61;
	v18 =	vand.u32 $0x380, v18;
	v15 =	vadd.s32 v58, v15;
	v36 =	vld [tilespmem:s31+$0x760]  }
0x1d2: {  	v61 =	vand.u32 $0x7F, v34;
	v1 =	vadd.s32 v43, v42;
	[tilespmem:v56+s19+$0x0] =	vst.idx.add.f32.msk $0xffff, v57;
	v57 =	vand.u32 $0xFFFFFC00, v53  }
0x1d3: {  	v35 =	vld [tilespmem:s29+$0x760];
	v15 =	vor.u32 v60, v15;
	v1 =	vor.u32 v18, v1;
	v37 =	vadd.s32 v57, v44  }
0x1d4: {  	s0 =	sadd.s32 $0x1, s0;
	v39 =	vmov s1;
	v40 =	vor.u32 v61, v1;
	[tilespmem:v33+s19+$0x0] =	vst.idx.add.f32.msk $0xffff, v52;
	v18 =	vor.u32 v59, v37  }
0x1d5: {  	s7 =	simm.s32 $0x0;
	s5 =	simm.s32 $0x0;
	s1 =	simm.s32 $0x0;
	v33 =	vmov s4;
	v34 =	vld [tilespmem:s30+$0x760];
	v37 =	vor.u32 v63, v15;
	v38 =	vor.u32 v62, v18  }
.LBB2_5:
0x1d6: {  	s20 =	sadd.s32 $0xFFFFFFE0, s0;
	s4 =	sadd.s32 $0xFFFFFFF0, s0  }
0x1d7: {  	s1 =	sadd.s32 $0x4, s1;
	s6 =	sadd.s32 $0xFFFFFFD0, s0;
	s2 =	simm.s32 $0x1  }
0x1d8: {  	v1 =	vmov s25;
	v15 =	vmov s26;
	s8 =	simm.s32 $0xFFFFFF6C;
	s25 =	simm.s32 $0xFFFFFF6C;
	s26 =	simm.s32 $0x1  }
0x1d9: {  	v18 =	vmov s28;
	s28 =	simm.s32 $0xFFFFFF6C;
	p1 =	sgt.s32 s4, $0x93;
	p0 =	slt.u32 s1, $0x3C  }
0x1da: {  	v42 =	vshll.u32 v39, $0x8;
	v43 =	vshll.u32 v33, $0x3;
	v44 =	vshll.u32 v41, $0x8;
	p3 =	sgt.s32 s6, $0x93;
	p2 =	sgt.s32 s20, $0x93;
	s2 =	simm.s32 @!p1 $0x0  }
0x1db: {  	v45 =	vshll.u32 v1, $0x3;
	v46 =	vshll.u32 v15, $0x8;
	v47 =	vshll.u32 v18, $0x3;
	s8 =	simm.s32 @!p1 $0x0;
	p1 =	sgt.s32 s0, $0x93;
	s25 =	simm.s32 @!p3 $0x0  }
0x1dc: {  	s26 =	simm.s32 @!p2 $0x0;
	s2 =	sadd.s32 s2, s22;
	s9 =	sadd.s32 s8, s4;
	[tilespmem:v40+s19+$0x0] =	vst.idx.add.f32.msk $0xffff, v36;
	v36 =	vand.u32 $0xFFFFF800, v42;
	v40 =	vand.u32 $0xFFFFFC00, v43;
	v42 =	vand.u32 $0xFFFFF800, v44  }
0x1dd: {  	v39 =	vshll.u32 v39, $0x7;
	v41 =	vshll.u32 v41, $0x7;
	s4 =	simm.s32 $0x1;
	p4 =	slt.s32 s2, $0x86;
	p5 =	slt.s32 s9, $0x86;
	[tilespmem:v38+s19+$0x0] =	vst.idx.add.f32.msk $0xffff, v35;
	v35 =	vand.u32 $0xFFFFFC00, v45  }
0x1de: {  	v15 =	vshll.u32 v15, $0x7;
	s28 =	simm.s32 @!p2 $0x0;
	s4 =	simm.s32 @!p3 $0x0;
	p3 =	por !p4, !p5;
	[tilespmem:v37+s19+$0x0] =	vst.idx.add.f32.msk $0xffff, v34;
	v34 =	vand.u32 $0xFFFFF800, v46;
	v37 =	vand.u32 $0xFFFFFC00, v47  }
0x1df: {  	v39 =	vand.u32 $0x380, v39;
	v36 =	vadd.s32 v40, v36;
	v35 =	vadd.s32 v35, v42;
	s8 =	sadd.s32 s4, s22;
	p2 =	por !p3, !p3;
	v43 =	vld [tilespmem:s31+$0x770];
	s31 =	simm.s32 $0xFFFFFF6C  }
0x1e0: {  	v15 =	vand.u32 $0x380, v15;
	v40 =	vand.u32 $0x380, v41;
	v34 =	vadd.s32 v37, v34;
	s2 =	simm.s32 @!p2 $0x94;
	s9 =	simm.s32 @!p2 $0x0;
	v38 =	vld [tilespmem:s29+$0x770];
	s29 =	simm.s32 $0x1  }
0x1e1: {  	s6 =	sadd.s32 s25, s6;
	v36 =	vor.u32 v39, v36;
	s31 =	simm.s32 @!p1 $0x0;
	v37 =	vadd.s32 s2, v2;
	v41 =	vadd.s32 s9, v19;
	s29 =	simm.s32 @!p1 $0x0;
	v39 =	vld [tilespmem:s30+$0x770]  }
0x1e2: {  	s5 =	sadd.s32 $0x100, s5;
	s25 =	sadd.s32 s28, s20;
	s4 =	sadd.s32 s26, s22;
	v35 =	vor.u32 v40, v35;
	v42 =	vshll.u32 v37, $0x8;
	v44 =	vshll.u32 v41, $0x3  }
0x1e3: {  	s7 =	sadd.s32 $0x80, s7;
	s20 =	sadd.s32 $0x2000, s5;
	v37 =	vshll.u32 v37, $0x7;
	s26 =	sadd.s32 s29, s22;
	v40 =	vand.u32 $0xFFFFF800, v42;
	v42 =	vand.u32 $0xFFFFFC00, v44  }
0x1e4: {  	s20 =	sand.u32 $0x2800, s20;
	v15 =	vor.u32 v15, v34;
	s30 =	sand.u32 $0x380, s7;
	s28 =	sadd.s32 s0, s31;
	v37 =	vand.u32 $0x380, v37;
	v40 =	vadd.s32 v42, v40  }
0x1e5: {  	v33 =	vand.u32 $0x7F, v33;
	p2 =	slt.s32 s6, $0x86;
	p1 =	slt.s32 s8, $0x86;
	s20 =	sor.u32 s30, s20;
	v34 =	vand.u32 $0x7F, v41;
	v37 =	vor.u32 v37, v40  }
0x1e6: {  	v1 =	vand.u32 $0x7F, v1;
	v18 =	vand.u32 $0x7F, v18;
	p5 =	slt.s32 s25, $0x86;
	p3 =	slt.s32 s4, $0x86;
	p4 =	slt.s32 s26, $0x86;
	v40 =	vld [tilespmem:s20+$0x300];
	v34 =	vor.u32 v34, v37  }
0x1e7: {  	v33 =	vor.u32 v33, v36;
	p1 =	por !p1, !p2;
	p2 =	por !p3, !p5;
	v41 =	vadd.s32 s9, v20;
	p5 =	slt.s32 s28, $0x86;
	v37 =	vadd.s32 s2, v3  }
0x1e8: {  	v1 =	vor.u32 v1, v35;
	p3 =	por !p1, !p1;
	p2 =	por !p2, !p2;
	v42 =	vshll.u32 v41, $0x3;
	p1 =	por !p4, !p5;
	v36 =	vshll.u32 v37, $0x8  }
0x1e9: {  	s31 =	sadd.s32 $0x3000, s5;
	s29 =	sadd.s32 $0x1000, s5;
	p1 =	por !p1, !p1;
	v37 =	vshll.u32 v37, $0x7;
	v35 =	vand.u32 $0xFFFFF800, v36;
	v36 =	vand.u32 $0xFFFFFC00, v42  }
0x1ea: {  	v15 =	vor.u32 v18, v15;
	s29 =	sand.u32 $0x1800, s29;
	s8 =	simm.s32 @!p3 $0x94;
	s6 =	simm.s32 @!p3 $0x0;
	v35 =	vadd.s32 v36, v35;
	v36 =	vand.u32 $0x380, v37  }
0x1eb: {  	s11 =	sand.u32 $0x3800, s31;
	s4 =	simm.s32 @!p2 $0x94;
	s25 =	simm.s32 @!p2 $0x0;
	v18 =	vadd.s32 s8, v2;
	v35 =	vor.u32 v36, v35;
	[tilespmem:v34+s19+$0x0] =	vst.idx.add.f32.msk $0xffff, v40;
	v34 =	vand.u32 $0x7F, v41  }
0x1ec: {  	s31 =	sand.u32 $0x800, s5;
	s26 =	simm.s32 @!p1 $0x94;
	s28 =	simm.s32 @!p1 $0x0;
	v36 =	vadd.s32 s6, v19;
	v40 =	vadd.s32 s4, v2;
	v41 =	vld [tilespmem:s20+$0x310];
	v42 =	vor.u32 v34, v35  }
0x1ed: {  	s31 =	sor.u32 s30, s31;
	v44 =	vadd.s32 s9, v21;
	s29 =	sor.u32 s30, s29;
	s30 =	sor.u32 s30, s11;
	v37 =	vadd.s32 s25, v19;
	v34 =	vadd.s32 s2, v4;
	[tilespmem:v33+s19+$0x0] =	vst.idx.add.f32.msk $0xffff, v43  }
0x1ee: {  	v45 =	vadd.s32 s26, v2;
	v35 =	vshll.u32 v34, $0x8;
	v43 =	vshll.u32 v44, $0x3;
	v33 =	vld [tilespmem:s29+$0x300]  }
0x1ef: {  	v47 =	vshll.u32 v34, $0x7;
	v46 =	vand.u32 $0xFFFFF800, v35;
	v43 =	vand.u32 $0xFFFFFC00, v43;
	v34 =	vld [tilespmem:s30+$0x300]  }
0x1f0: {  	v43 =	vadd.s32 v43, v46;
	v46 =	vand.u32 $0x380, v47;
	v47 =	vadd.s32 s28, v19;
	v35 =	vld [tilespmem:s31+$0x300]  }
0x1f1: {  	v48 =	vshll.u32 v18, $0x8;
	[tilespmem:v42+s19+$0x0] =	vst.idx.add.f32.msk $0xffff, v41;
	v41 =	vand.u32 $0x7F, v44;
	v42 =	vor.u32 v46, v43  }
0x1f2: {  	v43 =	vshll.u32 v36, $0x3;
	v44 =	vshll.u32 v40, $0x8;
	v46 =	vld [tilespmem:s20+$0x320];
	v41 =	vor.u32 v41, v42  }
0x1f3: {  	v49 =	vadd.s32 s2, v5;
	v50 =	vadd.s32 s9, v22;
	v42 =	vshll.u32 v37, $0x3;
	[tilespmem:v1+s19+$0x0] =	vst.idx.add.f32.msk $0xffff, v38  }
0x1f4: {  	v51 =	vshll.u32 v45, $0x8;
	v1 =	vshll.u32 v49, $0x8;
	v38 =	vshll.u32 v50, $0x3;
	[tilespmem:v15+s19+$0x0] =	vst.idx.add.f32.msk $0xffff, v39  }
0x1f5: {  	v1 =	vand.u32 $0xFFFFF800, v1;
	v15 =	vand.u32 $0xFFFFFC00, v38;
	v38 =	vshll.u32 v49, $0x7  }
0x1f6: {  	v1 =	vadd.s32 v15, v1;
	v15 =	vand.u32 $0x380, v38;
	v38 =	vshll.u32 v47, $0x3  }
0x1f7: {  	v39 =	vand.u32 $0xFFFFF800, v48;
	v1 =	vor.u32 v15, v1;
	[tilespmem:v41+s19+$0x0] =	vst.idx.add.f32.msk $0xffff, v46;
	v41 =	vand.u32 $0x7F, v50  }
0x1f8: {  	v15 =	vand.u32 $0xFFFFFC00, v43;
	v43 =	vand.u32 $0xFFFFF800, v44;
	v44 =	vld [tilespmem:s20+$0x330];
	v1 =	vor.u32 v41, v1  }
0x1f9: {  	v46 =	vadd.s32 s9, v23;
	v41 =	vand.u32 $0xFFFFFC00, v42;
	v42 =	vadd.s32 s2, v6  }
0x1fa: {  	v18 =	vshll.u32 v18, $0x7;
	v49 =	vshll.u32 v46, $0x3;
	v48 =	vshll.u32 v42, $0x8  }
0x1fb: {  	v49 =	vand.u32 $0xFFFFFC00, v49;
	v42 =	vshll.u32 v42, $0x7;
	v48 =	vand.u32 $0xFFFFF800, v48  }
0x1fc: {  	v40 =	vshll.u32 v40, $0x7;
	v42 =	vand.u32 $0x380, v42;
	v48 =	vadd.s32 v49, v48  }
0x1fd: {  	v42 =	vor.u32 v42, v48;
	[tilespmem:v1+s19+$0x0] =	vst.idx.add.f32.msk $0xffff, v44;
	v1 =	vand.u32 $0x7F, v46;
	v44 =	vand.u32 $0xFFFFF800, v51  }
0x1fe: {  	v38 =	vand.u32 $0xFFFFFC00, v38;
	v46 =	vld [tilespmem:s20+$0x340];
	v1 =	vor.u32 v1, v42;
	v42 =	vshll.u32 v45, $0x7  }
0x1ff: {  	v15 =	vadd.s32 v15, v39;
	v39 =	vadd.s32 s2, v7;
	v45 =	vadd.s32 s9, v24  }
0x200: {  	v41 =	vadd.s32 v41, v43;
	v43 =	vshll.u32 v39, $0x8;
	v48 =	vshll.u32 v45, $0x3  }
0x201: {  	v39 =	vshll.u32 v39, $0x7;
	v43 =	vand.u32 $0xFFFFF800, v43;
	v48 =	vand.u32 $0xFFFFFC00, v48  }
0x202: {  	v18 =	vand.u32 $0x380, v18;
	v39 =	vand.u32 $0x380, v39;
	v43 =	vadd.s32 v48, v43  }
0x203: {  	v40 =	vand.u32 $0x380, v40;
	v39 =	vor.u32 v39, v43;
	[tilespmem:v1+s19+$0x0] =	vst.idx.add.f32.msk $0xffff, v46;
	v1 =	vand.u32 $0x7F, v45  }
0x204: {  	v38 =	vadd.s32 v38, v44;
	v43 =	vld [tilespmem:s20+$0x350];
	v1 =	vor.u32 v1, v39;
	v39 =	vand.u32 $0x380, v42  }
0x205: {  	v15 =	vor.u32 v18, v15;
	v18 =	vadd.s32 s2, v8;
	v42 =	vadd.s32 s9, v9  }
0x206: {  	v40 =	vor.u32 v40, v41;
	v41 =	vshll.u32 v18, $0x8;
	v44 =	vshll.u32 v42, $0x3  }
0x207: {  	v18 =	vshll.u32 v18, $0x7;
	v41 =	vand.u32 $0xFFFFF800, v41;
	v44 =	vand.u32 $0xFFFFFC00, v44  }
0x208: {  	v18 =	vand.u32 $0x380, v18;
	v38 =	vor.u32 v39, v38;
	v41 =	vadd.s32 v44, v41  }
0x209: {  	v36 =	vand.u32 $0x7F, v36;
	v18 =	vor.u32 v18, v41;
	[tilespmem:v1+s19+$0x0] =	vst.idx.add.f32.msk $0xffff, v43;
	v1 =	vand.u32 $0x7F, v42  }
0x20a: {  	v37 =	vand.u32 $0x7F, v37;
	v39 =	vld [tilespmem:s20+$0x360];
	v1 =	vor.u32 v1, v18;
	v18 =	vand.u32 $0x7F, v47  }
0x20b: {  	v15 =	vor.u32 v36, v15;
	v36 =	vadd.s32 s2, v25;
	v41 =	vadd.s32 s9, v10  }
0x20c: {  	v40 =	vor.u32 v37, v40;
	v37 =	vshll.u32 v36, $0x8;
	v42 =	vshll.u32 v41, $0x3  }
0x20d: {  	v36 =	vshll.u32 v36, $0x7;
	v37 =	vand.u32 $0xFFFFF800, v37;
	v42 =	vand.u32 $0xFFFFFC00, v42  }
0x20e: {  	v36 =	vand.u32 $0x380, v36;
	v37 =	vadd.s32 v42, v37;
	v18 =	vor.u32 v18, v38  }
0x20f: {  	v38 =	vadd.s32 s8, v3;
	v37 =	vor.u32 v36, v37;
	[tilespmem:v1+s19+$0x0] =	vst.idx.add.f32.msk $0xffff, v39;
	v1 =	vand.u32 $0x7F, v41  }
0x210: {  	v36 =	vadd.s32 s6, v20;
	v39 =	vadd.s32 s4, v3;
	v41 =	vld [tilespmem:s20+$0x370];
	v1 =	vor.u32 v1, v37  }
0x211: {  	v37 =	vadd.s32 s25, v20;
	[tilespmem:v15+s19+$0x0] =	vst.idx.add.f32.msk $0xffff, v35;
	v15 =	vadd.s32 s2, v11;
	v35 =	vadd.s32 s9, v26  }
0x212: {  	v42 =	vadd.s32 s26, v3;
	[tilespmem:v40+s19+$0x0] =	vst.idx.add.f32.msk $0xffff, v33;
	v33 =	vshll.u32 v15, $0x8;
	v40 =	vshll.u32 v35, $0x3  }
0x213: {  	v15 =	vshll.u32 v15, $0x7;
	v43 =	vand.u32 $0xFFFFF800, v33;
	v40 =	vand.u32 $0xFFFFFC00, v40;
	[tilespmem:v18+s19+$0x0] =	vst.idx.add.f32.msk $0xffff, v34  }
0x214: {  	v15 =	vand.u32 $0x380, v15;
	v33 =	vld [tilespmem:s31+$0x310];
	v18 =	vadd.s32 v40, v43;
	v40 =	vadd.s32 s28, v20  }
0x215: {  	v43 =	vshll.u32 v38, $0x8;
	[tilespmem:v1+s19+$0x0] =	vst.idx.add.f32.msk $0xffff, v41;
	v1 =	vand.u32 $0x7F, v35;
	v15 =	vor.u32 v15, v18  }
0x216: {  	v18 =	vshll.u32 v36, $0x3;
	v41 =	vshll.u32 v39, $0x8;
	v44 =	vld [tilespmem:s20+$0x700];
	v1 =	vor.u32 v1, v15  }
0x217: {  	v45 =	vadd.s32 s2, v12;
	v46 =	vadd.s32 s9, v27;
	v15 =	vshll.u32 v37, $0x3;
	v35 =	vld [tilespmem:s29+$0x310]  }
0x218: {  	v48 =	vshll.u32 v46, $0x3;
	v47 =	vshll.u32 v45, $0x8;
	v49 =	vshll.u32 v42, $0x8;
	v34 =	vld [tilespmem:s30+$0x310]  }
0x219: {  	v48 =	vand.u32 $0xFFFFFC00, v48;
	v45 =	vshll.u32 v45, $0x7;
	v47 =	vand.u32 $0xFFFFF800, v47  }
0x21a: {  	v45 =	vand.u32 $0x380, v45;
	v47 =	vadd.s32 v48, v47;
	v48 =	vshll.u32 v40, $0x3  }
0x21b: {  	v43 =	vand.u32 $0xFFFFF800, v43;
	[tilespmem:v1+s19+$0x0] =	vst.idx.add.f32.msk $0xffff, v44;
	v1 =	vand.u32 $0x7F, v46;
	v44 =	vor.u32 v45, v47  }
0x21c: {  	v18 =	vand.u32 $0xFFFFFC00, v18;
	v41 =	vand.u32 $0xFFFFF800, v41;
	v45 =	vld [tilespmem:s20+$0x710];
	v1 =	vor.u32 v1, v44  }
0x21d: {  	v15 =	vand.u32 $0xFFFFFC00, v15;
	v46 =	vadd.s32 s9, v28;
	v44 =	vadd.s32 s2, v13  }
0x21e: {  	v38 =	vshll.u32 v38, $0x7;
	v50 =	vshll.u32 v46, $0x3;
	v47 =	vshll.u32 v44, $0x8  }
0x21f: {  	v50 =	vand.u32 $0xFFFFFC00, v50;
	v44 =	vshll.u32 v44, $0x7;
	v47 =	vand.u32 $0xFFFFF800, v47  }
0x220: {  	v39 =	vshll.u32 v39, $0x7;
	v44 =	vand.u32 $0x380, v44;
	v47 =	vadd.s32 v50, v47  }
0x221: {  	v44 =	vor.u32 v44, v47;
	[tilespmem:v1+s19+$0x0] =	vst.idx.add.f32.msk $0xffff, v45;
	v1 =	vand.u32 $0x7F, v46;
	v45 =	vand.u32 $0xFFFFF800, v49  }
0x222: {  	v42 =	vshll.u32 v42, $0x7;
	v46 =	vld [tilespmem:s20+$0x720];
	v1 =	vor.u32 v1, v44;
	v44 =	vand.u32 $0xFFFFFC00, v48  }
0x223: {  	v18 =	vadd.s32 v18, v43;
	v43 =	vadd.s32 s2, v14;
	v47 =	vadd.s32 s9, v29  }
0x224: {  	v15 =	vadd.s32 v15, v41;
	v41 =	vshll.u32 v43, $0x8;
	v48 =	vshll.u32 v47, $0x3  }
0x225: {  	v43 =	vshll.u32 v43, $0x7;
	v41 =	vand.u32 $0xFFFFF800, v41;
	v48 =	vand.u32 $0xFFFFFC00, v48  }
0x226: {  	v38 =	vand.u32 $0x380, v38;
	v43 =	vand.u32 $0x380, v43;
	v41 =	vadd.s32 v48, v41  }
0x227: {  	v39 =	vand.u32 $0x380, v39;
	v41 =	vor.u32 v43, v41;
	[tilespmem:v1+s19+$0x0] =	vst.idx.add.f32.msk $0xffff, v46;
	v1 =	vand.u32 $0x7F, v47  }
0x228: {  	v42 =	vand.u32 $0x380, v42;
	v43 =	vld [tilespmem:s20+$0x730];
	v1 =	vor.u32 v1, v41;
	v41 =	vadd.s32 v44, v45  }
0x229: {  	v18 =	vor.u32 v38, v18;
	v38 =	vadd.s32 s2, v16;
	v44 =	vadd.s32 s9, v30  }
0x22a: {  	v15 =	vor.u32 v39, v15;
	v39 =	vshll.u32 v38, $0x8;
	v45 =	vshll.u32 v44, $0x3  }
0x22b: {  	v38 =	vshll.u32 v38, $0x7;
	v39 =	vand.u32 $0xFFFFF800, v39;
	v45 =	vand.u32 $0xFFFFFC00, v45  }
0x22c: {  	v38 =	vand.u32 $0x380, v38;
	v41 =	vor.u32 v42, v41;
	v39 =	vadd.s32 v45, v39  }
0x22d: {  	v36 =	vand.u32 $0x7F, v36;
	v38 =	vor.u32 v38, v39;
	[tilespmem:v1+s19+$0x0] =	vst.idx.add.f32.msk $0xffff, v43;
	v1 =	vand.u32 $0x7F, v44  }
0x22e: {  	v37 =	vand.u32 $0x7F, v37;
	v39 =	vld [tilespmem:s20+$0x740];
	v1 =	vor.u32 v1, v38;
	v38 =	vand.u32 $0x7F, v40  }
0x22f: {  	v18 =	vor.u32 v36, v18;
	v36 =	vadd.s32 s2, v17;
	v40 =	vadd.s32 s9, v31  }
0x230: {  	v15 =	vor.u32 v37, v15;
	v37 =	vshll.u32 v36, $0x8;
	v42 =	vshll.u32 v40, $0x3  }
0x231: {  	v36 =	vshll.u32 v36, $0x7;
	v37 =	vand.u32 $0xFFFFF800, v37;
	v42 =	vand.u32 $0xFFFFFC00, v42  }
0x232: {  	v36 =	vand.u32 $0x380, v36;
	v38 =	vor.u32 v38, v41;
	v37 =	vadd.s32 v42, v37  }
0x233: {  	v41 =	vadd.s32 s8, v4;
	v36 =	vor.u32 v36, v37;
	[tilespmem:v1+s19+$0x0] =	vst.idx.add.f32.msk $0xffff, v39;
	v1 =	vand.u32 $0x7F, v40  }
0x234: {  	v37 =	vadd.s32 s6, v21;
	v39 =	vadd.s32 s4, v4;
	v40 =	vld [tilespmem:s20+$0x750];
	v1 =	vor.u32 v1, v36  }
0x235: {  	v36 =	vadd.s32 s9, v32;
	[tilespmem:v18+s19+$0x0] =	vst.idx.add.f32.msk $0xffff, v33;
	v18 =	vadd.s32 s25, v21;
	v33 =	vadd.s32 s2, v32  }
0x236: {  	v42 =	vadd.s32 s26, v4;
	[tilespmem:v15+s19+$0x0] =	vst.idx.add.f32.msk $0xffff, v35;
	v15 =	vshll.u32 v33, $0x8;
	v35 =	vshll.u32 v36, $0x3  }
0x237: {  	v33 =	vshll.u32 v33, $0x7;
	v15 =	vand.u32 $0xFFFFF800, v15;
	v35 =	vand.u32 $0xFFFFFC00, v35;
	[tilespmem:v38+s19+$0x0] =	vst.idx.add.f32.msk $0xffff, v34  }
0x238: {  	v33 =	vand.u32 $0x380, v33;
	v34 =	vld [tilespmem:s31+$0x320];
	v15 =	vadd.s32 v35, v15;
	v35 =	vadd.s32 s28, v21  }
0x239: {  	v38 =	vshll.u32 v41, $0x8;
	[tilespmem:v1+s19+$0x0] =	vst.idx.add.f32.msk $0xffff, v40;
	v1 =	vand.u32 $0x7F, v36;
	v15 =	vor.u32 v33, v15  }
0x23a: {  	v33 =	vshll.u32 v37, $0x3;
	v36 =	vshll.u32 v39, $0x8;
	v40 =	vld [tilespmem:s20+$0x760];
	v1 =	vor.u32 v1, v15  }
0x23b: {  	v45 =	vmov s9;
	v44 =	vmov s2;
	v43 =	vshll.u32 v18, $0x3;
	v15 =	vld [tilespmem:s29+$0x320]  }
0x23c: {  	v47 =	vshll.u32 v45, $0x3;
	v46 =	vshll.u32 v44, $0x8;
	v49 =	vshll.u32 v42, $0x8;
	v48 =	vld [tilespmem:s30+$0x320]  }
0x23d: {  	v47 =	vand.u32 $0xFFFFFC00, v47;
	v44 =	vshll.u32 v44, $0x7;
	v46 =	vand.u32 $0xFFFFF800, v46  }
0x23e: {  	v44 =	vand.u32 $0x380, v44;
	v46 =	vadd.s32 v47, v46;
	v47 =	vshll.u32 v35, $0x3  }
0x23f: {  	v38 =	vand.u32 $0xFFFFF800, v38;
	[tilespmem:v1+s19+$0x0] =	vst.idx.add.f32.msk $0xffff, v40;
	v1 =	vand.u32 $0x7F, v45;
	v40 =	vor.u32 v44, v46  }
0x240: {  	v33 =	vand.u32 $0xFFFFFC00, v33;
	v36 =	vand.u32 $0xFFFFF800, v36;
	v44 =	vld [tilespmem:s20+$0x770];
	v1 =	vor.u32 v1, v40  }
0x241: {  	v39 =	vshll.u32 v39, $0x7;
	v40 =	vshll.u32 v41, $0x7;
	v41 =	vand.u32 $0xFFFFFC00, v43  }
0x242: {  	v42 =	vshll.u32 v42, $0x7;
	v45 =	vand.u32 $0xFFFFFC00, v47;
	v43 =	vand.u32 $0xFFFFF800, v49  }
0x243: {  	v33 =	vadd.s32 v33, v38;
	v38 =	vand.u32 $0x380, v40;
	v36 =	vadd.s32 v41, v36  }
0x244: {  	v39 =	vand.u32 $0x380, v39;
	v40 =	vadd.s32 v45, v43;
	v41 =	vand.u32 $0x380, v42  }
0x245: {  	v37 =	vand.u32 $0x7F, v37;
	v33 =	vor.u32 v38, v33;
	v36 =	vor.u32 v39, v36;
	[tilespmem:v1+s19+$0x0] =	vst.idx.add.f32.msk $0xffff, v44  }
0x246: {  	v1 =	vand.u32 $0x7F, v18;
	v18 =	vand.u32 $0x7F, v35;
	v35 =	vor.u32 v41, v40  }
0x247: {  	v33 =	vor.u32 v37, v33;
	v1 =	vor.u32 v1, v36;
	v18 =	vor.u32 v18, v35  }
0x248: {  	v37 =	vadd.s32 s4, v5;
	v35 =	vadd.s32 s8, v5;
	v36 =	vadd.s32 s6, v22  }
0x249: {  	v38 =	vadd.s32 s25, v22;
	v39 =	vadd.s32 s26, v5;
	v40 =	vadd.s32 s28, v22  }
0x24a: {  	v43 =	vshll.u32 v37, $0x8;
	v41 =	vshll.u32 v35, $0x8;
	v42 =	vshll.u32 v36, $0x3  }
0x24b: {  	v45 =	vshll.u32 v39, $0x8;
	v44 =	vshll.u32 v38, $0x3;
	v46 =	vshll.u32 v40, $0x3  }
0x24c: {  	[tilespmem:v33+s19+$0x0] =	vst.idx.add.f32.msk $0xffff, v34;
	v33 =	vand.u32 $0xFFFFF800, v41;
	v34 =	vand.u32 $0xFFFFFC00, v42;
	v41 =	vand.u32 $0xFFFFF800, v43  }
0x24d: {  	v35 =	vshll.u32 v35, $0x7;
	[tilespmem:v1+s19+$0x0] =	vst.idx.add.f32.msk $0xffff, v15;
	v1 =	vand.u32 $0xFFFFFC00, v44;
	v15 =	vshll.u32 v37, $0x7  }
0x24e: {  	v39 =	vshll.u32 v39, $0x7;
	v37 =	vand.u32 $0xFFFFFC00, v46;
	[tilespmem:v18+s19+$0x0] =	vst.idx.add.f32.msk $0xffff, v48;
	v18 =	vand.u32 $0xFFFFF800, v45  }
0x24f: {  	v33 =	vadd.s32 v34, v33;
	v34 =	vand.u32 $0x380, v35;
	v1 =	vadd.s32 v1, v41;
	v42 =	vld [tilespmem:s31+$0x330]  }
0x250: {  	v15 =	vand.u32 $0x380, v15;
	v18 =	vadd.s32 v37, v18;
	v37 =	vand.u32 $0x380, v39;
	v35 =	vld [tilespmem:s29+$0x330]  }
0x251: {  	v33 =	vor.u32 v34, v33;
	v1 =	vor.u32 v15, v1;
	v18 =	vor.u32 v37, v18;
	v15 =	vld [tilespmem:s30+$0x330]  }
0x252: {  	v34 =	vand.u32 $0x7F, v36;
	v36 =	vand.u32 $0x7F, v38;
	v37 =	vand.u32 $0x7F, v40  }
0x253: {  	v33 =	vor.u32 v34, v33;
	v1 =	vor.u32 v36, v1;
	v18 =	vor.u32 v37, v18  }
0x254: {  	v34 =	vadd.s32 s8, v6;
	v36 =	vadd.s32 s6, v23;
	v37 =	vadd.s32 s4, v6  }
0x255: {  	v38 =	vadd.s32 s25, v23;
	v39 =	vadd.s32 s26, v6;
	v40 =	vadd.s32 s28, v23  }
0x256: {  	v41 =	vshll.u32 v34, $0x8;
	v43 =	vshll.u32 v36, $0x3;
	v44 =	vshll.u32 v37, $0x8  }
0x257: {  	v45 =	vshll.u32 v38, $0x3;
	v46 =	vshll.u32 v39, $0x8;
	v47 =	vshll.u32 v40, $0x3  }
0x258: {  	[tilespmem:v33+s19+$0x0] =	vst.idx.add.f32.msk $0xffff, v42;
	v33 =	vand.u32 $0xFFFFF800, v41;
	v41 =	vand.u32 $0xFFFFFC00, v43;
	v42 =	vand.u32 $0xFFFFF800, v44  }
0x259: {  	v34 =	vshll.u32 v34, $0x7;
	[tilespmem:v1+s19+$0x0] =	vst.idx.add.f32.msk $0xffff, v35;
	v1 =	vand.u32 $0xFFFFFC00, v45;
	v35 =	vshll.u32 v37, $0x7  }
0x25a: {  	v37 =	vshll.u32 v39, $0x7;
	[tilespmem:v18+s19+$0x0] =	vst.idx.add.f32.msk $0xffff, v15;
	v15 =	vand.u32 $0xFFFFF800, v46;
	v18 =	vand.u32 $0xFFFFFC00, v47  }
0x25b: {  	v34 =	vand.u32 $0x380, v34;
	v33 =	vadd.s32 v41, v33;
	v1 =	vadd.s32 v1, v42;
	v39 =	vld [tilespmem:s31+$0x340]  }
0x25c: {  	v35 =	vand.u32 $0x380, v35;
	v15 =	vadd.s32 v18, v15;
	v18 =	vand.u32 $0x380, v37;
	v41 =	vld [tilespmem:s29+$0x340]  }
0x25d: {  	v33 =	vor.u32 v34, v33;
	v1 =	vor.u32 v35, v1;
	v15 =	vor.u32 v18, v15;
	v34 =	vld [tilespmem:s30+$0x340]  }
0x25e: {  	v35 =	vand.u32 $0x7F, v38;
	v18 =	vand.u32 $0x7F, v36;
	v36 =	vand.u32 $0x7F, v40  }
0x25f: {  	v1 =	vor.u32 v35, v1;
	v18 =	vor.u32 v18, v33;
	v15 =	vor.u32 v36, v15  }
0x260: {  	v35 =	vadd.s32 s6, v24;
	v33 =	vadd.s32 s8, v7;
	v36 =	vadd.s32 s4, v7  }
0x261: {  	v37 =	vadd.s32 s25, v24;
	v38 =	vadd.s32 s26, v7;
	v40 =	vadd.s32 s28, v24  }
0x262: {  	v43 =	vshll.u32 v35, $0x3;
	v42 =	vshll.u32 v33, $0x8;
	v44 =	vshll.u32 v36, $0x8  }
0x263: {  	v45 =	vshll.u32 v37, $0x3;
	v46 =	vshll.u32 v38, $0x8;
	v47 =	vshll.u32 v40, $0x3  }
0x264: {  	[tilespmem:v18+s19+$0x0] =	vst.idx.add.f32.msk $0xffff, v39;
	v18 =	vand.u32 $0xFFFFF800, v42;
	v39 =	vand.u32 $0xFFFFFC00, v43;
	v42 =	vand.u32 $0xFFFFF800, v44  }
0x265: {  	v33 =	vshll.u32 v33, $0x7;
	v36 =	vshll.u32 v36, $0x7;
	[tilespmem:v1+s19+$0x0] =	vst.idx.add.f32.msk $0xffff, v41;
	v1 =	vand.u32 $0xFFFFFC00, v45  }
0x266: {  	v38 =	vshll.u32 v38, $0x7;
	[tilespmem:v15+s19+$0x0] =	vst.idx.add.f32.msk $0xffff, v34;
	v15 =	vand.u32 $0xFFFFF800, v46;
	v34 =	vand.u32 $0xFFFFFC00, v47  }
0x267: {  	v33 =	vand.u32 $0x380, v33;
	v18 =	vadd.s32 v39, v18;
	v1 =	vadd.s32 v1, v42;
	v41 =	vld [tilespmem:s31+$0x350]  }
0x268: {  	v36 =	vand.u32 $0x380, v36;
	v15 =	vadd.s32 v34, v15;
	v34 =	vand.u32 $0x380, v38;
	v39 =	vld [tilespmem:s29+$0x350]  }
0x269: {  	v18 =	vor.u32 v33, v18;
	v1 =	vor.u32 v36, v1;
	v15 =	vor.u32 v34, v15;
	v33 =	vld [tilespmem:s30+$0x350]  }
0x26a: {  	v36 =	vand.u32 $0x7F, v40;
	v34 =	vand.u32 $0x7F, v35;
	v35 =	vand.u32 $0x7F, v37  }
0x26b: {  	v18 =	vor.u32 v34, v18;
	v1 =	vor.u32 v35, v1;
	v15 =	vor.u32 v36, v15  }
0x26c: {  	v34 =	vadd.s32 s8, v8;
	v35 =	vadd.s32 s6, v9;
	v36 =	vadd.s32 s4, v8  }
0x26d: {  	v38 =	vadd.s32 s26, v8;
	v40 =	vadd.s32 s28, v9;
	v37 =	vadd.s32 s25, v9  }
0x26e: {  	v42 =	vshll.u32 v34, $0x8;
	v43 =	vshll.u32 v35, $0x3;
	v44 =	vshll.u32 v36, $0x8  }
0x26f: {  	v46 =	vshll.u32 v38, $0x8;
	v47 =	vshll.u32 v40, $0x3;
	v45 =	vshll.u32 v37, $0x3  }
0x270: {  	[tilespmem:v18+s19+$0x0] =	vst.idx.add.f32.msk $0xffff, v41;
	v18 =	vand.u32 $0xFFFFF800, v42;
	v41 =	vand.u32 $0xFFFFFC00, v43;
	v42 =	vand.u32 $0xFFFFF800, v44  }
0x271: {  	v34 =	vshll.u32 v34, $0x7;
	v36 =	vshll.u32 v36, $0x7;
	[tilespmem:v1+s19+$0x0] =	vst.idx.add.f32.msk $0xffff, v39;
	v1 =	vand.u32 $0xFFFFFC00, v45  }
0x272: {  	v38 =	vshll.u32 v38, $0x7;
	[tilespmem:v15+s19+$0x0] =	vst.idx.add.f32.msk $0xffff, v33;
	v15 =	vand.u32 $0xFFFFF800, v46;
	v33 =	vand.u32 $0xFFFFFC00, v47  }
0x273: {  	v34 =	vand.u32 $0x380, v34;
	v18 =	vadd.s32 v41, v18;
	v1 =	vadd.s32 v1, v42;
	v39 =	vld [tilespmem:s31+$0x360]  }
0x274: {  	v36 =	vand.u32 $0x380, v36;
	v15 =	vadd.s32 v33, v15;
	v33 =	vand.u32 $0x380, v38;
	v41 =	vld [tilespmem:s29+$0x360]  }
0x275: {  	v18 =	vor.u32 v34, v18;
	v1 =	vor.u32 v36, v1;
	v15 =	vor.u32 v33, v15;
	v34 =	vld [tilespmem:s30+$0x360]  }
0x276: {  	v36 =	vand.u32 $0x7F, v40;
	v33 =	vand.u32 $0x7F, v35;
	v35 =	vand.u32 $0x7F, v37  }
0x277: {  	v18 =	vor.u32 v33, v18;
	v1 =	vor.u32 v35, v1;
	v15 =	vor.u32 v36, v15  }
0x278: {  	v33 =	vadd.s32 s8, v25;
	v35 =	vadd.s32 s6, v10;
	v36 =	vadd.s32 s4, v25  }
0x279: {  	v38 =	vadd.s32 s26, v25;
	v40 =	vadd.s32 s28, v10;
	v37 =	vadd.s32 s25, v10  }
0x27a: {  	v42 =	vshll.u32 v33, $0x8;
	v43 =	vshll.u32 v35, $0x3;
	v44 =	vshll.u32 v36, $0x8  }
0x27b: {  	v46 =	vshll.u32 v38, $0x8;
	v47 =	vshll.u32 v40, $0x3;
	v45 =	vshll.u32 v37, $0x3  }
0x27c: {  	[tilespmem:v18+s19+$0x0] =	vst.idx.add.f32.msk $0xffff, v39;
	v18 =	vand.u32 $0xFFFFF800, v42;
	v39 =	vand.u32 $0xFFFFFC00, v43;
	v42 =	vand.u32 $0xFFFFF800, v44  }
0x27d: {  	v33 =	vshll.u32 v33, $0x7;
	v36 =	vshll.u32 v36, $0x7;
	[tilespmem:v1+s19+$0x0] =	vst.idx.add.f32.msk $0xffff, v41;
	v1 =	vand.u32 $0xFFFFFC00, v45  }
0x27e: {  	v38 =	vshll.u32 v38, $0x7;
	[tilespmem:v15+s19+$0x0] =	vst.idx.add.f32.msk $0xffff, v34;
	v15 =	vand.u32 $0xFFFFF800, v46;
	v34 =	vand.u32 $0xFFFFFC00, v47  }
0x27f: {  	v33 =	vand.u32 $0x380, v33;
	v18 =	vadd.s32 v39, v18;
	v1 =	vadd.s32 v1, v42;
	v41 =	vld [tilespmem:s31+$0x370]  }
0x280: {  	v36 =	vand.u32 $0x380, v36;
	v15 =	vadd.s32 v34, v15;
	v34 =	vand.u32 $0x380, v38;
	v39 =	vld [tilespmem:s29+$0x370]  }
0x281: {  	v18 =	vor.u32 v33, v18;
	v1 =	vor.u32 v36, v1;
	v15 =	vor.u32 v34, v15;
	v33 =	vld [tilespmem:s30+$0x370]  }
0x282: {  	v36 =	vand.u32 $0x7F, v40;
	v34 =	vand.u32 $0x7F, v35;
	v35 =	vand.u32 $0x7F, v37  }
0x283: {  	v18 =	vor.u32 v34, v18;
	v1 =	vor.u32 v35, v1;
	v15 =	vor.u32 v36, v15  }
0x284: {  	v34 =	vadd.s32 s8, v11;
	v35 =	vadd.s32 s6, v26;
	v36 =	vadd.s32 s4, v11  }
0x285: {  	v38 =	vadd.s32 s26, v11;
	v40 =	vadd.s32 s28, v26;
	v37 =	vadd.s32 s25, v26  }
0x286: {  	v42 =	vshll.u32 v34, $0x8;
	v43 =	vshll.u32 v35, $0x3;
	v44 =	vshll.u32 v36, $0x8  }
0x287: {  	v46 =	vshll.u32 v38, $0x8;
	v47 =	vshll.u32 v40, $0x3;
	v45 =	vshll.u32 v37, $0x3  }
0x288: {  	[tilespmem:v18+s19+$0x0] =	vst.idx.add.f32.msk $0xffff, v41;
	v18 =	vand.u32 $0xFFFFF800, v42;
	v41 =	vand.u32 $0xFFFFFC00, v43;
	v42 =	vand.u32 $0xFFFFF800, v44  }
0x289: {  	v34 =	vshll.u32 v34, $0x7;
	v36 =	vshll.u32 v36, $0x7;
	[tilespmem:v1+s19+$0x0] =	vst.idx.add.f32.msk $0xffff, v39;
	v1 =	vand.u32 $0xFFFFFC00, v45  }
0x28a: {  	v38 =	vshll.u32 v38, $0x7;
	[tilespmem:v15+s19+$0x0] =	vst.idx.add.f32.msk $0xffff, v33;
	v15 =	vand.u32 $0xFFFFF800, v46;
	v33 =	vand.u32 $0xFFFFFC00, v47  }
0x28b: {  	v34 =	vand.u32 $0x380, v34;
	v18 =	vadd.s32 v41, v18;
	v1 =	vadd.s32 v1, v42;
	v39 =	vld [tilespmem:s31+$0x700]  }
0x28c: {  	v36 =	vand.u32 $0x380, v36;
	v15 =	vadd.s32 v33, v15;
	v33 =	vand.u32 $0x380, v38;
	v41 =	vld [tilespmem:s29+$0x700]  }
0x28d: {  	v18 =	vor.u32 v34, v18;
	v1 =	vor.u32 v36, v1;
	v15 =	vor.u32 v33, v15;
	v34 =	vld [tilespmem:s30+$0x700]  }
0x28e: {  	v36 =	vand.u32 $0x7F, v40;
	v33 =	vand.u32 $0x7F, v35;
	v35 =	vand.u32 $0x7F, v37  }
0x28f: {  	v18 =	vor.u32 v33, v18;
	v1 =	vor.u32 v35, v1;
	v15 =	vor.u32 v36, v15  }
0x290: {  	v33 =	vadd.s32 s8, v12;
	v35 =	vadd.s32 s6, v27;
	v36 =	vadd.s32 s4, v12  }
0x291: {  	v38 =	vadd.s32 s26, v12;
	v40 =	vadd.s32 s28, v27;
	v37 =	vadd.s32 s25, v27  }
0x292: {  	v42 =	vshll.u32 v33, $0x8;
	v43 =	vshll.u32 v35, $0x3;
	v44 =	vshll.u32 v36, $0x8  }
0x293: {  	v46 =	vshll.u32 v38, $0x8;
	v47 =	vshll.u32 v40, $0x3;
	v45 =	vshll.u32 v37, $0x3  }
0x294: {  	[tilespmem:v18+s19+$0x0] =	vst.idx.add.f32.msk $0xffff, v39;
	v18 =	vand.u32 $0xFFFFF800, v42;
	v39 =	vand.u32 $0xFFFFFC00, v43;
	v42 =	vand.u32 $0xFFFFF800, v44  }
0x295: {  	v33 =	vshll.u32 v33, $0x7;
	v36 =	vshll.u32 v36, $0x7;
	[tilespmem:v1+s19+$0x0] =	vst.idx.add.f32.msk $0xffff, v41;
	v1 =	vand.u32 $0xFFFFFC00, v45  }
0x296: {  	v38 =	vshll.u32 v38, $0x7;
	[tilespmem:v15+s19+$0x0] =	vst.idx.add.f32.msk $0xffff, v34;
	v15 =	vand.u32 $0xFFFFF800, v46;
	v34 =	vand.u32 $0xFFFFFC00, v47  }
0x297: {  	v33 =	vand.u32 $0x380, v33;
	v18 =	vadd.s32 v39, v18;
	v1 =	vadd.s32 v1, v42;
	v41 =	vld [tilespmem:s31+$0x710]  }
0x298: {  	v36 =	vand.u32 $0x380, v36;
	v15 =	vadd.s32 v34, v15;
	v34 =	vand.u32 $0x380, v38;
	v39 =	vld [tilespmem:s29+$0x710]  }
0x299: {  	v18 =	vor.u32 v33, v18;
	v1 =	vor.u32 v36, v1;
	v15 =	vor.u32 v34, v15;
	v33 =	vld [tilespmem:s30+$0x710]  }
0x29a: {  	v36 =	vand.u32 $0x7F, v40;
	v34 =	vand.u32 $0x7F, v35;
	v35 =	vand.u32 $0x7F, v37  }
0x29b: {  	v18 =	vor.u32 v34, v18;
	v1 =	vor.u32 v35, v1;
	v15 =	vor.u32 v36, v15  }
0x29c: {  	v34 =	vadd.s32 s8, v13;
	v35 =	vadd.s32 s6, v28;
	v36 =	vadd.s32 s4, v13  }
0x29d: {  	v38 =	vadd.s32 s26, v13;
	v40 =	vadd.s32 s28, v28;
	v37 =	vadd.s32 s25, v28  }
0x29e: {  	v42 =	vshll.u32 v34, $0x8;
	v43 =	vshll.u32 v35, $0x3;
	v44 =	vshll.u32 v36, $0x8  }
0x29f: {  	v46 =	vshll.u32 v38, $0x8;
	v47 =	vshll.u32 v40, $0x3;
	v45 =	vshll.u32 v37, $0x3  }
0x2a0: {  	[tilespmem:v18+s19+$0x0] =	vst.idx.add.f32.msk $0xffff, v41;
	v18 =	vand.u32 $0xFFFFF800, v42;
	v41 =	vand.u32 $0xFFFFFC00, v43;
	v42 =	vand.u32 $0xFFFFF800, v44  }
0x2a1: {  	v34 =	vshll.u32 v34, $0x7;
	v36 =	vshll.u32 v36, $0x7;
	[tilespmem:v1+s19+$0x0] =	vst.idx.add.f32.msk $0xffff, v39;
	v1 =	vand.u32 $0xFFFFFC00, v45  }
0x2a2: {  	v38 =	vshll.u32 v38, $0x7;
	[tilespmem:v15+s19+$0x0] =	vst.idx.add.f32.msk $0xffff, v33;
	v15 =	vand.u32 $0xFFFFF800, v46;
	v33 =	vand.u32 $0xFFFFFC00, v47  }
0x2a3: {  	v34 =	vand.u32 $0x380, v34;
	v18 =	vadd.s32 v41, v18;
	v1 =	vadd.s32 v1, v42;
	v39 =	vld [tilespmem:s31+$0x720]  }
0x2a4: {  	v36 =	vand.u32 $0x380, v36;
	v15 =	vadd.s32 v33, v15;
	v33 =	vand.u32 $0x380, v38;
	v41 =	vld [tilespmem:s29+$0x720]  }
0x2a5: {  	v18 =	vor.u32 v34, v18;
	v1 =	vor.u32 v36, v1;
	v15 =	vor.u32 v33, v15;
	v34 =	vld [tilespmem:s30+$0x720]  }
0x2a6: {  	v36 =	vand.u32 $0x7F, v40;
	v33 =	vand.u32 $0x7F, v35;
	v35 =	vand.u32 $0x7F, v37  }
0x2a7: {  	v18 =	vor.u32 v33, v18;
	v1 =	vor.u32 v35, v1;
	v15 =	vor.u32 v36, v15  }
0x2a8: {  	v33 =	vadd.s32 s8, v14;
	v35 =	vadd.s32 s6, v29;
	v36 =	vadd.s32 s4, v14  }
0x2a9: {  	v38 =	vadd.s32 s26, v14;
	v40 =	vadd.s32 s28, v29;
	v37 =	vadd.s32 s25, v29  }
0x2aa: {  	v42 =	vshll.u32 v33, $0x8;
	v43 =	vshll.u32 v35, $0x3;
	v44 =	vshll.u32 v36, $0x8  }
0x2ab: {  	v46 =	vshll.u32 v38, $0x8;
	v47 =	vshll.u32 v40, $0x3;
	v45 =	vshll.u32 v37, $0x3  }
0x2ac: {  	[tilespmem:v18+s19+$0x0] =	vst.idx.add.f32.msk $0xffff, v39;
	v18 =	vand.u32 $0xFFFFF800, v42;
	v39 =	vand.u32 $0xFFFFFC00, v43;
	v42 =	vand.u32 $0xFFFFF800, v44  }
0x2ad: {  	v33 =	vshll.u32 v33, $0x7;
	v36 =	vshll.u32 v36, $0x7;
	[tilespmem:v1+s19+$0x0] =	vst.idx.add.f32.msk $0xffff, v41;
	v1 =	vand.u32 $0xFFFFFC00, v45  }
0x2ae: {  	v38 =	vshll.u32 v38, $0x7;
	[tilespmem:v15+s19+$0x0] =	vst.idx.add.f32.msk $0xffff, v34;
	v15 =	vand.u32 $0xFFFFF800, v46;
	v34 =	vand.u32 $0xFFFFFC00, v47  }
0x2af: {  	v33 =	vand.u32 $0x380, v33;
	v18 =	vadd.s32 v39, v18;
	v1 =	vadd.s32 v1, v42;
	v41 =	vld [tilespmem:s31+$0x730]  }
0x2b0: {  	v36 =	vand.u32 $0x380, v36;
	v15 =	vadd.s32 v34, v15;
	v34 =	vand.u32 $0x380, v38;
	v39 =	vld [tilespmem:s29+$0x730]  }
0x2b1: {  	v18 =	vor.u32 v33, v18;
	v1 =	vor.u32 v36, v1;
	v15 =	vor.u32 v34, v15;
	v33 =	vld [tilespmem:s30+$0x730]  }
0x2b2: {  	v36 =	vand.u32 $0x7F, v40;
	v34 =	vand.u32 $0x7F, v35;
	v35 =	vand.u32 $0x7F, v37  }
0x2b3: {  	v18 =	vor.u32 v34, v18;
	v1 =	vor.u32 v35, v1;
	v15 =	vor.u32 v36, v15  }
0x2b4: {  	v34 =	vadd.s32 s8, v16;
	v35 =	vadd.s32 s6, v30;
	v36 =	vadd.s32 s4, v16  }
0x2b5: {  	v38 =	vadd.s32 s26, v16;
	v40 =	vadd.s32 s28, v30;
	v37 =	vadd.s32 s25, v30  }
0x2b6: {  	v42 =	vshll.u32 v34, $0x8;
	v43 =	vshll.u32 v35, $0x3;
	v44 =	vshll.u32 v36, $0x8  }
0x2b7: {  	v46 =	vshll.u32 v38, $0x8;
	v47 =	vshll.u32 v40, $0x3;
	v45 =	vshll.u32 v37, $0x3  }
0x2b8: {  	[tilespmem:v18+s19+$0x0] =	vst.idx.add.f32.msk $0xffff, v41;
	v18 =	vand.u32 $0xFFFFF800, v42;
	v41 =	vand.u32 $0xFFFFFC00, v43;
	v42 =	vand.u32 $0xFFFFF800, v44  }
0x2b9: {  	v34 =	vshll.u32 v34, $0x7;
	v36 =	vshll.u32 v36, $0x7;
	[tilespmem:v1+s19+$0x0] =	vst.idx.add.f32.msk $0xffff, v39;
	v1 =	vand.u32 $0xFFFFFC00, v45  }
0x2ba: {  	v38 =	vshll.u32 v38, $0x7;
	[tilespmem:v15+s19+$0x0] =	vst.idx.add.f32.msk $0xffff, v33;
	v15 =	vand.u32 $0xFFFFF800, v46;
	v33 =	vand.u32 $0xFFFFFC00, v47  }
0x2bb: {  	v34 =	vand.u32 $0x380, v34;
	v18 =	vadd.s32 v41, v18;
	v1 =	vadd.s32 v1, v42;
	v39 =	vld [tilespmem:s31+$0x740]  }
0x2bc: {  	v36 =	vand.u32 $0x380, v36;
	v15 =	vadd.s32 v33, v15;
	v33 =	vand.u32 $0x380, v38;
	v41 =	vld [tilespmem:s29+$0x740]  }
0x2bd: {  	v18 =	vor.u32 v34, v18;
	v1 =	vor.u32 v36, v1;
	v15 =	vor.u32 v33, v15;
	v34 =	vld [tilespmem:s30+$0x740]  }
0x2be: {  	v36 =	vand.u32 $0x7F, v40;
	v33 =	vand.u32 $0x7F, v35;
	v35 =	vand.u32 $0x7F, v37  }
0x2bf: {  	v18 =	vor.u32 v33, v18;
	v1 =	vor.u32 v35, v1;
	v15 =	vor.u32 v36, v15  }
0x2c0: {  	v33 =	vadd.s32 s8, v17;
	v35 =	vadd.s32 s6, v31;
	v36 =	vadd.s32 s4, v17  }
0x2c1: {  	v38 =	vadd.s32 s26, v17;
	v40 =	vadd.s32 s28, v31;
	v37 =	vadd.s32 s25, v31  }
0x2c2: {  	v42 =	vshll.u32 v33, $0x8;
	v43 =	vshll.u32 v35, $0x3;
	v44 =	vshll.u32 v36, $0x8  }
0x2c3: {  	v46 =	vshll.u32 v38, $0x8;
	v47 =	vshll.u32 v40, $0x3;
	v45 =	vshll.u32 v37, $0x3  }
0x2c4: {  	[tilespmem:v18+s19+$0x0] =	vst.idx.add.f32.msk $0xffff, v39;
	v18 =	vand.u32 $0xFFFFF800, v42;
	v39 =	vand.u32 $0xFFFFFC00, v43;
	v42 =	vand.u32 $0xFFFFF800, v44  }
0x2c5: {  	v33 =	vshll.u32 v33, $0x7;
	v36 =	vshll.u32 v36, $0x7;
	[tilespmem:v1+s19+$0x0] =	vst.idx.add.f32.msk $0xffff, v41;
	v1 =	vand.u32 $0xFFFFFC00, v45  }
0x2c6: {  	v38 =	vshll.u32 v38, $0x7;
	[tilespmem:v15+s19+$0x0] =	vst.idx.add.f32.msk $0xffff, v34;
	v15 =	vand.u32 $0xFFFFF800, v46;
	v34 =	vand.u32 $0xFFFFFC00, v47  }
0x2c7: {  	v33 =	vand.u32 $0x380, v33;
	v18 =	vadd.s32 v39, v18;
	v1 =	vadd.s32 v1, v42;
	v41 =	vld [tilespmem:s31+$0x750]  }
0x2c8: {  	v36 =	vand.u32 $0x380, v36;
	v15 =	vadd.s32 v34, v15;
	v34 =	vand.u32 $0x380, v38;
	v39 =	vld [tilespmem:s29+$0x750]  }
0x2c9: {  	v18 =	vor.u32 v33, v18;
	v1 =	vor.u32 v36, v1;
	v15 =	vor.u32 v34, v15;
	v33 =	vld [tilespmem:s30+$0x750]  }
0x2ca: {  	v36 =	vand.u32 $0x7F, v40;
	v34 =	vand.u32 $0x7F, v35;
	v35 =	vand.u32 $0x7F, v37  }
0x2cb: {  	v18 =	vor.u32 v34, v18;
	v1 =	vor.u32 v35, v1;
	v15 =	vor.u32 v36, v15  }
0x2cc: {  	v37 =	vadd.s32 s6, v32;
	v34 =	vadd.s32 s8, v32;
	v35 =	vadd.s32 s4, v32  }
0x2cd: {  	v38 =	vadd.s32 s25, v32;
	v40 =	vadd.s32 s28, v32;
	v36 =	vadd.s32 s26, v32  }
0x2ce: {  	v43 =	vshll.u32 v37, $0x3;
	v42 =	vshll.u32 v34, $0x8;
	v44 =	vshll.u32 v35, $0x8  }
0x2cf: {  	v45 =	vshll.u32 v38, $0x3;
	v47 =	vshll.u32 v40, $0x3;
	v46 =	vshll.u32 v36, $0x8  }
0x2d0: {  	[tilespmem:v18+s19+$0x0] =	vst.idx.add.f32.msk $0xffff, v41;
	v18 =	vand.u32 $0xFFFFF800, v42;
	v41 =	vand.u32 $0xFFFFFC00, v43;
	v42 =	vand.u32 $0xFFFFF800, v44  }
0x2d1: {  	v34 =	vshll.u32 v34, $0x7;
	[tilespmem:v1+s19+$0x0] =	vst.idx.add.f32.msk $0xffff, v39;
	v1 =	vand.u32 $0xFFFFFC00, v45;
	v39 =	vshll.u32 v35, $0x7  }
0x2d2: {  	v43 =	vshll.u32 v36, $0x7;
	[tilespmem:v15+s19+$0x0] =	vst.idx.add.f32.msk $0xffff, v33;
	v15 =	vand.u32 $0xFFFFF800, v46;
	v33 =	vand.u32 $0xFFFFFC00, v47  }
0x2d3: {  	v34 =	vand.u32 $0x380, v34;
	v18 =	vadd.s32 v41, v18;
	v1 =	vadd.s32 v1, v42;
	v36 =	vld [tilespmem:s31+$0x760]  }
.Ltmp1:
0x2d4: {  	v39 =	vand.u32 $0x380, v39;
	v15 =	vadd.s32 v33, v15;
	v33 =	vand.u32 $0x380, v43;
	v35 =	vld [tilespmem:s29+$0x760];
	(pc) =	sbr.rel @p0 .LBB2_5-.Ltmp1, $4  }
0x2d5: {  	v18 =	vor.u32 v34, v18;
	v1 =	vor.u32 v39, v1;
	v15 =	vor.u32 v33, v15;
	v34 =	vld [tilespmem:s30+$0x760]  }
0x2d6: {  	v39 =	vand.u32 $0x7F, v40;
	v33 =	vand.u32 $0x7F, v37;
	v37 =	vand.u32 $0x7F, v38  }
0x2d7: {  	v40 =	vor.u32 v33, v18;
	v38 =	vor.u32 v37, v1;
	v37 =	vor.u32 v39, v15  }
0x2d8: {  	s0 =	sadd.s32 $0x1, s0;
	v41 =	vmov s4;
	v39 =	vmov s8;
	v33 =	vmov s6  }
0x2d9: {  	v1 =	vmov s25;
	v15 =	vmov s26  }
0x2da: {  	v18 =	vmov s28;
	v42 =	vshll.u32 v39, $0x8;
	v43 =	vshll.u32 v33, $0x3  }
0x2db: {  	v44 =	vshll.u32 v41, $0x8;
	v53 =	vshll.u32 v39, $0x7;
	v54 =	vshll.u32 v41, $0x7  }
0x2dc: {  	v60 =	vand.u32 $0x7F, v33;
	v45 =	vshll.u32 v1, $0x3;
	v46 =	vshll.u32 v15, $0x8  }
0x2dd: {  	v47 =	vshll.u32 v18, $0x3;
	v42 =	vand.u32 $0xFFFFF800, v42;
	v43 =	vand.u32 $0xFFFFFC00, v43  }
0x2de: {  	v44 =	vand.u32 $0xFFFFF800, v44;
	v15 =	vshll.u32 v15, $0x7;
	v39 =	vand.u32 $0x380, v53  }
0x2df: {  	[tilespmem:v40+s19+$0x0] =	vst.idx.add.f32.msk $0xffff, v36;
	v57 =	vand.u32 $0x380, v54;
	v1 =	vand.u32 $0x7F, v1;
	v45 =	vand.u32 $0xFFFFFC00, v45  }
0x2e0: {  	[tilespmem:v38+s19+$0x0] =	vst.idx.add.f32.msk $0xffff, v35;
	v46 =	vand.u32 $0xFFFFF800, v46;
	v47 =	vand.u32 $0xFFFFFC00, v47;
	v55 =	vadd.s32 v43, v42  }
0x2e1: {  	[tilespmem:v37+s19+$0x0] =	vst.idx.add.f32.msk $0xffff, v34;
	v15 =	vand.u32 $0x380, v15;
	v56 =	vadd.s32 v45, v44;
	v59 =	vor.u32 v39, v55  }
0x2e2: {  	s0 =	sadd.s32 $0x40, s24;
	s1 =	simm.s32 $0x1;
	v61 =	vld [tilespmem:s31+$0x770];
	v58 =	vadd.s32 v47, v46;
	v35 =	vor.u32 v57, v56;
	v33 =	vor.u32 v60, v59  }
0x2e3: {  	s2 =	simm.s32 $0xFFFFFF6C;
	s23 =	sadd.s32 $0x1, s23;
	v62 =	vld [tilespmem:s29+$0x770];
	v18 =	vand.u32 $0x7F, v18;
	p0 =	sgt.s32 s0, $0x93;
	v15 =	vor.u32 v15, v58;
	v1 =	vor.u32 v1, v35  }
0x2e4: {  	v63 =	vld [tilespmem:s30+$0x770];
	s1 =	simm.s32 @!p0 $0x0;
	s2 =	simm.s32 @!p0 $0x0;
	p0 =	sne.s32 s23, $0xB;
	v15 =	vor.u32 v18, v15  }
.Ltmp2:
0x2e5: {  	_ = 	snop;
	(pc) =	sbr.rel @p0 .LBB2_4-.Ltmp2, $4  }
0x2e6: {  	_ = 	snop  }
0x2e7: {  	[tilespmem:v33+s19+$0x0] =	vst.idx.add.f32.msk $0xffff, v61  }
0x2e8: {  	[tilespmem:v1+s19+$0x0] =	vst.idx.add.f32.msk $0xffff, v62  }
0x2e9: {  	s22 =	sadd.s32 s1, s22;
	s24 =	sadd.s32 s0, s2;
	[tilespmem:v15+s19+$0x0] =	vst.idx.add.f32.msk $0xffff, v63  }
0x2ea: {  	s8 =	simm.s32 $0x0;
	s0 =	rddreg [dreg:$0x5];
	s2 =	simm.s32 $0x2  }
0x2eb: {  	[hbm4b:s0+s8] =	stream.linear.scatter [tilespmem:s19], [sflag:$0x2], $0xB000, $0x38;
	[tilespmem:$0xF300] =	vst v63  }
0x2ec: {  	_ =	swait.ge [sflag:s2], $0xB000  }
0x2ed: {  	s1 =	rddreg [dreg:$0x7]  }
0x2ee: {  	s31 =	rddreg [dreg:$0x6];
	s1 =	sadd.s32 $0x1, s1  }
0x2ef: {  	p0 =	sne.s32 s1, s31  }
.Ltmp3:
0x2f0: {  	_ = 	snop;
	(pc) =	sbr.rel @p0 .LBB2_1-.Ltmp3, $3  }
0x2f1: {  	_ =	sdelay $0x1  }
0x2f2: {  	[sflag:s2] =	ssyncset.done $0x0  }
0x2f3: {  	[sflag:s2] =	ssyncadd.s32 $0xFFFF5000  }
0x2f4: {  	_ =	sfence.sel $0x180000  }
0x2f5: {  	[bflag:$0x0] =	sbarrier.arrive $0xFFFF  }
0x2f6: {  	_ =	strace $0x90000047  }
0x2f7: {  	s0 =	stileid.u32;
	[bflag:$0x2] =	sbarrier.arrive $0xFFFF  }
0x2f8: {  	p0 =	sne.s32 s0, $0x0;
	s0 =	rddreg [dreg:$0x1]  }
0x2f9: {  	s0 =	sadd.s32 @!p0 $0x100000, s0  }
0x2fa: {  	[sflag:s0] =	ssyncadd.tile.s32 @!p0 $0x1;
	_ =	shalt  }
.Lfunc_end2:
_tile_overlayer_lowered:
.L_overlay_start_2:
0x2fb: {  	(tag) =	ssettag $0x2  }
0x2fc: {  	s0 =	rddreg [dreg:$0x0];
	s2 =	stileid.u32  }
0x2fd: {  	s1 =	rddreg [dreg:$0x1];
	p0 =	sne.s32 s2, $0x0  }
0x2fe: {  	s3 =	rddreg [dreg:$0x2];
	[bflag:$0x3] =	sbarrier.arrive $0xFFFF;
	s2 =	simm.s32 @!p0 $0x1C02  }
0x2ff: {  	[timem:s3], [sflag:s2] =	dma.local @!p0 [hbm:s0], s1  }
0x300: {  	s0 =	simm.s32 @!p0 $0x2  }
0x301: {  	_ =	swait.ge @!p0 [sflag:s0], s1  }
0x302: {  	s1 =	ssub.s32 @!p0 $0x0, s1;
	[sflag:s0] =	ssyncset.done @!p0 $0x0  }
0x303: {  	[sflag:s0] =	ssyncadd.s32 @!p0 s1  }
0x304: {  	[bflag:$0x3] =	sbarrier.arrive $0xFFFF  }
0x305: {  	_ =	shalt  }

</sc_bundles>
